<compile_context>
chip_gen: v7x
topology: tpu7x:2x2x1
jax: 0.10.2.dev20260603
libtpu: 0.0.44.dev20260713+nightly
codegen_flags: <defaults>
</compile_context>

<pallas_src>
import functools

import jax
import jax.numpy as jnp
from jax import lax
from jax.experimental import pallas as pl
from jax.experimental.pallas import tpu as pltpu
from jax.experimental.pallas import tpu_sc as plsc

N_NODES = 10000
N_EDGES = 320000
F_IN = 128
HIDDEN = 16
N_CLASSES = 40

NC = 2
NS = 16
LANES = 16
NW = NC * NS

CHUNK = 128
E_ROWS = N_EDGES // CHUNK
N_PAD = 10112
ROWS_PER_SUB = N_PAD // NS


def _sc_mesh():
    return plsc.VectorSubcoreMesh(core_axis_name="c", subcore_axis_name="s")



PROP_N0, PROP_L0 = 112, 72
PROP_N1, PROP_L1 = 48, 28
PROP_BASE1 = 15 * PROP_N0 + PROP_L0
DEG_N, DEG_L0, DEG_L1 = 80, 56, 44
DEG_BASE1 = 15 * DEG_N + DEG_L0
ROWS_MAX = PROP_N0


def _edge_windows(cid, sid, n0, l0, n1, l1, base1):
    last = sid == NS - 1
    nrows = jnp.where(cid == 0,
                      jnp.where(last, l0, n0),
                      jnp.where(last, l1, n1))
    base = jnp.where(cid == 0, sid * n0, base1 + sid * n1)
    return pl.multiple_of(base, 8), nrows


@functools.partial(
    pl.kernel,
    mesh=_sc_mesh(),
    compiler_params=pltpu.CompilerParams(use_tc_tiling_on_sc=False),
    out_type=jax.ShapeDtypeStruct((NC, N_PAD, LANES), jnp.float32),
    scratch_types=[
        pltpu.VMEM((DEG_N, CHUNK), jnp.int32),
        pltpu.VMEM((CHUNK, LANES), jnp.float32),
        pltpu.VMEM_SHARED((N_PAD, LANES), jnp.float32),
    ],
)
def _deg_kernel(e_hbm, ones_hbm, zeros_hbm, out_hbm, dst_v, ones_v, acc):
    cid = lax.axis_index("c")
    sid = lax.axis_index("s")
    r0 = pl.multiple_of(sid * ROWS_PER_SUB, 8)
    base, nrows = _edge_windows(cid, sid, DEG_N, DEG_L0, DEG_N, DEG_L1,
                                DEG_BASE1)
    pltpu.sync_copy(zeros_hbm.at[pl.ds(r0, ROWS_PER_SUB)],
                    acc.at[pl.ds(r0, ROWS_PER_SUB)])
    pltpu.sync_copy(ones_hbm, ones_v)
    is_tail = jnp.logical_and(cid == 1, sid == NS - 1)

    @pl.when(jnp.logical_not(is_tail))
    def _():
        pltpu.sync_copy(e_hbm.at[1, pl.ds(base, DEG_N)], dst_v)

    @pl.when(is_tail)
    def _():
        pltpu.sync_copy(e_hbm.at[1, pl.ds(base, DEG_L1)],
                        dst_v.at[pl.ds(0, DEG_L1)])

    plsc.subcore_barrier()

    def body(j, carry):
        pltpu.sync_copy(ones_v, acc.at[dst_v.at[j]], add=True)
        return carry

    lax.fori_loop(0, nrows, body, 0)
    plsc.subcore_barrier()
    pltpu.sync_copy(acc.at[pl.ds(r0, ROWS_PER_SUB)],
                    out_hbm.at[cid, pl.ds(r0, ROWS_PER_SUB)])


NBUF = 4


def _make_prop_kernel(feat):
    @functools.partial(
        pl.kernel,
        mesh=_sc_mesh(),
        compiler_params=pltpu.CompilerParams(use_tc_tiling_on_sc=False),
        out_type=jax.ShapeDtypeStruct((NC, N_PAD, feat), jnp.float32),
        scratch_types=[
            pltpu.VMEM((ROWS_MAX, CHUNK), jnp.int32),
            pltpu.VMEM((ROWS_MAX, CHUNK), jnp.int32),
            [pltpu.VMEM((CHUNK, feat), jnp.float32) for _ in range(NBUF)],
            pltpu.VMEM_SHARED((N_PAD, feat), jnp.float32),
            [pltpu.SemaphoreType.DMA for _ in range(NBUF)],
        ],
    )
    def prop(h_hbm, e_hbm, zeros_hbm, out_hbm,
             src_v, dst_v, rows, acc, gsems):
        cid = lax.axis_index("c")
        sid = lax.axis_index("s")
        r0 = pl.multiple_of(sid * ROWS_PER_SUB, 8)
        base, nrows = _edge_windows(cid, sid, PROP_N0, PROP_L0, PROP_N1,
                                    PROP_L1, PROP_BASE1)
        pltpu.sync_copy(zeros_hbm.at[pl.ds(r0, ROWS_PER_SUB)],
                        acc.at[pl.ds(r0, ROWS_PER_SUB)])
        on_c0 = cid == 0
        on_c1_body = jnp.logical_and(cid == 1, sid < NS - 1)
        on_c1_tail = jnp.logical_and(cid == 1, sid == NS - 1)

        @pl.when(on_c0)
        def _():
            pltpu.sync_copy(e_hbm.at[0, pl.ds(base, PROP_N0)], src_v)
            pltpu.sync_copy(e_hbm.at[1, pl.ds(base, PROP_N0)], dst_v)

        @pl.when(on_c1_body)
        def _():
            pltpu.sync_copy(e_hbm.at[0, pl.ds(base, PROP_N1)],
                            src_v.at[pl.ds(0, PROP_N1)])
            pltpu.sync_copy(e_hbm.at[1, pl.ds(base, PROP_N1)],
                            dst_v.at[pl.ds(0, PROP_N1)])

        @pl.when(on_c1_tail)
        def _():
            pltpu.sync_copy(e_hbm.at[0, pl.ds(base, PROP_L1)],
                            src_v.at[pl.ds(0, PROP_L1)])
            pltpu.sync_copy(e_hbm.at[1, pl.ds(base, PROP_L1)],
                            dst_v.at[pl.ds(0, PROP_L1)])

        plsc.subcore_barrier()

        for b in range(NBUF):
            pltpu.async_copy(h_hbm.at[src_v.at[b]], rows[b], gsems[b])

        def body(j, carry):
            for b in range(NBUF):
                pltpu.make_async_copy(h_hbm.at[src_v.at[j + b]],
                                      rows[b], gsems[b]).wait()
                pltpu.sync_copy(rows[b], acc.at[dst_v.at[j + b]], add=True)
                pltpu.async_copy(h_hbm.at[src_v.at[j + b + NBUF]],
                                 rows[b], gsems[b])
            return carry

        lax.fori_loop(0, nrows // NBUF - 1, lambda i, c: body(i * NBUF, c), 0)
        j0 = nrows - NBUF
        for b in range(NBUF):
            pltpu.make_async_copy(h_hbm.at[src_v.at[j0 + b]],
                                  rows[b], gsems[b]).wait()
            pltpu.sync_copy(rows[b], acc.at[dst_v.at[j0 + b]], add=True)

        plsc.subcore_barrier()
        pltpu.sync_copy(acc.at[pl.ds(r0, ROWS_PER_SUB)],
                        out_hbm.at[cid, pl.ds(r0, ROWS_PER_SUB)])

    return prop


_prop16 = _make_prop_kernel(HIDDEN)



def _dinv_from_deg(deg_ref):
    deg = deg_ref[0, :, 0:1] + deg_ref[1, :, 0:1]
    return lax.rsqrt(deg + 1.0)


def _tc1_body(x_ref, w_ref, deg_ref, out_ref):
    dinv = _dinv_from_deg(deg_ref)
    h = jnp.dot(x_ref[...], w_ref[...], preferred_element_type=jnp.float32)
    out_ref[0:N_NODES] = h * dinv[0:N_NODES]


_tc1 = pl.pallas_call(
    _tc1_body, out_shape=jax.ShapeDtypeStruct((N_PAD, HIDDEN), jnp.float32))


def _tc2_body(s_ref, h_ref, deg_ref, b_ref, out_ref):
    dinv = lax.rsqrt(deg_ref[0] + deg_ref[1] + 1.0)
    z = dinv * (s_ref[0] + s_ref[1] + h_ref[...]) + b_ref[...]
    out_ref[...] = jnp.maximum(z, 0.0) * dinv


_tc2 = pl.pallas_call(
    _tc2_body, out_shape=jax.ShapeDtypeStruct((N_PAD // 8, 128), jnp.float32))


def _tc3_body(s_ref, h_ref, deg_ref, w_ref, b_ref, out_ref):
    dinv = _dinv_from_deg(deg_ref)
    pz = dinv * (s_ref[0] + s_ref[1] + h_ref[...])
    logits = jnp.dot(pz, w_ref[...], preferred_element_type=jnp.float32) + b_ref[...]
    m = jnp.max(logits, axis=1, keepdims=True)
    lse = jnp.log(jnp.sum(jnp.exp(logits - m), axis=1, keepdims=True)) + m
    out_ref[...] = logits - lse


_tc3 = pl.pallas_call(
    _tc3_body, out_shape=jax.ShapeDtypeStruct((N_PAD, N_CLASSES), jnp.float32))



def kernel(x, edge_index, W1, b1, W2, b2):
    e3 = edge_index.reshape(2, E_ROWS, CHUNK)
    zeros16 = jnp.zeros((N_PAD, HIDDEN), jnp.float32)
    ones = jnp.ones((CHUNK, LANES), jnp.float32)

    degp = _deg_kernel(e3, ones, zeros16)
    h1s = _tc1(x, W1, degp)
    s1p = _prop16(h1s, e3, zeros16)
    z2s = _tc2(s1p.reshape(NC, N_PAD // 8, 128),
               h1s.reshape(N_PAD // 8, 128),
               degp.reshape(NC, N_PAD // 8, 128),
               jnp.tile(b1, 8).reshape(1, 128)).reshape(N_PAD, HIDDEN)
    s2p = _prop16(z2s, e3, zeros16)
    out = _tc3(s2p, z2s, degp, W2, b2.reshape(1, N_CLASSES))
    return out[:N_NODES]

# --- scband reference (transcript-rebuilt; emitter-appended) ---
"""Pipeline reference for scband-gcn-3281355014802 (READ-ONLY COPY).

The authoritative reference and input builder live on the scoring server;
editing this copy changes nothing except your own understanding.
"""

import jax, jax.numpy as jnp
import numpy as np

N_NODES = 10000
N_EDGES = 320000
F_IN = 128
HIDDEN = 16
N_CLASSES = 40


def setup_inputs(seed: int = 0) -> dict:
    key = jax.random.key(seed)
    k1, k2, k3, k4 = jax.random.split(key, 4)
    x = jax.random.normal(k1, (N_NODES, F_IN), dtype=jnp.float32)
    edge_index = jax.random.randint(k2, (2, N_EDGES), 0, N_NODES, dtype=jnp.int32)
    W1 = jax.random.normal(k3, (F_IN, HIDDEN), dtype=jnp.float32) * (1.0 / np.sqrt(F_IN))
    b1 = jnp.zeros((HIDDEN,), dtype=jnp.float32)
    W2 = jax.random.normal(k4, (HIDDEN, N_CLASSES), dtype=jnp.float32) * (1.0 / np.sqrt(HIDDEN))
    b2 = jnp.zeros((N_CLASSES,), dtype=jnp.float32)
    return {"x": x, "edge_index": edge_index, "W1": W1, "b1": b1, "W2": W2, "b2": b2}


def gcn_conv(x, edge_index, W, b, num_nodes):
    # x' = x @ W, then propagate with sym-normalized adjacency including self-loops, then + b
    h = x @ W
    src = edge_index[0]
    dst = edge_index[1]
    loop = jnp.arange(num_nodes, dtype=src.dtype)
    src = jnp.concatenate([src, loop])
    dst = jnp.concatenate([dst, loop])
    deg = jax.ops.segment_sum(jnp.ones_like(dst, dtype=h.dtype), dst, num_segments=num_nodes)
    dinv_sqrt = jnp.where(deg > 0, jax.lax.rsqrt(jnp.maximum(deg, 1e-12)), 0.0)
    norm = dinv_sqrt[src] * dinv_sqrt[dst]
    msgs = h[src] * norm[:, None]          # gather (SparseCore-friendly)
    out = jax.ops.segment_sum(msgs, dst, num_segments=num_nodes)  # scatter-add
    return out + b


def reference(x, edge_index, W1, b1, W2, b2):
    n = x.shape[0]
    h = gcn_conv(x, edge_index, W1, b1, n)
    h = jax.nn.relu(h)
    # dropout uses training=self.training; in eval mode it is the identity
    h = gcn_conv(h, edge_index, W2, b2, n)
    return jax.nn.log_softmax(h, axis=1)

if __name__ == "__main__":
    import jax
    _d = setup_inputs()
    print(jax.jit(kernel)(*tuple(_d.values())))

</pallas_src>

<mosaic_0001>
#map = affine_map<(d0, d1) -> (0, 0, 0)>
#map1 = affine_map<(d0, d1) -> (0, 0)>
module attributes {stable_mosaic.version = 14 : i64} {
  func.func @_deg_kernel(%arg0: i32, %arg1: i32, %arg2: memref<2x2500x128xi32, #tpu.memory_space<hbm>>, %arg3: memref<128x16xf32, #tpu.memory_space<hbm>>, %arg4: memref<10112x16xf32, #tpu.memory_space<hbm>>, %arg5: memref<2x10112x16xf32, #tpu.memory_space<hbm>>, %arg6: memref<80x128xi32, #tpu.memory_space<vmem>>, %arg7: memref<128x16xf32, #tpu.memory_space<vmem>>, %arg8: memref<10112x16xf32, #tpu.memory_space<vmem_shared>>) attributes {dimension_semantics = [#tpu.dimension_semantics<core_parallel>, #tpu.dimension_semantics<subcore_parallel>], iteration_bounds = array<i64: 2, 16>, scalar_prefetch = 0 : i64, scratch_operands = 3 : i64, tpu.core_type = #tpu.core_type<sc_vector_subcore>, window_params = [{transform_indices = #map}, {transform_indices = #map1}, {transform_indices = #map1}, {transform_indices = #map}]} {
    %mul3A = arith.constant 632 : i32
    %mul3A_0 = arith.muli %arg1, %mul3A : i32
    %multiple_of3A = tpu.assume_multiple %mul3A_0, 8 : i32
    %eq3A = arith.constant 15 : i32
    %eq3A_1 = arith.cmpi eq, %arg1, %eq3A : i32
    %eq3A_2 = arith.constant 0 : i32
    %eq3A_3 = arith.cmpi eq, %arg0, %eq3A_2 : i32
    %jit3A = arith.constant 56 : i32
    %jit3A_4 = arith.constant 80 : i32
    %select_n3A = arith.select %eq3A_1, %jit3A, %jit3A_4 : i32
    %jit3A_5 = arith.constant 44 : i32
    %jit3A_6 = arith.constant 80 : i32
    %select_n3A_7 = arith.select %eq3A_1, %jit3A_5, %jit3A_6 : i32
    %select_n3A_8 = arith.select %eq3A_3, %select_n3A, %select_n3A_7 : i32
    %eq3A_9 = arith.constant 0 : i32
    %eq3A_10 = arith.cmpi eq, %arg0, %eq3A_9 : i32
    %mul3A_11 = arith.constant 80 : i32
    %mul3A_12 = arith.muli %arg1, %mul3A_11 : i32
    %mul3A_13 = arith.constant 80 : i32
    %mul3A_14 = arith.muli %arg1, %mul3A_13 : i32
    %add3A = arith.constant 1256 : i32
    %add3A_15 = arith.addi %add3A, %mul3A_14 : i32
    %select_n3A_16 = arith.select %eq3A_10, %mul3A_12, %add3A_15 : i32
    %multiple_of3A_17 = tpu.assume_multiple %select_n3A_16, 8 : i32
    "tpu.region"() ({
      %run_scoped3A = tpu.sem_alloc : memref<!tpu.dma_semaphore, #tpu.memory_space<semaphore_mem>>
      %dma_start3A = arith.constant 0 : i32
      %dma_start3A_37 = tpu.memref_slice %arg8[%multiple_of3A, %dma_start3A] : memref<10112x16xf32, #tpu.memory_space<vmem_shared>> -> memref<632x16xf32, #tpu.memory_space<vmem_shared>>
      %dma_start3A_38 = arith.constant 0 : i32
      %dma_start3A_39 = tpu.memref_slice %arg4[%multiple_of3A, %dma_start3A_38] : memref<10112x16xf32, #tpu.memory_space<hbm>> -> memref<632x16xf32, #tpu.memory_space<hbm>>
      tpu.enqueue_dma source(%dma_start3A_39 : memref<632x16xf32, #tpu.memory_space<hbm>>) target(%dma_start3A_37 : memref<632x16xf32, #tpu.memory_space<vmem_shared>>) target_semaphore(%run_scoped3A : memref<!tpu.dma_semaphore, #tpu.memory_space<semaphore_mem>>)
      %dma_wait3A = arith.constant 0 : i32
      %dma_wait3A_40 = tpu.memref_slice %arg8[%multiple_of3A, %dma_wait3A] : memref<10112x16xf32, #tpu.memory_space<vmem_shared>> -> memref<632x16xf32, #tpu.memory_space<vmem_shared>>
      %dma_wait3A_41 = arith.constant 0 : i32
      %dma_wait3A_42 = tpu.memref_slice %arg4[%multiple_of3A, %dma_wait3A_41] : memref<10112x16xf32, #tpu.memory_space<hbm>> -> memref<632x16xf32, #tpu.memory_space<hbm>>
      tpu.wait_dma2 semaphore(%run_scoped3A : memref<!tpu.dma_semaphore, #tpu.memory_space<semaphore_mem>>) src(%dma_wait3A_42 : memref<632x16xf32, #tpu.memory_space<hbm>>) dst(%dma_wait3A_40 : memref<632x16xf32, #tpu.memory_space<vmem_shared>>)
      tpu.yield
    }) : () -> ()
    "tpu.region"() ({
      %run_scoped3A = tpu.sem_alloc : memref<!tpu.dma_semaphore, #tpu.memory_space<semaphore_mem>>
      tpu.enqueue_dma source(%arg3 : memref<128x16xf32, #tpu.memory_space<hbm>>) target(%arg7 : memref<128x16xf32, #tpu.memory_space<vmem>>) target_semaphore(%run_scoped3A : memref<!tpu.dma_semaphore, #tpu.memory_space<semaphore_mem>>)
      tpu.wait_dma2 semaphore(%run_scoped3A : memref<!tpu.dma_semaphore, #tpu.memory_space<semaphore_mem>>) src(%arg3 : memref<128x16xf32, #tpu.memory_space<hbm>>) dst(%arg7 : memref<128x16xf32, #tpu.memory_space<vmem>>)
      tpu.yield
    }) : () -> ()
    %eq3A_18 = arith.constant 1 : i32
    %eq3A_19 = arith.cmpi eq, %arg0, %eq3A_18 : i32
    %eq3A_20 = arith.constant 15 : i32
    %eq3A_21 = arith.cmpi eq, %arg1, %eq3A_20 : i32
    %and3A = arith.andi %eq3A_19, %eq3A_21 : i1
    %not3A = arith.constant true
    %not3A_22 = arith.xori %and3A, %not3A : i1
    %convert_element_type3A = arith.extui %not3A_22 : i1 to i32
    %cond3A = arith.constant 0 : i32
    %cond3A_23 = arith.cmpi ne, %convert_element_type3A, %cond3A : i32
    scf.if %cond3A_23 {
      %run_scoped3A = arith.constant 1 : i32
      "tpu.region"() ({
        %run_scoped3A_37 = tpu.sem_alloc : memref<!tpu.dma_semaphore, #tpu.memory_space<semaphore_mem>>
        %dma_start3A = arith.constant 0 : i32
        %dma_start3A_38 = tpu.memref_slice %arg2[%run_scoped3A, %multiple_of3A_17, %dma_start3A] : memref<2x2500x128xi32, #tpu.memory_space<hbm>> -> memref<1x80x128xi32, #tpu.memory_space<hbm>>
        %dma_start3A_39 = tpu.memref_squeeze %dma_start3A_38 : memref<1x80x128xi32, #tpu.memory_space<hbm>> -> memref<80x128xi32, #tpu.memory_space<hbm>>
        %dma_start3A_40 = arith.constant 0 : i32
        %dma_start3A_41 = tpu.memref_slice %arg2[%run_scoped3A, %multiple_of3A_17, %dma_start3A_40] : memref<2x2500x128xi32, #tpu.memory_space<hbm>> -> memref<1x80x128xi32, #tpu.memory_space<hbm>>
        %dma_start3A_42 = tpu.memref_squeeze %dma_start3A_41 : memref<1x80x128xi32, #tpu.memory_space<hbm>> -> memref<80x128xi32, #tpu.memory_space<hbm>>
        tpu.enqueue_dma source(%dma_start3A_42 : memref<80x128xi32, #tpu.memory_space<hbm>>) target(%arg6 : memref<80x128xi32, #tpu.memory_space<vmem>>) target_semaphore(%run_scoped3A_37 : memref<!tpu.dma_semaphore, #tpu.memory_space<semaphore_mem>>)
        %dma_wait3A = arith.constant 0 : i32
        %dma_wait3A_43 = tpu.memref_slice %arg2[%run_scoped3A, %multiple_of3A_17, %dma_wait3A] : memref<2x2500x128xi32, #tpu.memory_space<hbm>> -> memref<1x80x128xi32, #tpu.memory_space<hbm>>
        %dma_wait3A_44 = tpu.memref_squeeze %dma_wait3A_43 : memref<1x80x128xi32, #tpu.memory_space<hbm>> -> memref<80x128xi32, #tpu.memory_space<hbm>>
        %dma_wait3A_45 = arith.constant 0 : i32
        %dma_wait3A_46 = tpu.memref_slice %arg2[%run_scoped3A, %multiple_of3A_17, %dma_wait3A_45] : memref<2x2500x128xi32, #tpu.memory_space<hbm>> -> memref<1x80x128xi32, #tpu.memory_space<hbm>>
        %dma_wait3A_47 = tpu.memref_squeeze %dma_wait3A_46 : memref<1x80x128xi32, #tpu.memory_space<hbm>> -> memref<80x128xi32, #tpu.memory_space<hbm>>
        tpu.wait_dma2 semaphore(%run_scoped3A_37 : memref<!tpu.dma_semaphore, #tpu.memory_space<semaphore_mem>>) src(%dma_wait3A_47 : memref<80x128xi32, #tpu.memory_space<hbm>>) dst(%arg6 : memref<80x128xi32, #tpu.memory_space<vmem>>)
        tpu.yield
      }) : () -> ()
    } else {
    }
    %convert_element_type3A_24 = arith.extui %and3A : i1 to i32
    %cond3A_25 = arith.constant 0 : i32
    %cond3A_26 = arith.cmpi ne, %convert_element_type3A_24, %cond3A_25 : i32
    scf.if %cond3A_26 {
      %run_scoped3A = arith.constant 1 : i32
      "tpu.region"() ({
        %run_scoped3A_37 = tpu.sem_alloc : memref<!tpu.dma_semaphore, #tpu.memory_space<semaphore_mem>>
        %dma_start3A = arith.constant 0 : i32
        %dma_start3A_38 = arith.constant 0 : i32
        %dma_start3A_39 = tpu.memref_slice %arg6[%dma_start3A, %dma_start3A_38] : memref<80x128xi32, #tpu.memory_space<vmem>> -> memref<44x128xi32, #tpu.memory_space<vmem>>
        %dma_start3A_40 = arith.constant 0 : i32
        %dma_start3A_41 = tpu.memref_slice %arg2[%run_scoped3A, %multiple_of3A_17, %dma_start3A_40] : memref<2x2500x128xi32, #tpu.memory_space<hbm>> -> memref<1x44x128xi32, #tpu.memory_space<hbm>>
        %dma_start3A_42 = tpu.memref_squeeze %dma_start3A_41 : memref<1x44x128xi32, #tpu.memory_space<hbm>> -> memref<44x128xi32, #tpu.memory_space<hbm>>
        %dma_start3A_43 = arith.constant 0 : i32
        %dma_start3A_44 = arith.constant 0 : i32
        %dma_start3A_45 = tpu.memref_slice %arg6[%dma_start3A_43, %dma_start3A_44] : memref<80x128xi32, #tpu.memory_space<vmem>> -> memref<44x128xi32, #tpu.memory_space<vmem>>
        %dma_start3A_46 = arith.constant 0 : i32
        %dma_start3A_47 = tpu.memref_slice %arg2[%run_scoped3A, %multiple_of3A_17, %dma_start3A_46] : memref<2x2500x128xi32, #tpu.memory_space<hbm>> -> memref<1x44x128xi32, #tpu.memory_space<hbm>>
        %dma_start3A_48 = tpu.memref_squeeze %dma_start3A_47 : memref<1x44x128xi32, #tpu.memory_space<hbm>> -> memref<44x128xi32, #tpu.memory_space<hbm>>
        tpu.enqueue_dma source(%dma_start3A_48 : memref<44x128xi32, #tpu.memory_space<hbm>>) target(%dma_start3A_45 : memref<44x128xi32, #tpu.memory_space<vmem>>) target_semaphore(%run_scoped3A_37 : memref<!tpu.dma_semaphore, #tpu.memory_space<semaphore_mem>>)
        %dma_wait3A = arith.constant 0 : i32
        %dma_wait3A_49 = arith.constant 0 : i32
        %dma_wait3A_50 = tpu.memref_slice %arg6[%dma_wait3A, %dma_wait3A_49] : memref<80x128xi32, #tpu.memory_space<vmem>> -> memref<44x128xi32, #tpu.memory_space<vmem>>
        %dma_wait3A_51 = arith.constant 0 : i32
        %dma_wait3A_52 = tpu.memref_slice %arg2[%run_scoped3A, %multiple_of3A_17, %dma_wait3A_51] : memref<2x2500x128xi32, #tpu.memory_space<hbm>> -> memref<1x44x128xi32, #tpu.memory_space<hbm>>
        %dma_wait3A_53 = tpu.memref_squeeze %dma_wait3A_52 : memref<1x44x128xi32, #tpu.memory_space<hbm>> -> memref<44x128xi32, #tpu.memory_space<hbm>>
        %dma_wait3A_54 = arith.constant 0 : i32
        %dma_wait3A_55 = arith.constant 0 : i32
        %dma_wait3A_56 = tpu.memref_slice %arg6[%dma_wait3A_54, %dma_wait3A_55] : memref<80x128xi32, #tpu.memory_space<vmem>> -> memref<44x128xi32, #tpu.memory_space<vmem>>
        %dma_wait3A_57 = arith.constant 0 : i32
        %dma_wait3A_58 = tpu.memref_slice %arg2[%run_scoped3A, %multiple_of3A_17, %dma_wait3A_57] : memref<2x2500x128xi32, #tpu.memory_space<hbm>> -> memref<1x44x128xi32, #tpu.memory_space<hbm>>
        %dma_wait3A_59 = tpu.memref_squeeze %dma_wait3A_58 : memref<1x44x128xi32, #tpu.memory_space<hbm>> -> memref<44x128xi32, #tpu.memory_space<hbm>>
        tpu.wait_dma2 semaphore(%run_scoped3A_37 : memref<!tpu.dma_semaphore, #tpu.memory_space<semaphore_mem>>) src(%dma_wait3A_59 : memref<44x128xi32, #tpu.memory_space<hbm>>) dst(%dma_wait3A_56 : memref<44x128xi32, #tpu.memory_space<vmem>>)
        tpu.yield
      }) : () -> ()
    } else {
    }
    %barrier3A = arith.constant 0 : index
    tpu.barrier barrier_id(%barrier3A)
    %while3A = arith.constant 0 : i32
    %while3A_27 = arith.constant 0 : i32
    %while3A_28 = arith.subi %select_n3A_8, %while3A_27 : i32
    %while3A_29 = arith.addi %while3A_27, %while3A_28 : i32
    %while3A_30 = arith.constant 1 : i32
    %while3A_31 = arith.divsi %while3A_28, %while3A_30 : i32
    %while3A_32 = arith.muli %while3A_31, %while3A_30 : i32
    %while3A_33 = arith.addi %while3A_27, %while3A_32 : i32
    %while3A_34 = arith.constant 1 : i32
    scf.for %while3A_37 = %while3A_27 to %while3A_33 step %while3A_34  : i32 {
      "tpu.region"() ({
        %run_scoped3A = tpu.sem_alloc : memref<!tpu.dma_semaphore, #tpu.memory_space<semaphore_mem>>
        %dma_start3A = arith.constant 0 : i32
        %dma_start3A_38 = tpu.memref_slice %arg6[%while3A_37, %dma_start3A] : memref<80x128xi32, #tpu.memory_space<vmem>> -> memref<1x128xi32, #tpu.memory_space<vmem>>
        %dma_start3A_39 = tpu.memref_squeeze %dma_start3A_38 : memref<1x128xi32, #tpu.memory_space<vmem>> -> memref<128xi32, #tpu.memory_space<vmem>>
        %dma_start3A_40 = arith.constant 0 : i32
        %dma_start3A_41 = arith.constant 0 : i32
        %dma_start3A_42 = tpu.memref_slice %arg8[%dma_start3A_40, %dma_start3A_41] : memref<10112x16xf32, #tpu.memory_space<vmem_shared>> -> memref<10112x16xf32, #tpu.memory_space<vmem_shared>>
        tpu.enqueue_indirect_dma source(%arg7 : memref<128x16xf32, #tpu.memory_space<vmem>>) target(%dma_start3A_42 : memref<10112x16xf32, #tpu.memory_space<vmem_shared>>) offsets(%dma_start3A_39 : memref<128xi32, #tpu.memory_space<vmem>>) semaphore(%run_scoped3A : memref<!tpu.dma_semaphore, #tpu.memory_space<semaphore_mem>>) {add = true}
        %dma_wait3A = arith.constant 0 : i32
        %dma_wait3A_43 = tpu.memref_slice %arg6[%while3A_37, %dma_wait3A] : memref<80x128xi32, #tpu.memory_space<vmem>> -> memref<1x128xi32, #tpu.memory_space<vmem>>
        %dma_wait3A_44 = tpu.memref_squeeze %dma_wait3A_43 : memref<1x128xi32, #tpu.memory_space<vmem>> -> memref<128xi32, #tpu.memory_space<vmem>>
        %dma_wait3A_45 = arith.constant 0 : i32
        %dma_wait3A_46 = arith.constant 0 : i32
        %dma_wait3A_47 = tpu.memref_slice %arg8[%dma_wait3A_45, %dma_wait3A_46] : memref<10112x16xf32, #tpu.memory_space<vmem_shared>> -> memref<10112x16xf32, #tpu.memory_space<vmem_shared>>
        tpu.wait_indirect_dma semaphore(%run_scoped3A : memref<!tpu.dma_semaphore, #tpu.memory_space<semaphore_mem>>) src(%arg7 : memref<128x16xf32, #tpu.memory_space<vmem>>) dst(%dma_wait3A_47 : memref<10112x16xf32, #tpu.memory_space<vmem_shared>>)
        tpu.yield
      }) : () -> ()
    }
    %while3A_35 = arith.constant 1 : i32
    scf.for %while3A_37 = %while3A_33 to %while3A_29 step %while3A_35  : i32 {
      "tpu.region"() ({
        %run_scoped3A = tpu.sem_alloc : memref<!tpu.dma_semaphore, #tpu.memory_space<semaphore_mem>>
        %dma_start3A = arith.constant 0 : i32
        %dma_start3A_38 = tpu.memref_slice %arg6[%while3A_37, %dma_start3A] : memref<80x128xi32, #tpu.memory_space<vmem>> -> memref<1x128xi32, #tpu.memory_space<vmem>>
        %dma_start3A_39 = tpu.memref_squeeze %dma_start3A_38 : memref<1x128xi32, #tpu.memory_space<vmem>> -> memref<128xi32, #tpu.memory_space<vmem>>
        %dma_start3A_40 = arith.constant 0 : i32
        %dma_start3A_41 = arith.constant 0 : i32
        %dma_start3A_42 = tpu.memref_slice %arg8[%dma_start3A_40, %dma_start3A_41] : memref<10112x16xf32, #tpu.memory_space<vmem_shared>> -> memref<10112x16xf32, #tpu.memory_space<vmem_shared>>
        tpu.enqueue_indirect_dma source(%arg7 : memref<128x16xf32, #tpu.memory_space<vmem>>) target(%dma_start3A_42 : memref<10112x16xf32, #tpu.memory_space<vmem_shared>>) offsets(%dma_start3A_39 : memref<128xi32, #tpu.memory_space<vmem>>) semaphore(%run_scoped3A : memref<!tpu.dma_semaphore, #tpu.memory_space<semaphore_mem>>) {add = true}
        %dma_wait3A = arith.constant 0 : i32
        %dma_wait3A_43 = tpu.memref_slice %arg6[%while3A_37, %dma_wait3A] : memref<80x128xi32, #tpu.memory_space<vmem>> -> memref<1x128xi32, #tpu.memory_space<vmem>>
        %dma_wait3A_44 = tpu.memref_squeeze %dma_wait3A_43 : memref<1x128xi32, #tpu.memory_space<vmem>> -> memref<128xi32, #tpu.memory_space<vmem>>
        %dma_wait3A_45 = arith.constant 0 : i32
        %dma_wait3A_46 = arith.constant 0 : i32
        %dma_wait3A_47 = tpu.memref_slice %arg8[%dma_wait3A_45, %dma_wait3A_46] : memref<10112x16xf32, #tpu.memory_space<vmem_shared>> -> memref<10112x16xf32, #tpu.memory_space<vmem_shared>>
        tpu.wait_indirect_dma semaphore(%run_scoped3A : memref<!tpu.dma_semaphore, #tpu.memory_space<semaphore_mem>>) src(%arg7 : memref<128x16xf32, #tpu.memory_space<vmem>>) dst(%dma_wait3A_47 : memref<10112x16xf32, #tpu.memory_space<vmem_shared>>)
        tpu.yield
      }) : () -> ()
    }
    %barrier3A_36 = arith.constant 0 : index
    tpu.barrier barrier_id(%barrier3A_36)
    "tpu.region"() ({
      %run_scoped3A = tpu.sem_alloc : memref<!tpu.dma_semaphore, #tpu.memory_space<semaphore_mem>>
      %dma_start3A = arith.constant 0 : i32
      %dma_start3A_37 = tpu.memref_slice %arg5[%arg0, %multiple_of3A, %dma_start3A] : memref<2x10112x16xf32, #tpu.memory_space<hbm>> -> memref<1x632x16xf32, #tpu.memory_space<hbm>>
      %dma_start3A_38 = tpu.memref_squeeze %dma_start3A_37 : memref<1x632x16xf32, #tpu.memory_space<hbm>> -> memref<632x16xf32, #tpu.memory_space<hbm>>
      %dma_start3A_39 = arith.constant 0 : i32
      %dma_start3A_40 = tpu.memref_slice %arg8[%multiple_of3A, %dma_start3A_39] : memref<10112x16xf32, #tpu.memory_space<vmem_shared>> -> memref<632x16xf32, #tpu.memory_space<vmem_shared>>
      tpu.enqueue_dma source(%dma_start3A_40 : memref<632x16xf32, #tpu.memory_space<vmem_shared>>) target(%dma_start3A_38 : memref<632x16xf32, #tpu.memory_space<hbm>>) target_semaphore(%run_scoped3A : memref<!tpu.dma_semaphore, #tpu.memory_space<semaphore_mem>>)
      %dma_wait3A = arith.constant 0 : i32
      %dma_wait3A_41 = tpu.memref_slice %arg5[%arg0, %multiple_of3A, %dma_wait3A] : memref<2x10112x16xf32, #tpu.memory_space<hbm>> -> memref<1x632x16xf32, #tpu.memory_space<hbm>>
      %dma_wait3A_42 = tpu.memref_squeeze %dma_wait3A_41 : memref<1x632x16xf32, #tpu.memory_space<hbm>> -> memref<632x16xf32, #tpu.memory_space<hbm>>
      %dma_wait3A_43 = arith.constant 0 : i32
      %dma_wait3A_44 = tpu.memref_slice %arg8[%multiple_of3A, %dma_wait3A_43] : memref<10112x16xf32, #tpu.memory_space<vmem_shared>> -> memref<632x16xf32, #tpu.memory_space<vmem_shared>>
      tpu.wait_dma2 semaphore(%run_scoped3A : memref<!tpu.dma_semaphore, #tpu.memory_space<semaphore_mem>>) src(%dma_wait3A_44 : memref<632x16xf32, #tpu.memory_space<vmem_shared>>) dst(%dma_wait3A_42 : memref<632x16xf32, #tpu.memory_space<hbm>>)
      tpu.yield
    }) : () -> ()
    return
  }
}

#map = affine_map<(d0, d1) -> (0, 0)>
#map1 = affine_map<(d0, d1) -> (0, 0, 0)>
module attributes {stable_mosaic.version = 14 : i64} {
  func.func @prop(%arg0: i32, %arg1: i32, %arg2: memref<10112x16xf32, #tpu.memory_space<hbm>>, %arg3: memref<2x2500x128xi32, #tpu.memory_space<hbm>>, %arg4: memref<10112x16xf32, #tpu.memory_space<hbm>>, %arg5: memref<2x10112x16xf32, #tpu.memory_space<hbm>>, %arg6: memref<112x128xi32, #tpu.memory_space<vmem>>, %arg7: memref<112x128xi32, #tpu.memory_space<vmem>>, %arg8: memref<128x16xf32, #tpu.memory_space<vmem>>, %arg9: memref<128x16xf32, #tpu.memory_space<vmem>>, %arg10: memref<128x16xf32, #tpu.memory_space<vmem>>, %arg11: memref<128x16xf32, #tpu.memory_space<vmem>>, %arg12: memref<10112x16xf32, #tpu.memory_space<vmem_shared>>, %arg13: memref<!tpu.dma_semaphore, #tpu.memory_space<semaphore_mem>>, %arg14: memref<!tpu.dma_semaphore, #tpu.memory_space<semaphore_mem>>, %arg15: memref<!tpu.dma_semaphore, #tpu.memory_space<semaphore_mem>>, %arg16: memref<!tpu.dma_semaphore, #tpu.memory_space<semaphore_mem>>) attributes {dimension_semantics = [#tpu.dimension_semantics<core_parallel>, #tpu.dimension_semantics<subcore_parallel>], iteration_bounds = array<i64: 2, 16>, scalar_prefetch = 0 : i64, scratch_operands = 11 : i64, tpu.core_type = #tpu.core_type<sc_vector_subcore>, window_params = [{transform_indices = #map}, {transform_indices = #map1}, {transform_indices = #map}, {transform_indices = #map1}]} {
    %mul3A = arith.constant 632 : i32
    %mul3A_0 = arith.muli %arg1, %mul3A : i32
    %multiple_of3A = tpu.assume_multiple %mul3A_0, 8 : i32
    %eq3A = arith.constant 15 : i32
    %eq3A_1 = arith.cmpi eq, %arg1, %eq3A : i32
    %eq3A_2 = arith.constant 0 : i32
    %eq3A_3 = arith.cmpi eq, %arg0, %eq3A_2 : i32
    %jit3A = arith.constant 72 : i32
    %jit3A_4 = arith.constant 112 : i32
    %select_n3A = arith.select %eq3A_1, %jit3A, %jit3A_4 : i32
    %jit3A_5 = arith.constant 28 : i32
    %jit3A_6 = arith.constant 48 : i32
    %select_n3A_7 = arith.select %eq3A_1, %jit3A_5, %jit3A_6 : i32
    %select_n3A_8 = arith.select %eq3A_3, %select_n3A, %select_n3A_7 : i32
    %eq3A_9 = arith.constant 0 : i32
    %eq3A_10 = arith.cmpi eq, %arg0, %eq3A_9 : i32
    %mul3A_11 = arith.constant 112 : i32
    %mul3A_12 = arith.muli %arg1, %mul3A_11 : i32
    %mul3A_13 = arith.constant 48 : i32
    %mul3A_14 = arith.muli %arg1, %mul3A_13 : i32
    %add3A = arith.constant 1752 : i32
    %add3A_15 = arith.addi %add3A, %mul3A_14 : i32
    %select_n3A_16 = arith.select %eq3A_10, %mul3A_12, %add3A_15 : i32
    %multiple_of3A_17 = tpu.assume_multiple %select_n3A_16, 8 : i32
    "tpu.region"() ({
      %run_scoped3A = tpu.sem_alloc : memref<!tpu.dma_semaphore, #tpu.memory_space<semaphore_mem>>
      %dma_start3A_134 = arith.constant 0 : i32
      %dma_start3A_135 = tpu.memref_slice %arg12[%multiple_of3A, %dma_start3A_134] : memref<10112x16xf32, #tpu.memory_space<vmem_shared>> -> memref<632x16xf32, #tpu.memory_space<vmem_shared>>
      %dma_start3A_136 = arith.constant 0 : i32
      %dma_start3A_137 = tpu.memref_slice %arg4[%multiple_of3A, %dma_start3A_136] : memref<10112x16xf32, #tpu.memory_space<hbm>> -> memref<632x16xf32, #tpu.memory_space<hbm>>
      tpu.enqueue_dma source(%dma_start3A_137 : memref<632x16xf32, #tpu.memory_space<hbm>>) target(%dma_start3A_135 : memref<632x16xf32, #tpu.memory_space<vmem_shared>>) target_semaphore(%run_scoped3A : memref<!tpu.dma_semaphore, #tpu.memory_space<semaphore_mem>>)
      %dma_wait3A_138 = arith.constant 0 : i32
      %dma_wait3A_139 = tpu.memref_slice %arg12[%multiple_of3A, %dma_wait3A_138] : memref<10112x16xf32, #tpu.memory_space<vmem_shared>> -> memref<632x16xf32, #tpu.memory_space<vmem_shared>>
      %dma_wait3A_140 = arith.constant 0 : i32
      %dma_wait3A_141 = tpu.memref_slice %arg4[%multiple_of3A, %dma_wait3A_140] : memref<10112x16xf32, #tpu.memory_space<hbm>> -> memref<632x16xf32, #tpu.memory_space<hbm>>
      tpu.wait_dma2 semaphore(%run_scoped3A : memref<!tpu.dma_semaphore, #tpu.memory_space<semaphore_mem>>) src(%dma_wait3A_141 : memref<632x16xf32, #tpu.memory_space<hbm>>) dst(%dma_wait3A_139 : memref<632x16xf32, #tpu.memory_space<vmem_shared>>)
      tpu.yield
    }) : () -> ()
    %eq3A_18 = arith.constant 0 : i32
    %eq3A_19 = arith.cmpi eq, %arg0, %eq3A_18 : i32
    %eq3A_20 = arith.constant 1 : i32
    %eq3A_21 = arith.cmpi eq, %arg0, %eq3A_20 : i32
    %lt3A = arith.constant 15 : i32
    %lt3A_22 = arith.cmpi slt, %arg1, %lt3A : i32
    %and3A = arith.andi %eq3A_21, %lt3A_22 : i1
    %eq3A_23 = arith.constant 1 : i32
    %eq3A_24 = arith.cmpi eq, %arg0, %eq3A_23 : i32
    %eq3A_25 = arith.constant 15 : i32
    %eq3A_26 = arith.cmpi eq, %arg1, %eq3A_25 : i32
    %and3A_27 = arith.andi %eq3A_24, %eq3A_26 : i1
    %convert_element_type3A = arith.extui %eq3A_19 : i1 to i32
    %cond3A = arith.constant 0 : i32
    %cond3A_28 = arith.cmpi ne, %convert_element_type3A, %cond3A : i32
    scf.if %cond3A_28 {
      %run_scoped3A = arith.constant 0 : i32
      "tpu.region"() ({
        %run_scoped3A_135 = tpu.sem_alloc : memref<!tpu.dma_semaphore, #tpu.memory_space<semaphore_mem>>
        %dma_start3A_136 = arith.constant 0 : i32
        %dma_start3A_137 = tpu.memref_slice %arg3[%run_scoped3A, %multiple_of3A_17, %dma_start3A_136] : memref<2x2500x128xi32, #tpu.memory_space<hbm>> -> memref<1x112x128xi32, #tpu.memory_space<hbm>>
        %dma_start3A_138 = tpu.memref_squeeze %dma_start3A_137 : memref<1x112x128xi32, #tpu.memory_space<hbm>> -> memref<112x128xi32, #tpu.memory_space<hbm>>
        %dma_start3A_139 = arith.constant 0 : i32
        %dma_start3A_140 = tpu.memref_slice %arg3[%run_scoped3A, %multiple_of3A_17, %dma_start3A_139] : memref<2x2500x128xi32, #tpu.memory_space<hbm>> -> memref<1x112x128xi32, #tpu.memory_space<hbm>>
        %dma_start3A_141 = tpu.memref_squeeze %dma_start3A_140 : memref<1x112x128xi32, #tpu.memory_space<hbm>> -> memref<112x128xi32, #tpu.memory_space<hbm>>
        tpu.enqueue_dma source(%dma_start3A_141 : memref<112x128xi32, #tpu.memory_space<hbm>>) target(%arg6 : memref<112x128xi32, #tpu.memory_space<vmem>>) target_semaphore(%run_scoped3A_135 : memref<!tpu.dma_semaphore, #tpu.memory_space<semaphore_mem>>)
        %dma_wait3A_142 = arith.constant 0 : i32
        %dma_wait3A_143 = tpu.memref_slice %arg3[%run_scoped3A, %multiple_of3A_17, %dma_wait3A_142] : memref<2x2500x128xi32, #tpu.memory_space<hbm>> -> memref<1x112x128xi32, #tpu.memory_space<hbm>>
        %dma_wait3A_144 = tpu.memref_squeeze %dma_wait3A_143 : memref<1x112x128xi32, #tpu.memory_space<hbm>> -> memref<112x128xi32, #tpu.memory_space<hbm>>
        %dma_wait3A_145 = arith.constant 0 : i32
        %dma_wait3A_146 = tpu.memref_slice %arg3[%run_scoped3A, %multiple_of3A_17, %dma_wait3A_145] : memref<2x2500x128xi32, #tpu.memory_space<hbm>> -> memref<1x112x128xi32, #tpu.memory_space<hbm>>
        %dma_wait3A_147 = tpu.memref_squeeze %dma_wait3A_146 : memref<1x112x128xi32, #tpu.memory_space<hbm>> -> memref<112x128xi32, #tpu.memory_space<hbm>>
        tpu.wait_dma2 semaphore(%run_scoped3A_135 : memref<!tpu.dma_semaphore, #tpu.memory_space<semaphore_mem>>) src(%dma_wait3A_147 : memref<112x128xi32, #tpu.memory_space<hbm>>) dst(%arg6 : memref<112x128xi32, #tpu.memory_space<vmem>>)
        tpu.yield
      }) : () -> ()
      %run_scoped3A_134 = arith.constant 1 : i32
      "tpu.region"() ({
        %run_scoped3A_135 = tpu.sem_alloc : memref<!tpu.dma_semaphore, #tpu.memory_space<semaphore_mem>>
        %dma_start3A_136 = arith.constant 0 : i32
        %dma_start3A_137 = tpu.memref_slice %arg3[%run_scoped3A_134, %multiple_of3A_17, %dma_start3A_136] : memref<2x2500x128xi32, #tpu.memory_space<hbm>> -> memref<1x112x128xi32, #tpu.memory_space<hbm>>
        %dma_start3A_138 = tpu.memref_squeeze %dma_start3A_137 : memref<1x112x128xi32, #tpu.memory_space<hbm>> -> memref<112x128xi32, #tpu.memory_space<hbm>>
        %dma_start3A_139 = arith.constant 0 : i32
        %dma_start3A_140 = tpu.memref_slice %arg3[%run_scoped3A_134, %multiple_of3A_17, %dma_start3A_139] : memref<2x2500x128xi32, #tpu.memory_space<hbm>> -> memref<1x112x128xi32, #tpu.memory_space<hbm>>
        %dma_start3A_141 = tpu.memref_squeeze %dma_start3A_140 : memref<1x112x128xi32, #tpu.memory_space<hbm>> -> memref<112x128xi32, #tpu.memory_space<hbm>>
        tpu.enqueue_dma source(%dma_start3A_141 : memref<112x128xi32, #tpu.memory_space<hbm>>) target(%arg7 : memref<112x128xi32, #tpu.memory_space<vmem>>) target_semaphore(%run_scoped3A_135 : memref<!tpu.dma_semaphore, #tpu.memory_space<semaphore_mem>>)
        %dma_wait3A_142 = arith.constant 0 : i32
        %dma_wait3A_143 = tpu.memref_slice %arg3[%run_scoped3A_134, %multiple_of3A_17, %dma_wait3A_142] : memref<2x2500x128xi32, #tpu.memory_space<hbm>> -> memref<1x112x128xi32, #tpu.memory_space<hbm>>
        %dma_wait3A_144 = tpu.memref_squeeze %dma_wait3A_143 : memref<1x112x128xi32, #tpu.memory_space<hbm>> -> memref<112x128xi32, #tpu.memory_space<hbm>>
        %dma_wait3A_145 = arith.constant 0 : i32
        %dma_wait3A_146 = tpu.memref_slice %arg3[%run_scoped3A_134, %multiple_of3A_17, %dma_wait3A_145] : memref<2x2500x128xi32, #tpu.memory_space<hbm>> -> memref<1x112x128xi32, #tpu.memory_space<hbm>>
        %dma_wait3A_147 = tpu.memref_squeeze %dma_wait3A_146 : memref<1x112x128xi32, #tpu.memory_space<hbm>> -> memref<112x128xi32, #tpu.memory_space<hbm>>
        tpu.wait_dma2 semaphore(%run_scoped3A_135 : memref<!tpu.dma_semaphore, #tpu.memory_space<semaphore_mem>>) src(%dma_wait3A_147 : memref<112x128xi32, #tpu.memory_space<hbm>>) dst(%arg7 : memref<112x128xi32, #tpu.memory_space<vmem>>)
        tpu.yield
      }) : () -> ()
    } else {
    }
    %convert_element_type3A_29 = arith.extui %and3A : i1 to i32
    %cond3A_30 = arith.constant 0 : i32
    %cond3A_31 = arith.cmpi ne, %convert_element_type3A_29, %cond3A_30 : i32
    scf.if %cond3A_31 {
      %run_scoped3A = arith.constant 0 : i32
      "tpu.region"() ({
        %run_scoped3A_135 = tpu.sem_alloc : memref<!tpu.dma_semaphore, #tpu.memory_space<semaphore_mem>>
        %dma_start3A_136 = arith.constant 0 : i32
        %dma_start3A_137 = arith.constant 0 : i32
        %dma_start3A_138 = tpu.memref_slice %arg6[%dma_start3A_136, %dma_start3A_137] : memref<112x128xi32, #tpu.memory_space<vmem>> -> memref<48x128xi32, #tpu.memory_space<vmem>>
        %dma_start3A_139 = arith.constant 0 : i32
        %dma_start3A_140 = tpu.memref_slice %arg3[%run_scoped3A, %multiple_of3A_17, %dma_start3A_139] : memref<2x2500x128xi32, #tpu.memory_space<hbm>> -> memref<1x48x128xi32, #tpu.memory_space<hbm>>
        %dma_start3A_141 = tpu.memref_squeeze %dma_start3A_140 : memref<1x48x128xi32, #tpu.memory_space<hbm>> -> memref<48x128xi32, #tpu.memory_space<hbm>>
        %dma_start3A_142 = arith.constant 0 : i32
        %dma_start3A_143 = arith.constant 0 : i32
        %dma_start3A_144 = tpu.memref_slice %arg6[%dma_start3A_142, %dma_start3A_143] : memref<112x128xi32, #tpu.memory_space<vmem>> -> memref<48x128xi32, #tpu.memory_space<vmem>>
        %dma_start3A_145 = arith.constant 0 : i32
        %dma_start3A_146 = tpu.memref_slice %arg3[%run_scoped3A, %multiple_of3A_17, %dma_start3A_145] : memref<2x2500x128xi32, #tpu.memory_space<hbm>> -> memref<1x48x128xi32, #tpu.memory_space<hbm>>
        %dma_start3A_147 = tpu.memref_squeeze %dma_start3A_146 : memref<1x48x128xi32, #tpu.memory_space<hbm>> -> memref<48x128xi32, #tpu.memory_space<hbm>>
        tpu.enqueue_dma source(%dma_start3A_147 : memref<48x128xi32, #tpu.memory_space<hbm>>) target(%dma_start3A_144 : memref<48x128xi32, #tpu.memory_space<vmem>>) target_semaphore(%run_scoped3A_135 : memref<!tpu.dma_semaphore, #tpu.memory_space<semaphore_mem>>)
        %dma_wait3A_148 = arith.constant 0 : i32
        %dma_wait3A_149 = arith.constant 0 : i32
        %dma_wait3A_150 = tpu.memref_slice %arg6[%dma_wait3A_148, %dma_wait3A_149] : memref<112x128xi32, #tpu.memory_space<vmem>> -> memref<48x128xi32, #tpu.memory_space<vmem>>
        %dma_wait3A_151 = arith.constant 0 : i32
        %dma_wait3A_152 = tpu.memref_slice %arg3[%run_scoped3A, %multiple_of3A_17, %dma_wait3A_151] : memref<2x2500x128xi32, #tpu.memory_space<hbm>> -> memref<1x48x128xi32, #tpu.memory_space<hbm>>
        %dma_wait3A_153 = tpu.memref_squeeze %dma_wait3A_152 : memref<1x48x128xi32, #tpu.memory_space<hbm>> -> memref<48x128xi32, #tpu.memory_space<hbm>>
        %dma_wait3A_154 = arith.constant 0 : i32
        %dma_wait3A_155 = arith.constant 0 : i32
        %dma_wait3A_156 = tpu.memref_slice %arg6[%dma_wait3A_154, %dma_wait3A_155] : memref<112x128xi32, #tpu.memory_space<vmem>> -> memref<48x128xi32, #tpu.memory_space<vmem>>
        %dma_wait3A_157 = arith.constant 0 : i32
        %dma_wait3A_158 = tpu.memref_slice %arg3[%run_scoped3A, %multiple_of3A_17, %dma_wait3A_157] : memref<2x2500x128xi32, #tpu.memory_space<hbm>> -> memref<1x48x128xi32, #tpu.memory_space<hbm>>
        %dma_wait3A_159 = tpu.memref_squeeze %dma_wait3A_158 : memref<1x48x128xi32, #tpu.memory_space<hbm>> -> memref<48x128xi32, #tpu.memory_space<hbm>>
        tpu.wait_dma2 semaphore(%run_scoped3A_135 : memref<!tpu.dma_semaphore, #tpu.memory_space<semaphore_mem>>) src(%dma_wait3A_159 : memref<48x128xi32, #tpu.memory_space<hbm>>) dst(%dma_wait3A_156 : memref<48x128xi32, #tpu.memory_space<vmem>>)
        tpu.yield
      }) : () -> ()
      %run_scoped3A_134 = arith.constant 1 : i32
      "tpu.region"() ({
        %run_scoped3A_135 = tpu.sem_alloc : memref<!tpu.dma_semaphore, #tpu.memory_space<semaphore_mem>>
        %dma_start3A_136 = arith.constant 0 : i32
        %dma_start3A_137 = arith.constant 0 : i32
        %dma_start3A_138 = tpu.memref_slice %arg7[%dma_start3A_136, %dma_start3A_137] : memref<112x128xi32, #tpu.memory_space<vmem>> -> memref<48x128xi32, #tpu.memory_space<vmem>>
        %dma_start3A_139 = arith.constant 0 : i32
        %dma_start3A_140 = tpu.memref_slice %arg3[%run_scoped3A_134, %multiple_of3A_17, %dma_start3A_139] : memref<2x2500x128xi32, #tpu.memory_space<hbm>> -> memref<1x48x128xi32, #tpu.memory_space<hbm>>
        %dma_start3A_141 = tpu.memref_squeeze %dma_start3A_140 : memref<1x48x128xi32, #tpu.memory_space<hbm>> -> memref<48x128xi32, #tpu.memory_space<hbm>>
        %dma_start3A_142 = arith.constant 0 : i32
        %dma_start3A_143 = arith.constant 0 : i32
        %dma_start3A_144 = tpu.memref_slice %arg7[%dma_start3A_142, %dma_start3A_143] : memref<112x128xi32, #tpu.memory_space<vmem>> -> memref<48x128xi32, #tpu.memory_space<vmem>>
        %dma_start3A_145 = arith.constant 0 : i32
        %dma_start3A_146 = tpu.memref_slice %arg3[%run_scoped3A_134, %multiple_of3A_17, %dma_start3A_145] : memref<2x2500x128xi32, #tpu.memory_space<hbm>> -> memref<1x48x128xi32, #tpu.memory_space<hbm>>
        %dma_start3A_147 = tpu.memref_squeeze %dma_start3A_146 : memref<1x48x128xi32, #tpu.memory_space<hbm>> -> memref<48x128xi32, #tpu.memory_space<hbm>>
        tpu.enqueue_dma source(%dma_start3A_147 : memref<48x128xi32, #tpu.memory_space<hbm>>) target(%dma_start3A_144 : memref<48x128xi32, #tpu.memory_space<vmem>>) target_semaphore(%run_scoped3A_135 : memref<!tpu.dma_semaphore, #tpu.memory_space<semaphore_mem>>)
        %dma_wait3A_148 = arith.constant 0 : i32
        %dma_wait3A_149 = arith.constant 0 : i32
        %dma_wait3A_150 = tpu.memref_slice %arg7[%dma_wait3A_148, %dma_wait3A_149] : memref<112x128xi32, #tpu.memory_space<vmem>> -> memref<48x128xi32, #tpu.memory_space<vmem>>
        %dma_wait3A_151 = arith.constant 0 : i32
        %dma_wait3A_152 = tpu.memref_slice %arg3[%run_scoped3A_134, %multiple_of3A_17, %dma_wait3A_151] : memref<2x2500x128xi32, #tpu.memory_space<hbm>> -> memref<1x48x128xi32, #tpu.memory_space<hbm>>
        %dma_wait3A_153 = tpu.memref_squeeze %dma_wait3A_152 : memref<1x48x128xi32, #tpu.memory_space<hbm>> -> memref<48x128xi32, #tpu.memory_space<hbm>>
        %dma_wait3A_154 = arith.constant 0 : i32
        %dma_wait3A_155 = arith.constant 0 : i32
        %dma_wait3A_156 = tpu.memref_slice %arg7[%dma_wait3A_154, %dma_wait3A_155] : memref<112x128xi32, #tpu.memory_space<vmem>> -> memref<48x128xi32, #tpu.memory_space<vmem>>
        %dma_wait3A_157 = arith.constant 0 : i32
        %dma_wait3A_158 = tpu.memref_slice %arg3[%run_scoped3A_134, %multiple_of3A_17, %dma_wait3A_157] : memref<2x2500x128xi32, #tpu.memory_space<hbm>> -> memref<1x48x128xi32, #tpu.memory_space<hbm>>
        %dma_wait3A_159 = tpu.memref_squeeze %dma_wait3A_158 : memref<1x48x128xi32, #tpu.memory_space<hbm>> -> memref<48x128xi32, #tpu.memory_space<hbm>>
        tpu.wait_dma2 semaphore(%run_scoped3A_135 : memref<!tpu.dma_semaphore, #tpu.memory_space<semaphore_mem>>) src(%dma_wait3A_159 : memref<48x128xi32, #tpu.memory_space<hbm>>) dst(%dma_wait3A_156 : memref<48x128xi32, #tpu.memory_space<vmem>>)
        tpu.yield
      }) : () -> ()
    } else {
    }
    %convert_element_type3A_32 = arith.extui %and3A_27 : i1 to i32
    %cond3A_33 = arith.constant 0 : i32
    %cond3A_34 = arith.cmpi ne, %convert_element_type3A_32, %cond3A_33 : i32
    scf.if %cond3A_34 {
      %run_scoped3A = arith.constant 0 : i32
      "tpu.region"() ({
        %run_scoped3A_135 = tpu.sem_alloc : memref<!tpu.dma_semaphore, #tpu.memory_space<semaphore_mem>>
        %dma_start3A_136 = arith.constant 0 : i32
        %dma_start3A_137 = arith.constant 0 : i32
        %dma_start3A_138 = tpu.memref_slice %arg6[%dma_start3A_136, %dma_start3A_137] : memref<112x128xi32, #tpu.memory_space<vmem>> -> memref<28x128xi32, #tpu.memory_space<vmem>>
        %dma_start3A_139 = arith.constant 0 : i32
        %dma_start3A_140 = tpu.memref_slice %arg3[%run_scoped3A, %multiple_of3A_17, %dma_start3A_139] : memref<2x2500x128xi32, #tpu.memory_space<hbm>> -> memref<1x28x128xi32, #tpu.memory_space<hbm>>
        %dma_start3A_141 = tpu.memref_squeeze %dma_start3A_140 : memref<1x28x128xi32, #tpu.memory_space<hbm>> -> memref<28x128xi32, #tpu.memory_space<hbm>>
        %dma_start3A_142 = arith.constant 0 : i32
        %dma_start3A_143 = arith.constant 0 : i32
        %dma_start3A_144 = tpu.memref_slice %arg6[%dma_start3A_142, %dma_start3A_143] : memref<112x128xi32, #tpu.memory_space<vmem>> -> memref<28x128xi32, #tpu.memory_space<vmem>>
        %dma_start3A_145 = arith.constant 0 : i32
        %dma_start3A_146 = tpu.memref_slice %arg3[%run_scoped3A, %multiple_of3A_17, %dma_start3A_145] : memref<2x2500x128xi32, #tpu.memory_space<hbm>> -> memref<1x28x128xi32, #tpu.memory_space<hbm>>
        %dma_start3A_147 = tpu.memref_squeeze %dma_start3A_146 : memref<1x28x128xi32, #tpu.memory_space<hbm>> -> memref<28x128xi32, #tpu.memory_space<hbm>>
        tpu.enqueue_dma source(%dma_start3A_147 : memref<28x128xi32, #tpu.memory_space<hbm>>) target(%dma_start3A_144 : memref<28x128xi32, #tpu.memory_space<vmem>>) target_semaphore(%run_scoped3A_135 : memref<!tpu.dma_semaphore, #tpu.memory_space<semaphore_mem>>)
        %dma_wait3A_148 = arith.constant 0 : i32
        %dma_wait3A_149 = arith.constant 0 : i32
        %dma_wait3A_150 = tpu.memref_slice %arg6[%dma_wait3A_148, %dma_wait3A_149] : memref<112x128xi32, #tpu.memory_space<vmem>> -> memref<28x128xi32, #tpu.memory_space<vmem>>
        %dma_wait3A_151 = arith.constant 0 : i32
        %dma_wait3A_152 = tpu.memref_slice %arg3[%run_scoped3A, %multiple_of3A_17, %dma_wait3A_151] : memref<2x2500x128xi32, #tpu.memory_space<hbm>> -> memref<1x28x128xi32, #tpu.memory_space<hbm>>
        %dma_wait3A_153 = tpu.memref_squeeze %dma_wait3A_152 : memref<1x28x128xi32, #tpu.memory_space<hbm>> -> memref<28x128xi32, #tpu.memory_space<hbm>>
        %dma_wait3A_154 = arith.constant 0 : i32
        %dma_wait3A_155 = arith.constant 0 : i32
        %dma_wait3A_156 = tpu.memref_slice %arg6[%dma_wait3A_154, %dma_wait3A_155] : memref<112x128xi32, #tpu.memory_space<vmem>> -> memref<28x128xi32, #tpu.memory_space<vmem>>
        %dma_wait3A_157 = arith.constant 0 : i32
        %dma_wait3A_158 = tpu.memref_slice %arg3[%run_scoped3A, %multiple_of3A_17, %dma_wait3A_157] : memref<2x2500x128xi32, #tpu.memory_space<hbm>> -> memref<1x28x128xi32, #tpu.memory_space<hbm>>
        %dma_wait3A_159 = tpu.memref_squeeze %dma_wait3A_158 : memref<1x28x128xi32, #tpu.memory_space<hbm>> -> memref<28x128xi32, #tpu.memory_space<hbm>>
        tpu.wait_dma2 semaphore(%run_scoped3A_135 : memref<!tpu.dma_semaphore, #tpu.memory_space<semaphore_mem>>) src(%dma_wait3A_159 : memref<28x128xi32, #tpu.memory_space<hbm>>) dst(%dma_wait3A_156 : memref<28x128xi32, #tpu.memory_space<vmem>>)
        tpu.yield
      }) : () -> ()
      %run_scoped3A_134 = arith.constant 1 : i32
      "tpu.region"() ({
        %run_scoped3A_135 = tpu.sem_alloc : memref<!tpu.dma_semaphore, #tpu.memory_space<semaphore_mem>>
        %dma_start3A_136 = arith.constant 0 : i32
        %dma_start3A_137 = arith.constant 0 : i32
        %dma_start3A_138 = tpu.memref_slice %arg7[%dma_start3A_136, %dma_start3A_137] : memref<112x128xi32, #tpu.memory_space<vmem>> -> memref<28x128xi32, #tpu.memory_space<vmem>>
        %dma_start3A_139 = arith.constant 0 : i32
        %dma_start3A_140 = tpu.memref_slice %arg3[%run_scoped3A_134, %multiple_of3A_17, %dma_start3A_139] : memref<2x2500x128xi32, #tpu.memory_space<hbm>> -> memref<1x28x128xi32, #tpu.memory_space<hbm>>
        %dma_start3A_141 = tpu.memref_squeeze %dma_start3A_140 : memref<1x28x128xi32, #tpu.memory_space<hbm>> -> memref<28x128xi32, #tpu.memory_space<hbm>>
        %dma_start3A_142 = arith.constant 0 : i32
        %dma_start3A_143 = arith.constant 0 : i32
        %dma_start3A_144 = tpu.memref_slice %arg7[%dma_start3A_142, %dma_start3A_143] : memref<112x128xi32, #tpu.memory_space<vmem>> -> memref<28x128xi32, #tpu.memory_space<vmem>>
        %dma_start3A_145 = arith.constant 0 : i32
        %dma_start3A_146 = tpu.memref_slice %arg3[%run_scoped3A_134, %multiple_of3A_17, %dma_start3A_145] : memref<2x2500x128xi32, #tpu.memory_space<hbm>> -> memref<1x28x128xi32, #tpu.memory_space<hbm>>
        %dma_start3A_147 = tpu.memref_squeeze %dma_start3A_146 : memref<1x28x128xi32, #tpu.memory_space<hbm>> -> memref<28x128xi32, #tpu.memory_space<hbm>>
        tpu.enqueue_dma source(%dma_start3A_147 : memref<28x128xi32, #tpu.memory_space<hbm>>) target(%dma_start3A_144 : memref<28x128xi32, #tpu.memory_space<vmem>>) target_semaphore(%run_scoped3A_135 : memref<!tpu.dma_semaphore, #tpu.memory_space<semaphore_mem>>)
        %dma_wait3A_148 = arith.constant 0 : i32
        %dma_wait3A_149 = arith.constant 0 : i32
        %dma_wait3A_150 = tpu.memref_slice %arg7[%dma_wait3A_148, %dma_wait3A_149] : memref<112x128xi32, #tpu.memory_space<vmem>> -> memref<28x128xi32, #tpu.memory_space<vmem>>
        %dma_wait3A_151 = arith.constant 0 : i32
        %dma_wait3A_152 = tpu.memref_slice %arg3[%run_scoped3A_134, %multiple_of3A_17, %dma_wait3A_151] : memref<2x2500x128xi32, #tpu.memory_space<hbm>> -> memref<1x28x128xi32, #tpu.memory_space<hbm>>
        %dma_wait3A_153 = tpu.memref_squeeze %dma_wait3A_152 : memref<1x28x128xi32, #tpu.memory_space<hbm>> -> memref<28x128xi32, #tpu.memory_space<hbm>>
        %dma_wait3A_154 = arith.constant 0 : i32
        %dma_wait3A_155 = arith.constant 0 : i32
        %dma_wait3A_156 = tpu.memref_slice %arg7[%dma_wait3A_154, %dma_wait3A_155] : memref<112x128xi32, #tpu.memory_space<vmem>> -> memref<28x128xi32, #tpu.memory_space<vmem>>
        %dma_wait3A_157 = arith.constant 0 : i32
        %dma_wait3A_158 = tpu.memref_slice %arg3[%run_scoped3A_134, %multiple_of3A_17, %dma_wait3A_157] : memref<2x2500x128xi32, #tpu.memory_space<hbm>> -> memref<1x28x128xi32, #tpu.memory_space<hbm>>
        %dma_wait3A_159 = tpu.memref_squeeze %dma_wait3A_158 : memref<1x28x128xi32, #tpu.memory_space<hbm>> -> memref<28x128xi32, #tpu.memory_space<hbm>>
        tpu.wait_dma2 semaphore(%run_scoped3A_135 : memref<!tpu.dma_semaphore, #tpu.memory_space<semaphore_mem>>) src(%dma_wait3A_159 : memref<28x128xi32, #tpu.memory_space<hbm>>) dst(%dma_wait3A_156 : memref<28x128xi32, #tpu.memory_space<vmem>>)
        tpu.yield
      }) : () -> ()
    } else {
    }
    %barrier3A = arith.constant 0 : index
    tpu.barrier barrier_id(%barrier3A)
    %dma_start3A = arith.constant 0 : i32
    %dma_start3A_35 = arith.constant 0 : i32
    %dma_start3A_36 = tpu.memref_slice %arg6[%dma_start3A, %dma_start3A_35] : memref<112x128xi32, #tpu.memory_space<vmem>> -> memref<1x128xi32, #tpu.memory_space<vmem>>
    %dma_start3A_37 = tpu.memref_squeeze %dma_start3A_36 : memref<1x128xi32, #tpu.memory_space<vmem>> -> memref<128xi32, #tpu.memory_space<vmem>>
    %dma_start3A_38 = arith.constant 0 : i32
    %dma_start3A_39 = arith.constant 0 : i32
    %dma_start3A_40 = tpu.memref_slice %arg2[%dma_start3A_38, %dma_start3A_39] : memref<10112x16xf32, #tpu.memory_space<hbm>> -> memref<10112x16xf32, #tpu.memory_space<hbm>>
    tpu.enqueue_indirect_dma source(%dma_start3A_40 : memref<10112x16xf32, #tpu.memory_space<hbm>>) target(%arg8 : memref<128x16xf32, #tpu.memory_space<vmem>>) offsets(%dma_start3A_37 : memref<128xi32, #tpu.memory_space<vmem>>) semaphore(%arg13 : memref<!tpu.dma_semaphore, #tpu.memory_space<semaphore_mem>>)
    %dma_start3A_41 = arith.constant 1 : i32
    %dma_start3A_42 = arith.constant 0 : i32
    %dma_start3A_43 = tpu.memref_slice %arg6[%dma_start3A_41, %dma_start3A_42] : memref<112x128xi32, #tpu.memory_space<vmem>> -> memref<1x128xi32, #tpu.memory_space<vmem>>
    %dma_start3A_44 = tpu.memref_squeeze %dma_start3A_43 : memref<1x128xi32, #tpu.memory_space<vmem>> -> memref<128xi32, #tpu.memory_space<vmem>>
    %dma_start3A_45 = arith.constant 0 : i32
    %dma_start3A_46 = arith.constant 0 : i32
    %dma_start3A_47 = tpu.memref_slice %arg2[%dma_start3A_45, %dma_start3A_46] : memref<10112x16xf32, #tpu.memory_space<hbm>> -> memref<10112x16xf32, #tpu.memory_space<hbm>>
    tpu.enqueue_indirect_dma source(%dma_start3A_47 : memref<10112x16xf32, #tpu.memory_space<hbm>>) target(%arg9 : memref<128x16xf32, #tpu.memory_space<vmem>>) offsets(%dma_start3A_44 : memref<128xi32, #tpu.memory_space<vmem>>) semaphore(%arg14 : memref<!tpu.dma_semaphore, #tpu.memory_space<semaphore_mem>>)
    %dma_start3A_48 = arith.constant 2 : i32
    %dma_start3A_49 = arith.constant 0 : i32
    %dma_start3A_50 = tpu.memref_slice %arg6[%dma_start3A_48, %dma_start3A_49] : memref<112x128xi32, #tpu.memory_space<vmem>> -> memref<1x128xi32, #tpu.memory_space<vmem>>
    %dma_start3A_51 = tpu.memref_squeeze %dma_start3A_50 : memref<1x128xi32, #tpu.memory_space<vmem>> -> memref<128xi32, #tpu.memory_space<vmem>>
    %dma_start3A_52 = arith.constant 0 : i32
    %dma_start3A_53 = arith.constant 0 : i32
    %dma_start3A_54 = tpu.memref_slice %arg2[%dma_start3A_52, %dma_start3A_53] : memref<10112x16xf32, #tpu.memory_space<hbm>> -> memref<10112x16xf32, #tpu.memory_space<hbm>>
    tpu.enqueue_indirect_dma source(%dma_start3A_54 : memref<10112x16xf32, #tpu.memory_space<hbm>>) target(%arg10 : memref<128x16xf32, #tpu.memory_space<vmem>>) offsets(%dma_start3A_51 : memref<128xi32, #tpu.memory_space<vmem>>) semaphore(%arg15 : memref<!tpu.dma_semaphore, #tpu.memory_space<semaphore_mem>>)
    %dma_start3A_55 = arith.constant 3 : i32
    %dma_start3A_56 = arith.constant 0 : i32
    %dma_start3A_57 = tpu.memref_slice %arg6[%dma_start3A_55, %dma_start3A_56] : memref<112x128xi32, #tpu.memory_space<vmem>> -> memref<1x128xi32, #tpu.memory_space<vmem>>
    %dma_start3A_58 = tpu.memref_squeeze %dma_start3A_57 : memref<1x128xi32, #tpu.memory_space<vmem>> -> memref<128xi32, #tpu.memory_space<vmem>>
    %dma_start3A_59 = arith.constant 0 : i32
    %dma_start3A_60 = arith.constant 0 : i32
    %dma_start3A_61 = tpu.memref_slice %arg2[%dma_start3A_59, %dma_start3A_60] : memref<10112x16xf32, #tpu.memory_space<hbm>> -> memref<10112x16xf32, #tpu.memory_space<hbm>>
    tpu.enqueue_indirect_dma source(%dma_start3A_61 : memref<10112x16xf32, #tpu.memory_space<hbm>>) target(%arg11 : memref<128x16xf32, #tpu.memory_space<vmem>>) offsets(%dma_start3A_58 : memref<128xi32, #tpu.memory_space<vmem>>) semaphore(%arg16 : memref<!tpu.dma_semaphore, #tpu.memory_space<semaphore_mem>>)
    %jit3A_62 = arith.constant 4 : i32
    %div3A = arith.divsi %select_n3A_8, %jit3A_62 : i32
    %sign3A = arith.constant 0 : i32
    %sign3A_63 = arith.cmpi sgt, %select_n3A_8, %sign3A : i32
    %sign3A_64 = arith.extui %sign3A_63 : i1 to i32
    %sign3A_65 = arith.constant 0 : i32
    %sign3A_66 = arith.cmpi slt, %select_n3A_8, %sign3A_65 : i32
    %sign3A_67 = arith.extui %sign3A_66 : i1 to i32
    %sign3A_68 = arith.subi %sign3A_64, %sign3A_67 : i32
    %sign3A_69 = arith.constant 0 : i32
    %sign3A_70 = arith.cmpi sgt, %jit3A_62, %sign3A_69 : i32
    %sign3A_71 = arith.extui %sign3A_70 : i1 to i32
    %sign3A_72 = arith.constant 0 : i32
    %sign3A_73 = arith.cmpi slt, %jit3A_62, %sign3A_72 : i32
    %sign3A_74 = arith.extui %sign3A_73 : i1 to i32
    %sign3A_75 = arith.subi %sign3A_71, %sign3A_74 : i32
    %ne3A = arith.cmpi ne, %sign3A_68, %sign3A_75 : i32
    %rem3A = arith.remsi %select_n3A_8, %jit3A_62 : i32
    %ne3A_76 = arith.constant 0 : i32
    %ne3A_77 = arith.cmpi ne, %rem3A, %ne3A_76 : i32
    %and3A_78 = arith.andi %ne3A, %ne3A_77 : i1
    %sub3A = arith.constant 1 : i32
    %sub3A_79 = arith.subi %div3A, %sub3A : i32
    %select_n3A_80 = arith.select %and3A_78, %sub3A_79, %div3A : i32
    %sub3A_81 = arith.constant 1 : i32
    %sub3A_82 = arith.subi %select_n3A_80, %sub3A_81 : i32
    %while3A = arith.constant 0 : i32
    %while3A_83 = arith.constant 0 : i32
    %while3A_84 = arith.subi %sub3A_82, %while3A_83 : i32
    %while3A_85 = arith.addi %while3A_83, %while3A_84 : i32
    %while3A_86 = arith.constant 1 : i32
    %while3A_87 = arith.divsi %while3A_84, %while3A_86 : i32
    %while3A_88 = arith.muli %while3A_87, %while3A_86 : i32
    %while3A_89 = arith.addi %while3A_83, %while3A_88 : i32
    %while3A_90 = arith.constant 1 : i32
    scf.for %while3A_134 = %while3A_83 to %while3A_89 step %while3A_90  : i32 {
      %mul3A_135 = arith.constant 4 : i32
      %mul3A_136 = arith.muli %while3A_134, %mul3A_135 : i32
      %add3A_137 = arith.constant 0 : i32
      %add3A_138 = arith.addi %mul3A_136, %add3A_137 : i32
      %dma_wait3A_139 = arith.constant 0 : i32
      %dma_wait3A_140 = tpu.memref_slice %arg6[%add3A_138, %dma_wait3A_139] : memref<112x128xi32, #tpu.memory_space<vmem>> -> memref<1x128xi32, #tpu.memory_space<vmem>>
      %dma_wait3A_141 = tpu.memref_squeeze %dma_wait3A_140 : memref<1x128xi32, #tpu.memory_space<vmem>> -> memref<128xi32, #tpu.memory_space<vmem>>
      %dma_wait3A_142 = arith.constant 0 : i32
      %dma_wait3A_143 = arith.constant 0 : i32
      %dma_wait3A_144 = tpu.memref_slice %arg2[%dma_wait3A_142, %dma_wait3A_143] : memref<10112x16xf32, #tpu.memory_space<hbm>> -> memref<10112x16xf32, #tpu.memory_space<hbm>>
      tpu.wait_indirect_dma semaphore(%arg13 : memref<!tpu.dma_semaphore, #tpu.memory_space<semaphore_mem>>) src(%dma_wait3A_144 : memref<10112x16xf32, #tpu.memory_space<hbm>>) dst(%arg8 : memref<128x16xf32, #tpu.memory_space<vmem>>)
      %add3A_145 = arith.constant 0 : i32
      %add3A_146 = arith.addi %mul3A_136, %add3A_145 : i32
      "tpu.region"() ({
        %run_scoped3A = tpu.sem_alloc : memref<!tpu.dma_semaphore, #tpu.memory_space<semaphore_mem>>
        %dma_start3A_217 = arith.constant 0 : i32
        %dma_start3A_218 = tpu.memref_slice %arg7[%add3A_146, %dma_start3A_217] : memref<112x128xi32, #tpu.memory_space<vmem>> -> memref<1x128xi32, #tpu.memory_space<vmem>>
        %dma_start3A_219 = tpu.memref_squeeze %dma_start3A_218 : memref<1x128xi32, #tpu.memory_space<vmem>> -> memref<128xi32, #tpu.memory_space<vmem>>
        %dma_start3A_220 = arith.constant 0 : i32
        %dma_start3A_221 = arith.constant 0 : i32
        %dma_start3A_222 = tpu.memref_slice %arg12[%dma_start3A_220, %dma_start3A_221] : memref<10112x16xf32, #tpu.memory_space<vmem_shared>> -> memref<10112x16xf32, #tpu.memory_space<vmem_shared>>
        tpu.enqueue_indirect_dma source(%arg8 : memref<128x16xf32, #tpu.memory_space<vmem>>) target(%dma_start3A_222 : memref<10112x16xf32, #tpu.memory_space<vmem_shared>>) offsets(%dma_start3A_219 : memref<128xi32, #tpu.memory_space<vmem>>) semaphore(%run_scoped3A : memref<!tpu.dma_semaphore, #tpu.memory_space<semaphore_mem>>) {add = true}
        %dma_wait3A_223 = arith.constant 0 : i32
        %dma_wait3A_224 = tpu.memref_slice %arg7[%add3A_146, %dma_wait3A_223] : memref<112x128xi32, #tpu.memory_space<vmem>> -> memref<1x128xi32, #tpu.memory_space<vmem>>
        %dma_wait3A_225 = tpu.memref_squeeze %dma_wait3A_224 : memref<1x128xi32, #tpu.memory_space<vmem>> -> memref<128xi32, #tpu.memory_space<vmem>>
        %dma_wait3A_226 = arith.constant 0 : i32
        %dma_wait3A_227 = arith.constant 0 : i32
        %dma_wait3A_228 = tpu.memref_slice %arg12[%dma_wait3A_226, %dma_wait3A_227] : memref<10112x16xf32, #tpu.memory_space<vmem_shared>> -> memref<10112x16xf32, #tpu.memory_space<vmem_shared>>
        tpu.wait_indirect_dma semaphore(%run_scoped3A : memref<!tpu.dma_semaphore, #tpu.memory_space<semaphore_mem>>) src(%arg8 : memref<128x16xf32, #tpu.memory_space<vmem>>) dst(%dma_wait3A_228 : memref<10112x16xf32, #tpu.memory_space<vmem_shared>>)
        tpu.yield
      }) : () -> ()
      %add3A_147 = arith.constant 0 : i32
      %add3A_148 = arith.addi %mul3A_136, %add3A_147 : i32
      %add3A_149 = arith.constant 4 : i32
      %add3A_150 = arith.addi %add3A_148, %add3A_149 : i32
      %dma_start3A_151 = arith.constant 0 : i32
      %dma_start3A_152 = tpu.memref_slice %arg6[%add3A_150, %dma_start3A_151] : memref<112x128xi32, #tpu.memory_space<vmem>> -> memref<1x128xi32, #tpu.memory_space<vmem>>
      %dma_start3A_153 = tpu.memref_squeeze %dma_start3A_152 : memref<1x128xi32, #tpu.memory_space<vmem>> -> memref<128xi32, #tpu.memory_space<vmem>>
      %dma_start3A_154 = arith.constant 0 : i32
      %dma_start3A_155 = arith.constant 0 : i32
      %dma_start3A_156 = tpu.memref_slice %arg2[%dma_start3A_154, %dma_start3A_155] : memref<10112x16xf32, #tpu.memory_space<hbm>> -> memref<10112x16xf32, #tpu.memory_space<hbm>>
      tpu.enqueue_indirect_dma source(%dma_start3A_156 : memref<10112x16xf32, #tpu.memory_space<hbm>>) target(%arg8 : memref<128x16xf32, #tpu.memory_space<vmem>>) offsets(%dma_start3A_153 : memref<128xi32, #tpu.memory_space<vmem>>) semaphore(%arg13 : memref<!tpu.dma_semaphore, #tpu.memory_space<semaphore_mem>>)
      %add3A_157 = arith.constant 1 : i32
      %add3A_158 = arith.addi %mul3A_136, %add3A_157 : i32
      %dma_wait3A_159 = arith.constant 0 : i32
      %dma_wait3A_160 = tpu.memref_slice %arg6[%add3A_158, %dma_wait3A_159] : memref<112x128xi32, #tpu.memory_space<vmem>> -> memref<1x128xi32, #tpu.memory_space<vmem>>
      %dma_wait3A_161 = tpu.memref_squeeze %dma_wait3A_160 : memref<1x128xi32, #tpu.memory_space<vmem>> -> memref<128xi32, #tpu.memory_space<vmem>>
      %dma_wait3A_162 = arith.constant 0 : i32
      %dma_wait3A_163 = arith.constant 0 : i32
      %dma_wait3A_164 = tpu.memref_slice %arg2[%dma_wait3A_162, %dma_wait3A_163] : memref<10112x16xf32, #tpu.memory_space<hbm>> -> memref<10112x16xf32, #tpu.memory_space<hbm>>
      tpu.wait_indirect_dma semaphore(%arg14 : memref<!tpu.dma_semaphore, #tpu.memory_space<semaphore_mem>>) src(%dma_wait3A_164 : memref<10112x16xf32, #tpu.memory_space<hbm>>) dst(%arg9 : memref<128x16xf32, #tpu.memory_space<vmem>>)
      %add3A_165 = arith.constant 1 : i32
      %add3A_166 = arith.addi %mul3A_136, %add3A_165 : i32
      "tpu.region"() ({
        %run_scoped3A = tpu.sem_alloc : memref<!tpu.dma_semaphore, #tpu.memory_space<semaphore_mem>>
        %dma_start3A_217 = arith.constant 0 : i32
        %dma_start3A_218 = tpu.memref_slice %arg7[%add3A_166, %dma_start3A_217] : memref<112x128xi32, #tpu.memory_space<vmem>> -> memref<1x128xi32, #tpu.memory_space<vmem>>
        %dma_start3A_219 = tpu.memref_squeeze %dma_start3A_218 : memref<1x128xi32, #tpu.memory_space<vmem>> -> memref<128xi32, #tpu.memory_space<vmem>>
        %dma_start3A_220 = arith.constant 0 : i32
        %dma_start3A_221 = arith.constant 0 : i32
        %dma_start3A_222 = tpu.memref_slice %arg12[%dma_start3A_220, %dma_start3A_221] : memref<10112x16xf32, #tpu.memory_space<vmem_shared>> -> memref<10112x16xf32, #tpu.memory_space<vmem_shared>>
        tpu.enqueue_indirect_dma source(%arg9 : memref<128x16xf32, #tpu.memory_space<vmem>>) target(%dma_start3A_222 : memref<10112x16xf32, #tpu.memory_space<vmem_shared>>) offsets(%dma_start3A_219 : memref<128xi32, #tpu.memory_space<vmem>>) semaphore(%run_scoped3A : memref<!tpu.dma_semaphore, #tpu.memory_space<semaphore_mem>>) {add = true}
        %dma_wait3A_223 = arith.constant 0 : i32
        %dma_wait3A_224 = tpu.memref_slice %arg7[%add3A_166, %dma_wait3A_223] : memref<112x128xi32, #tpu.memory_space<vmem>> -> memref<1x128xi32, #tpu.memory_space<vmem>>
        %dma_wait3A_225 = tpu.memref_squeeze %dma_wait3A_224 : memref<1x128xi32, #tpu.memory_space<vmem>> -> memref<128xi32, #tpu.memory_space<vmem>>
        %dma_wait3A_226 = arith.constant 0 : i32
        %dma_wait3A_227 = arith.constant 0 : i32
        %dma_wait3A_228 = tpu.memref_slice %arg12[%dma_wait3A_226, %dma_wait3A_227] : memref<10112x16xf32, #tpu.memory_space<vmem_shared>> -> memref<10112x16xf32, #tpu.memory_space<vmem_shared>>
        tpu.wait_indirect_dma semaphore(%run_scoped3A : memref<!tpu.dma_semaphore, #tpu.memory_space<semaphore_mem>>) src(%arg9 : memref<128x16xf32, #tpu.memory_space<vmem>>) dst(%dma_wait3A_228 : memref<10112x16xf32, #tpu.memory_space<vmem_shared>>)
        tpu.yield
      }) : () -> ()
      %add3A_167 = arith.constant 1 : i32
      %add3A_168 = arith.addi %mul3A_136, %add3A_167 : i32
      %add3A_169 = arith.constant 4 : i32
      %add3A_170 = arith.addi %add3A_168, %add3A_169 : i32
      %dma_start3A_171 = arith.constant 0 : i32
      %dma_start3A_172 = tpu.memref_slice %arg6[%add3A_170, %dma_start3A_171] : memref<112x128xi32, #tpu.memory_space<vmem>> -> memref<1x128xi32, #tpu.memory_space<vmem>>
      %dma_start3A_173 = tpu.memref_squeeze %dma_start3A_172 : memref<1x128xi32, #tpu.memory_space<vmem>> -> memref<128xi32, #tpu.memory_space<vmem>>
      %dma_start3A_174 = arith.constant 0 : i32
      %dma_start3A_175 = arith.constant 0 : i32
      %dma_start3A_176 = tpu.memref_slice %arg2[%dma_start3A_174, %dma_start3A_175] : memref<10112x16xf32, #tpu.memory_space<hbm>> -> memref<10112x16xf32, #tpu.memory_space<hbm>>
      tpu.enqueue_indirect_dma source(%dma_start3A_176 : memref<10112x16xf32, #tpu.memory_space<hbm>>) target(%arg9 : memref<128x16xf32, #tpu.memory_space<vmem>>) offsets(%dma_start3A_173 : memref<128xi32, #tpu.memory_space<vmem>>) semaphore(%arg14 : memref<!tpu.dma_semaphore, #tpu.memory_space<semaphore_mem>>)
      %add3A_177 = arith.constant 2 : i32
      %add3A_178 = arith.addi %mul3A_136, %add3A_177 : i32
      %dma_wait3A_179 = arith.constant 0 : i32
      %dma_wait3A_180 = tpu.memref_slice %arg6[%add3A_178, %dma_wait3A_179] : memref<112x128xi32, #tpu.memory_space<vmem>> -> memref<1x128xi32, #tpu.memory_space<vmem>>
      %dma_wait3A_181 = tpu.memref_squeeze %dma_wait3A_180 : memref<1x128xi32, #tpu.memory_space<vmem>> -> memref<128xi32, #tpu.memory_space<vmem>>
      %dma_wait3A_182 = arith.constant 0 : i32
      %dma_wait3A_183 = arith.constant 0 : i32
      %dma_wait3A_184 = tpu.memref_slice %arg2[%dma_wait3A_182, %dma_wait3A_183] : memref<10112x16xf32, #tpu.memory_space<hbm>> -> memref<10112x16xf32, #tpu.memory_space<hbm>>
      tpu.wait_indirect_dma semaphore(%arg15 : memref<!tpu.dma_semaphore, #tpu.memory_space<semaphore_mem>>) src(%dma_wait3A_184 : memref<10112x16xf32, #tpu.memory_space<hbm>>) dst(%arg10 : memref<128x16xf32, #tpu.memory_space<vmem>>)
      %add3A_185 = arith.constant 2 : i32
      %add3A_186 = arith.addi %mul3A_136, %add3A_185 : i32
      "tpu.region"() ({
        %run_scoped3A = tpu.sem_alloc : memref<!tpu.dma_semaphore, #tpu.memory_space<semaphore_mem>>
        %dma_start3A_217 = arith.constant 0 : i32
        %dma_start3A_218 = tpu.memref_slice %arg7[%add3A_186, %dma_start3A_217] : memref<112x128xi32, #tpu.memory_space<vmem>> -> memref<1x128xi32, #tpu.memory_space<vmem>>
        %dma_start3A_219 = tpu.memref_squeeze %dma_start3A_218 : memref<1x128xi32, #tpu.memory_space<vmem>> -> memref<128xi32, #tpu.memory_space<vmem>>
        %dma_start3A_220 = arith.constant 0 : i32
        %dma_start3A_221 = arith.constant 0 : i32
        %dma_start3A_222 = tpu.memref_slice %arg12[%dma_start3A_220, %dma_start3A_221] : memref<10112x16xf32, #tpu.memory_space<vmem_shared>> -> memref<10112x16xf32, #tpu.memory_space<vmem_shared>>
        tpu.enqueue_indirect_dma source(%arg10 : memref<128x16xf32, #tpu.memory_space<vmem>>) target(%dma_start3A_222 : memref<10112x16xf32, #tpu.memory_space<vmem_shared>>) offsets(%dma_start3A_219 : memref<128xi32, #tpu.memory_space<vmem>>) semaphore(%run_scoped3A : memref<!tpu.dma_semaphore, #tpu.memory_space<semaphore_mem>>) {add = true}
        %dma_wait3A_223 = arith.constant 0 : i32
        %dma_wait3A_224 = tpu.memref_slice %arg7[%add3A_186, %dma_wait3A_223] : memref<112x128xi32, #tpu.memory_space<vmem>> -> memref<1x128xi32, #tpu.memory_space<vmem>>
        %dma_wait3A_225 = tpu.memref_squeeze %dma_wait3A_224 : memref<1x128xi32, #tpu.memory_space<vmem>> -> memref<128xi32, #tpu.memory_space<vmem>>
        %dma_wait3A_226 = arith.constant 0 : i32
        %dma_wait3A_227 = arith.constant 0 : i32
        %dma_wait3A_228 = tpu.memref_slice %arg12[%dma_wait3A_226, %dma_wait3A_227] : memref<10112x16xf32, #tpu.memory_space<vmem_shared>> -> memref<10112x16xf32, #tpu.memory_space<vmem_shared>>
        tpu.wait_indirect_dma semaphore(%run_scoped3A : memref<!tpu.dma_semaphore, #tpu.memory_space<semaphore_mem>>) src(%arg10 : memref<128x16xf32, #tpu.memory_space<vmem>>) dst(%dma_wait3A_228 : memref<10112x16xf32, #tpu.memory_space<vmem_shared>>)
        tpu.yield
      }) : () -> ()
      %add3A_187 = arith.constant 2 : i32
      %add3A_188 = arith.addi %mul3A_136, %add3A_187 : i32
      %add3A_189 = arith.constant 4 : i32
      %add3A_190 = arith.addi %add3A_188, %add3A_189 : i32
      %dma_start3A_191 = arith.constant 0 : i32
      %dma_start3A_192 = tpu.memref_slice %arg6[%add3A_190, %dma_start3A_191] : memref<112x128xi32, #tpu.memory_space<vmem>> -> memref<1x128xi32, #tpu.memory_space<vmem>>
      %dma_start3A_193 = tpu.memref_squeeze %dma_start3A_192 : memref<1x128xi32, #tpu.memory_space<vmem>> -> memref<128xi32, #tpu.memory_space<vmem>>
      %dma_start3A_194 = arith.constant 0 : i32
      %dma_start3A_195 = arith.constant 0 : i32
      %dma_start3A_196 = tpu.memref_slice %arg2[%dma_start3A_194, %dma_start3A_195] : memref<10112x16xf32, #tpu.memory_space<hbm>> -> memref<10112x16xf32, #tpu.memory_space<hbm>>
      tpu.enqueue_indirect_dma source(%dma_start3A_196 : memref<10112x16xf32, #tpu.memory_space<hbm>>) target(%arg10 : memref<128x16xf32, #tpu.memory_space<vmem>>) offsets(%dma_start3A_193 : memref<128xi32, #tpu.memory_space<vmem>>) semaphore(%arg15 : memref<!tpu.dma_semaphore, #tpu.memory_space<semaphore_mem>>)
      %add3A_197 = arith.constant 3 : i32
      %add3A_198 = arith.addi %mul3A_136, %add3A_197 : i32
      %dma_wait3A_199 = arith.constant 0 : i32
      %dma_wait3A_200 = tpu.memref_slice %arg6[%add3A_198, %dma_wait3A_199] : memref<112x128xi32, #tpu.memory_space<vmem>> -> memref<1x128xi32, #tpu.memory_space<vmem>>
      %dma_wait3A_201 = tpu.memref_squeeze %dma_wait3A_200 : memref<1x128xi32, #tpu.memory_space<vmem>> -> memref<128xi32, #tpu.memory_space<vmem>>
      %dma_wait3A_202 = arith.constant 0 : i32
      %dma_wait3A_203 = arith.constant 0 : i32
      %dma_wait3A_204 = tpu.memref_slice %arg2[%dma_wait3A_202, %dma_wait3A_203] : memref<10112x16xf32, #tpu.memory_space<hbm>> -> memref<10112x16xf32, #tpu.memory_space<hbm>>
      tpu.wait_indirect_dma semaphore(%arg16 : memref<!tpu.dma_semaphore, #tpu.memory_space<semaphore_mem>>) src(%dma_wait3A_204 : memref<10112x16xf32, #tpu.memory_space<hbm>>) dst(%arg11 : memref<128x16xf32, #tpu.memory_space<vmem>>)
      %add3A_205 = arith.constant 3 : i32
      %add3A_206 = arith.addi %mul3A_136, %add3A_205 : i32
      "tpu.region"() ({
        %run_scoped3A = tpu.sem_alloc : memref<!tpu.dma_semaphore, #tpu.memory_space<semaphore_mem>>
        %dma_start3A_217 = arith.constant 0 : i32
        %dma_start3A_218 = tpu.memref_slice %arg7[%add3A_206, %dma_start3A_217] : memref<112x128xi32, #tpu.memory_space<vmem>> -> memref<1x128xi32, #tpu.memory_space<vmem>>
        %dma_start3A_219 = tpu.memref_squeeze %dma_start3A_218 : memref<1x128xi32, #tpu.memory_space<vmem>> -> memref<128xi32, #tpu.memory_space<vmem>>
        %dma_start3A_220 = arith.constant 0 : i32
        %dma_start3A_221 = arith.constant 0 : i32
        %dma_start3A_222 = tpu.memref_slice %arg12[%dma_start3A_220, %dma_start3A_221] : memref<10112x16xf32, #tpu.memory_space<vmem_shared>> -> memref<10112x16xf32, #tpu.memory_space<vmem_shared>>
        tpu.enqueue_indirect_dma source(%arg11 : memref<128x16xf32, #tpu.memory_space<vmem>>) target(%dma_start3A_222 : memref<10112x16xf32, #tpu.memory_space<vmem_shared>>) offsets(%dma_start3A_219 : memref<128xi32, #tpu.memory_space<vmem>>) semaphore(%run_scoped3A : memref<!tpu.dma_semaphore, #tpu.memory_space<semaphore_mem>>) {add = true}
        %dma_wait3A_223 = arith.constant 0 : i32
        %dma_wait3A_224 = tpu.memref_slice %arg7[%add3A_206, %dma_wait3A_223] : memref<112x128xi32, #tpu.memory_space<vmem>> -> memref<1x128xi32, #tpu.memory_space<vmem>>
        %dma_wait3A_225 = tpu.memref_squeeze %dma_wait3A_224 : memref<1x128xi32, #tpu.memory_space<vmem>> -> memref<128xi32, #tpu.memory_space<vmem>>
        %dma_wait3A_226 = arith.constant 0 : i32
        %dma_wait3A_227 = arith.constant 0 : i32
        %dma_wait3A_228 = tpu.memref_slice %arg12[%dma_wait3A_226, %dma_wait3A_227] : memref<10112x16xf32, #tpu.memory_space<vmem_shared>> -> memref<10112x16xf32, #tpu.memory_space<vmem_shared>>
        tpu.wait_indirect_dma semaphore(%run_scoped3A : memref<!tpu.dma_semaphore, #tpu.memory_space<semaphore_mem>>) src(%arg11 : memref<128x16xf32, #tpu.memory_space<vmem>>) dst(%dma_wait3A_228 : memref<10112x16xf32, #tpu.memory_space<vmem_shared>>)
        tpu.yield
      }) : () -> ()
      %add3A_207 = arith.constant 3 : i32
      %add3A_208 = arith.addi %mul3A_136, %add3A_207 : i32
      %add3A_209 = arith.constant 4 : i32
      %add3A_210 = arith.addi %add3A_208, %add3A_209 : i32
      %dma_start3A_211 = arith.constant 0 : i32
      %dma_start3A_212 = tpu.memref_slice %arg6[%add3A_210, %dma_start3A_211] : memref<112x128xi32, #tpu.memory_space<vmem>> -> memref<1x128xi32, #tpu.memory_space<vmem>>
      %dma_start3A_213 = tpu.memref_squeeze %dma_start3A_212 : memref<1x128xi32, #tpu.memory_space<vmem>> -> memref<128xi32, #tpu.memory_space<vmem>>
      %dma_start3A_214 = arith.constant 0 : i32
      %dma_start3A_215 = arith.constant 0 : i32
      %dma_start3A_216 = tpu.memref_slice %arg2[%dma_start3A_214, %dma_start3A_215] : memref<10112x16xf32, #tpu.memory_space<hbm>> -> memref<10112x16xf32, #tpu.memory_space<hbm>>
      tpu.enqueue_indirect_dma source(%dma_start3A_216 : memref<10112x16xf32, #tpu.memory_space<hbm>>) target(%arg11 : memref<128x16xf32, #tpu.memory_space<vmem>>) offsets(%dma_start3A_213 : memref<128xi32, #tpu.memory_space<vmem>>) semaphore(%arg16 : memref<!tpu.dma_semaphore, #tpu.memory_space<semaphore_mem>>)
    }
    %while3A_91 = arith.constant 1 : i32
    scf.for %while3A_134 = %while3A_89 to %while3A_85 step %while3A_91  : i32 {
      %mul3A_135 = arith.constant 4 : i32
      %mul3A_136 = arith.muli %while3A_134, %mul3A_135 : i32
      %add3A_137 = arith.constant 0 : i32
      %add3A_138 = arith.addi %mul3A_136, %add3A_137 : i32
      %dma_wait3A_139 = arith.constant 0 : i32
      %dma_wait3A_140 = tpu.memref_slice %arg6[%add3A_138, %dma_wait3A_139] : memref<112x128xi32, #tpu.memory_space<vmem>> -> memref<1x128xi32, #tpu.memory_space<vmem>>
      %dma_wait3A_141 = tpu.memref_squeeze %dma_wait3A_140 : memref<1x128xi32, #tpu.memory_space<vmem>> -> memref<128xi32, #tpu.memory_space<vmem>>
      %dma_wait3A_142 = arith.constant 0 : i32
      %dma_wait3A_143 = arith.constant 0 : i32
      %dma_wait3A_144 = tpu.memref_slice %arg2[%dma_wait3A_142, %dma_wait3A_143] : memref<10112x16xf32, #tpu.memory_space<hbm>> -> memref<10112x16xf32, #tpu.memory_space<hbm>>
      tpu.wait_indirect_dma semaphore(%arg13 : memref<!tpu.dma_semaphore, #tpu.memory_space<semaphore_mem>>) src(%dma_wait3A_144 : memref<10112x16xf32, #tpu.memory_space<hbm>>) dst(%arg8 : memref<128x16xf32, #tpu.memory_space<vmem>>)
      %add3A_145 = arith.constant 0 : i32
      %add3A_146 = arith.addi %mul3A_136, %add3A_145 : i32
      "tpu.region"() ({
        %run_scoped3A = tpu.sem_alloc : memref<!tpu.dma_semaphore, #tpu.memory_space<semaphore_mem>>
        %dma_start3A_217 = arith.constant 0 : i32
        %dma_start3A_218 = tpu.memref_slice %arg7[%add3A_146, %dma_start3A_217] : memref<112x128xi32, #tpu.memory_space<vmem>> -> memref<1x128xi32, #tpu.memory_space<vmem>>
        %dma_start3A_219 = tpu.memref_squeeze %dma_start3A_218 : memref<1x128xi32, #tpu.memory_space<vmem>> -> memref<128xi32, #tpu.memory_space<vmem>>
        %dma_start3A_220 = arith.constant 0 : i32
        %dma_start3A_221 = arith.constant 0 : i32
        %dma_start3A_222 = tpu.memref_slice %arg12[%dma_start3A_220, %dma_start3A_221] : memref<10112x16xf32, #tpu.memory_space<vmem_shared>> -> memref<10112x16xf32, #tpu.memory_space<vmem_shared>>
        tpu.enqueue_indirect_dma source(%arg8 : memref<128x16xf32, #tpu.memory_space<vmem>>) target(%dma_start3A_222 : memref<10112x16xf32, #tpu.memory_space<vmem_shared>>) offsets(%dma_start3A_219 : memref<128xi32, #tpu.memory_space<vmem>>) semaphore(%run_scoped3A : memref<!tpu.dma_semaphore, #tpu.memory_space<semaphore_mem>>) {add = true}
        %dma_wait3A_223 = arith.constant 0 : i32
        %dma_wait3A_224 = tpu.memref_slice %arg7[%add3A_146, %dma_wait3A_223] : memref<112x128xi32, #tpu.memory_space<vmem>> -> memref<1x128xi32, #tpu.memory_space<vmem>>
        %dma_wait3A_225 = tpu.memref_squeeze %dma_wait3A_224 : memref<1x128xi32, #tpu.memory_space<vmem>> -> memref<128xi32, #tpu.memory_space<vmem>>
        %dma_wait3A_226 = arith.constant 0 : i32
        %dma_wait3A_227 = arith.constant 0 : i32
        %dma_wait3A_228 = tpu.memref_slice %arg12[%dma_wait3A_226, %dma_wait3A_227] : memref<10112x16xf32, #tpu.memory_space<vmem_shared>> -> memref<10112x16xf32, #tpu.memory_space<vmem_shared>>
        tpu.wait_indirect_dma semaphore(%run_scoped3A : memref<!tpu.dma_semaphore, #tpu.memory_space<semaphore_mem>>) src(%arg8 : memref<128x16xf32, #tpu.memory_space<vmem>>) dst(%dma_wait3A_228 : memref<10112x16xf32, #tpu.memory_space<vmem_shared>>)
        tpu.yield
      }) : () -> ()
      %add3A_147 = arith.constant 0 : i32
      %add3A_148 = arith.addi %mul3A_136, %add3A_147 : i32
      %add3A_149 = arith.constant 4 : i32
      %add3A_150 = arith.addi %add3A_148, %add3A_149 : i32
      %dma_start3A_151 = arith.constant 0 : i32
      %dma_start3A_152 = tpu.memref_slice %arg6[%add3A_150, %dma_start3A_151] : memref<112x128xi32, #tpu.memory_space<vmem>> -> memref<1x128xi32, #tpu.memory_space<vmem>>
      %dma_start3A_153 = tpu.memref_squeeze %dma_start3A_152 : memref<1x128xi32, #tpu.memory_space<vmem>> -> memref<128xi32, #tpu.memory_space<vmem>>
      %dma_start3A_154 = arith.constant 0 : i32
      %dma_start3A_155 = arith.constant 0 : i32
      %dma_start3A_156 = tpu.memref_slice %arg2[%dma_start3A_154, %dma_start3A_155] : memref<10112x16xf32, #tpu.memory_space<hbm>> -> memref<10112x16xf32, #tpu.memory_space<hbm>>
      tpu.enqueue_indirect_dma source(%dma_start3A_156 : memref<10112x16xf32, #tpu.memory_space<hbm>>) target(%arg8 : memref<128x16xf32, #tpu.memory_space<vmem>>) offsets(%dma_start3A_153 : memref<128xi32, #tpu.memory_space<vmem>>) semaphore(%arg13 : memref<!tpu.dma_semaphore, #tpu.memory_space<semaphore_mem>>)
      %add3A_157 = arith.constant 1 : i32
      %add3A_158 = arith.addi %mul3A_136, %add3A_157 : i32
      %dma_wait3A_159 = arith.constant 0 : i32
      %dma_wait3A_160 = tpu.memref_slice %arg6[%add3A_158, %dma_wait3A_159] : memref<112x128xi32, #tpu.memory_space<vmem>> -> memref<1x128xi32, #tpu.memory_space<vmem>>
      %dma_wait3A_161 = tpu.memref_squeeze %dma_wait3A_160 : memref<1x128xi32, #tpu.memory_space<vmem>> -> memref<128xi32, #tpu.memory_space<vmem>>
      %dma_wait3A_162 = arith.constant 0 : i32
      %dma_wait3A_163 = arith.constant 0 : i32
      %dma_wait3A_164 = tpu.memref_slice %arg2[%dma_wait3A_162, %dma_wait3A_163] : memref<10112x16xf32, #tpu.memory_space<hbm>> -> memref<10112x16xf32, #tpu.memory_space<hbm>>
      tpu.wait_indirect_dma semaphore(%arg14 : memref<!tpu.dma_semaphore, #tpu.memory_space<semaphore_mem>>) src(%dma_wait3A_164 : memref<10112x16xf32, #tpu.memory_space<hbm>>) dst(%arg9 : memref<128x16xf32, #tpu.memory_space<vmem>>)
      %add3A_165 = arith.constant 1 : i32
      %add3A_166 = arith.addi %mul3A_136, %add3A_165 : i32
      "tpu.region"() ({
        %run_scoped3A = tpu.sem_alloc : memref<!tpu.dma_semaphore, #tpu.memory_space<semaphore_mem>>
        %dma_start3A_217 = arith.constant 0 : i32
        %dma_start3A_218 = tpu.memref_slice %arg7[%add3A_166, %dma_start3A_217] : memref<112x128xi32, #tpu.memory_space<vmem>> -> memref<1x128xi32, #tpu.memory_space<vmem>>
        %dma_start3A_219 = tpu.memref_squeeze %dma_start3A_218 : memref<1x128xi32, #tpu.memory_space<vmem>> -> memref<128xi32, #tpu.memory_space<vmem>>
        %dma_start3A_220 = arith.constant 0 : i32
        %dma_start3A_221 = arith.constant 0 : i32
        %dma_start3A_222 = tpu.memref_slice %arg12[%dma_start3A_220, %dma_start3A_221] : memref<10112x16xf32, #tpu.memory_space<vmem_shared>> -> memref<10112x16xf32, #tpu.memory_space<vmem_shared>>
        tpu.enqueue_indirect_dma source(%arg9 : memref<128x16xf32, #tpu.memory_space<vmem>>) target(%dma_start3A_222 : memref<10112x16xf32, #tpu.memory_space<vmem_shared>>) offsets(%dma_start3A_219 : memref<128xi32, #tpu.memory_space<vmem>>) semaphore(%run_scoped3A : memref<!tpu.dma_semaphore, #tpu.memory_space<semaphore_mem>>) {add = true}
        %dma_wait3A_223 = arith.constant 0 : i32
        %dma_wait3A_224 = tpu.memref_slice %arg7[%add3A_166, %dma_wait3A_223] : memref<112x128xi32, #tpu.memory_space<vmem>> -> memref<1x128xi32, #tpu.memory_space<vmem>>
        %dma_wait3A_225 = tpu.memref_squeeze %dma_wait3A_224 : memref<1x128xi32, #tpu.memory_space<vmem>> -> memref<128xi32, #tpu.memory_space<vmem>>
        %dma_wait3A_226 = arith.constant 0 : i32
        %dma_wait3A_227 = arith.constant 0 : i32
        %dma_wait3A_228 = tpu.memref_slice %arg12[%dma_wait3A_226, %dma_wait3A_227] : memref<10112x16xf32, #tpu.memory_space<vmem_shared>> -> memref<10112x16xf32, #tpu.memory_space<vmem_shared>>
        tpu.wait_indirect_dma semaphore(%run_scoped3A : memref<!tpu.dma_semaphore, #tpu.memory_space<semaphore_mem>>) src(%arg9 : memref<128x16xf32, #tpu.memory_space<vmem>>) dst(%dma_wait3A_228 : memref<10112x16xf32, #tpu.memory_space<vmem_shared>>)
        tpu.yield
      }) : () -> ()
      %add3A_167 = arith.constant 1 : i32
      %add3A_168 = arith.addi %mul3A_136, %add3A_167 : i32
      %add3A_169 = arith.constant 4 : i32
      %add3A_170 = arith.addi %add3A_168, %add3A_169 : i32
      %dma_start3A_171 = arith.constant 0 : i32
      %dma_start3A_172 = tpu.memref_slice %arg6[%add3A_170, %dma_start3A_171] : memref<112x128xi32, #tpu.memory_space<vmem>> -> memref<1x128xi32, #tpu.memory_space<vmem>>
      %dma_start3A_173 = tpu.memref_squeeze %dma_start3A_172 : memref<1x128xi32, #tpu.memory_space<vmem>> -> memref<128xi32, #tpu.memory_space<vmem>>
      %dma_start3A_174 = arith.constant 0 : i32
      %dma_start3A_175 = arith.constant 0 : i32
      %dma_start3A_176 = tpu.memref_slice %arg2[%dma_start3A_174, %dma_start3A_175] : memref<10112x16xf32, #tpu.memory_space<hbm>> -> memref<10112x16xf32, #tpu.memory_space<hbm>>
      tpu.enqueue_indirect_dma source(%dma_start3A_176 : memref<10112x16xf32, #tpu.memory_space<hbm>>) target(%arg9 : memref<128x16xf32, #tpu.memory_space<vmem>>) offsets(%dma_start3A_173 : memref<128xi32, #tpu.memory_space<vmem>>) semaphore(%arg14 : memref<!tpu.dma_semaphore, #tpu.memory_space<semaphore_mem>>)
      %add3A_177 = arith.constant 2 : i32
      %add3A_178 = arith.addi %mul3A_136, %add3A_177 : i32
      %dma_wait3A_179 = arith.constant 0 : i32
      %dma_wait3A_180 = tpu.memref_slice %arg6[%add3A_178, %dma_wait3A_179] : memref<112x128xi32, #tpu.memory_space<vmem>> -> memref<1x128xi32, #tpu.memory_space<vmem>>
      %dma_wait3A_181 = tpu.memref_squeeze %dma_wait3A_180 : memref<1x128xi32, #tpu.memory_space<vmem>> -> memref<128xi32, #tpu.memory_space<vmem>>
      %dma_wait3A_182 = arith.constant 0 : i32
      %dma_wait3A_183 = arith.constant 0 : i32
      %dma_wait3A_184 = tpu.memref_slice %arg2[%dma_wait3A_182, %dma_wait3A_183] : memref<10112x16xf32, #tpu.memory_space<hbm>> -> memref<10112x16xf32, #tpu.memory_space<hbm>>
      tpu.wait_indirect_dma semaphore(%arg15 : memref<!tpu.dma_semaphore, #tpu.memory_space<semaphore_mem>>) src(%dma_wait3A_184 : memref<10112x16xf32, #tpu.memory_space<hbm>>) dst(%arg10 : memref<128x16xf32, #tpu.memory_space<vmem>>)
      %add3A_185 = arith.constant 2 : i32
      %add3A_186 = arith.addi %mul3A_136, %add3A_185 : i32
      "tpu.region"() ({
        %run_scoped3A = tpu.sem_alloc : memref<!tpu.dma_semaphore, #tpu.memory_space<semaphore_mem>>
        %dma_start3A_217 = arith.constant 0 : i32
        %dma_start3A_218 = tpu.memref_slice %arg7[%add3A_186, %dma_start3A_217] : memref<112x128xi32, #tpu.memory_space<vmem>> -> memref<1x128xi32, #tpu.memory_space<vmem>>
        %dma_start3A_219 = tpu.memref_squeeze %dma_start3A_218 : memref<1x128xi32, #tpu.memory_space<vmem>> -> memref<128xi32, #tpu.memory_space<vmem>>
        %dma_start3A_220 = arith.constant 0 : i32
        %dma_start3A_221 = arith.constant 0 : i32
        %dma_start3A_222 = tpu.memref_slice %arg12[%dma_start3A_220, %dma_start3A_221] : memref<10112x16xf32, #tpu.memory_space<vmem_shared>> -> memref<10112x16xf32, #tpu.memory_space<vmem_shared>>
        tpu.enqueue_indirect_dma source(%arg10 : memref<128x16xf32, #tpu.memory_space<vmem>>) target(%dma_start3A_222 : memref<10112x16xf32, #tpu.memory_space<vmem_shared>>) offsets(%dma_start3A_219 : memref<128xi32, #tpu.memory_space<vmem>>) semaphore(%run_scoped3A : memref<!tpu.dma_semaphore, #tpu.memory_space<semaphore_mem>>) {add = true}
        %dma_wait3A_223 = arith.constant 0 : i32
        %dma_wait3A_224 = tpu.memref_slice %arg7[%add3A_186, %dma_wait3A_223] : memref<112x128xi32, #tpu.memory_space<vmem>> -> memref<1x128xi32, #tpu.memory_space<vmem>>
        %dma_wait3A_225 = tpu.memref_squeeze %dma_wait3A_224 : memref<1x128xi32, #tpu.memory_space<vmem>> -> memref<128xi32, #tpu.memory_space<vmem>>
        %dma_wait3A_226 = arith.constant 0 : i32
        %dma_wait3A_227 = arith.constant 0 : i32
        %dma_wait3A_228 = tpu.memref_slice %arg12[%dma_wait3A_226, %dma_wait3A_227] : memref<10112x16xf32, #tpu.memory_space<vmem_shared>> -> memref<10112x16xf32, #tpu.memory_space<vmem_shared>>
        tpu.wait_indirect_dma semaphore(%run_scoped3A : memref<!tpu.dma_semaphore, #tpu.memory_space<semaphore_mem>>) src(%arg10 : memref<128x16xf32, #tpu.memory_space<vmem>>) dst(%dma_wait3A_228 : memref<10112x16xf32, #tpu.memory_space<vmem_shared>>)
        tpu.yield
      }) : () -> ()
      %add3A_187 = arith.constant 2 : i32
      %add3A_188 = arith.addi %mul3A_136, %add3A_187 : i32
      %add3A_189 = arith.constant 4 : i32
      %add3A_190 = arith.addi %add3A_188, %add3A_189 : i32
      %dma_start3A_191 = arith.constant 0 : i32
      %dma_start3A_192 = tpu.memref_slice %arg6[%add3A_190, %dma_start3A_191] : memref<112x128xi32, #tpu.memory_space<vmem>> -> memref<1x128xi32, #tpu.memory_space<vmem>>
      %dma_start3A_193 = tpu.memref_squeeze %dma_start3A_192 : memref<1x128xi32, #tpu.memory_space<vmem>> -> memref<128xi32, #tpu.memory_space<vmem>>
      %dma_start3A_194 = arith.constant 0 : i32
      %dma_start3A_195 = arith.constant 0 : i32
      %dma_start3A_196 = tpu.memref_slice %arg2[%dma_start3A_194, %dma_start3A_195] : memref<10112x16xf32, #tpu.memory_space<hbm>> -> memref<10112x16xf32, #tpu.memory_space<hbm>>
      tpu.enqueue_indirect_dma source(%dma_start3A_196 : memref<10112x16xf32, #tpu.memory_space<hbm>>) target(%arg10 : memref<128x16xf32, #tpu.memory_space<vmem>>) offsets(%dma_start3A_193 : memref<128xi32, #tpu.memory_space<vmem>>) semaphore(%arg15 : memref<!tpu.dma_semaphore, #tpu.memory_space<semaphore_mem>>)
      %add3A_197 = arith.constant 3 : i32
      %add3A_198 = arith.addi %mul3A_136, %add3A_197 : i32
      %dma_wait3A_199 = arith.constant 0 : i32
      %dma_wait3A_200 = tpu.memref_slice %arg6[%add3A_198, %dma_wait3A_199] : memref<112x128xi32, #tpu.memory_space<vmem>> -> memref<1x128xi32, #tpu.memory_space<vmem>>
      %dma_wait3A_201 = tpu.memref_squeeze %dma_wait3A_200 : memref<1x128xi32, #tpu.memory_space<vmem>> -> memref<128xi32, #tpu.memory_space<vmem>>
      %dma_wait3A_202 = arith.constant 0 : i32
      %dma_wait3A_203 = arith.constant 0 : i32
      %dma_wait3A_204 = tpu.memref_slice %arg2[%dma_wait3A_202, %dma_wait3A_203] : memref<10112x16xf32, #tpu.memory_space<hbm>> -> memref<10112x16xf32, #tpu.memory_space<hbm>>
      tpu.wait_indirect_dma semaphore(%arg16 : memref<!tpu.dma_semaphore, #tpu.memory_space<semaphore_mem>>) src(%dma_wait3A_204 : memref<10112x16xf32, #tpu.memory_space<hbm>>) dst(%arg11 : memref<128x16xf32, #tpu.memory_space<vmem>>)
      %add3A_205 = arith.constant 3 : i32
      %add3A_206 = arith.addi %mul3A_136, %add3A_205 : i32
      "tpu.region"() ({
        %run_scoped3A = tpu.sem_alloc : memref<!tpu.dma_semaphore, #tpu.memory_space<semaphore_mem>>
        %dma_start3A_217 = arith.constant 0 : i32
        %dma_start3A_218 = tpu.memref_slice %arg7[%add3A_206, %dma_start3A_217] : memref<112x128xi32, #tpu.memory_space<vmem>> -> memref<1x128xi32, #tpu.memory_space<vmem>>
        %dma_start3A_219 = tpu.memref_squeeze %dma_start3A_218 : memref<1x128xi32, #tpu.memory_space<vmem>> -> memref<128xi32, #tpu.memory_space<vmem>>
        %dma_start3A_220 = arith.constant 0 : i32
        %dma_start3A_221 = arith.constant 0 : i32
        %dma_start3A_222 = tpu.memref_slice %arg12[%dma_start3A_220, %dma_start3A_221] : memref<10112x16xf32, #tpu.memory_space<vmem_shared>> -> memref<10112x16xf32, #tpu.memory_space<vmem_shared>>
        tpu.enqueue_indirect_dma source(%arg11 : memref<128x16xf32, #tpu.memory_space<vmem>>) target(%dma_start3A_222 : memref<10112x16xf32, #tpu.memory_space<vmem_shared>>) offsets(%dma_start3A_219 : memref<128xi32, #tpu.memory_space<vmem>>) semaphore(%run_scoped3A : memref<!tpu.dma_semaphore, #tpu.memory_space<semaphore_mem>>) {add = true}
        %dma_wait3A_223 = arith.constant 0 : i32
        %dma_wait3A_224 = tpu.memref_slice %arg7[%add3A_206, %dma_wait3A_223] : memref<112x128xi32, #tpu.memory_space<vmem>> -> memref<1x128xi32, #tpu.memory_space<vmem>>
        %dma_wait3A_225 = tpu.memref_squeeze %dma_wait3A_224 : memref<1x128xi32, #tpu.memory_space<vmem>> -> memref<128xi32, #tpu.memory_space<vmem>>
        %dma_wait3A_226 = arith.constant 0 : i32
        %dma_wait3A_227 = arith.constant 0 : i32
        %dma_wait3A_228 = tpu.memref_slice %arg12[%dma_wait3A_226, %dma_wait3A_227] : memref<10112x16xf32, #tpu.memory_space<vmem_shared>> -> memref<10112x16xf32, #tpu.memory_space<vmem_shared>>
        tpu.wait_indirect_dma semaphore(%run_scoped3A : memref<!tpu.dma_semaphore, #tpu.memory_space<semaphore_mem>>) src(%arg11 : memref<128x16xf32, #tpu.memory_space<vmem>>) dst(%dma_wait3A_228 : memref<10112x16xf32, #tpu.memory_space<vmem_shared>>)
        tpu.yield
      }) : () -> ()
      %add3A_207 = arith.constant 3 : i32
      %add3A_208 = arith.addi %mul3A_136, %add3A_207 : i32
      %add3A_209 = arith.constant 4 : i32
      %add3A_210 = arith.addi %add3A_208, %add3A_209 : i32
      %dma_start3A_211 = arith.constant 0 : i32
      %dma_start3A_212 = tpu.memref_slice %arg6[%add3A_210, %dma_start3A_211] : memref<112x128xi32, #tpu.memory_space<vmem>> -> memref<1x128xi32, #tpu.memory_space<vmem>>
      %dma_start3A_213 = tpu.memref_squeeze %dma_start3A_212 : memref<1x128xi32, #tpu.memory_space<vmem>> -> memref<128xi32, #tpu.memory_space<vmem>>
      %dma_start3A_214 = arith.constant 0 : i32
      %dma_start3A_215 = arith.constant 0 : i32
      %dma_start3A_216 = tpu.memref_slice %arg2[%dma_start3A_214, %dma_start3A_215] : memref<10112x16xf32, #tpu.memory_space<hbm>> -> memref<10112x16xf32, #tpu.memory_space<hbm>>
      tpu.enqueue_indirect_dma source(%dma_start3A_216 : memref<10112x16xf32, #tpu.memory_space<hbm>>) target(%arg11 : memref<128x16xf32, #tpu.memory_space<vmem>>) offsets(%dma_start3A_213 : memref<128xi32, #tpu.memory_space<vmem>>) semaphore(%arg16 : memref<!tpu.dma_semaphore, #tpu.memory_space<semaphore_mem>>)
    }
    %sub3A_92 = arith.constant 4 : i32
    %sub3A_93 = arith.subi %select_n3A_8, %sub3A_92 : i32
    %add3A_94 = arith.constant 0 : i32
    %add3A_95 = arith.addi %sub3A_93, %add3A_94 : i32
    %dma_wait3A = arith.constant 0 : i32
    %dma_wait3A_96 = tpu.memref_slice %arg6[%add3A_95, %dma_wait3A] : memref<112x128xi32, #tpu.memory_space<vmem>> -> memref<1x128xi32, #tpu.memory_space<vmem>>
    %dma_wait3A_97 = tpu.memref_squeeze %dma_wait3A_96 : memref<1x128xi32, #tpu.memory_space<vmem>> -> memref<128xi32, #tpu.memory_space<vmem>>
    %dma_wait3A_98 = arith.constant 0 : i32
    %dma_wait3A_99 = arith.constant 0 : i32
    %dma_wait3A_100 = tpu.memref_slice %arg2[%dma_wait3A_98, %dma_wait3A_99] : memref<10112x16xf32, #tpu.memory_space<hbm>> -> memref<10112x16xf32, #tpu.memory_space<hbm>>
    tpu.wait_indirect_dma semaphore(%arg13 : memref<!tpu.dma_semaphore, #tpu.memory_space<semaphore_mem>>) src(%dma_wait3A_100 : memref<10112x16xf32, #tpu.memory_space<hbm>>) dst(%arg8 : memref<128x16xf32, #tpu.memory_space<vmem>>)
    %add3A_101 = arith.constant 0 : i32
    %add3A_102 = arith.addi %sub3A_93, %add3A_101 : i32
    "tpu.region"() ({
      %run_scoped3A = tpu.sem_alloc : memref<!tpu.dma_semaphore, #tpu.memory_space<semaphore_mem>>
      %dma_start3A_134 = arith.constant 0 : i32
      %dma_start3A_135 = tpu.memref_slice %arg7[%add3A_102, %dma_start3A_134] : memref<112x128xi32, #tpu.memory_space<vmem>> -> memref<1x128xi32, #tpu.memory_space<vmem>>
      %dma_start3A_136 = tpu.memref_squeeze %dma_start3A_135 : memref<1x128xi32, #tpu.memory_space<vmem>> -> memref<128xi32, #tpu.memory_space<vmem>>
      %dma_start3A_137 = arith.constant 0 : i32
      %dma_start3A_138 = arith.constant 0 : i32
      %dma_start3A_139 = tpu.memref_slice %arg12[%dma_start3A_137, %dma_start3A_138] : memref<10112x16xf32, #tpu.memory_space<vmem_shared>> -> memref<10112x16xf32, #tpu.memory_space<vmem_shared>>
      tpu.enqueue_indirect_dma source(%arg8 : memref<128x16xf32, #tpu.memory_space<vmem>>) target(%dma_start3A_139 : memref<10112x16xf32, #tpu.memory_space<vmem_shared>>) offsets(%dma_start3A_136 : memref<128xi32, #tpu.memory_space<vmem>>) semaphore(%run_scoped3A : memref<!tpu.dma_semaphore, #tpu.memory_space<semaphore_mem>>) {add = true}
      %dma_wait3A_140 = arith.constant 0 : i32
      %dma_wait3A_141 = tpu.memref_slice %arg7[%add3A_102, %dma_wait3A_140] : memref<112x128xi32, #tpu.memory_space<vmem>> -> memref<1x128xi32, #tpu.memory_space<vmem>>
      %dma_wait3A_142 = tpu.memref_squeeze %dma_wait3A_141 : memref<1x128xi32, #tpu.memory_space<vmem>> -> memref<128xi32, #tpu.memory_space<vmem>>
      %dma_wait3A_143 = arith.constant 0 : i32
      %dma_wait3A_144 = arith.constant 0 : i32
      %dma_wait3A_145 = tpu.memref_slice %arg12[%dma_wait3A_143, %dma_wait3A_144] : memref<10112x16xf32, #tpu.memory_space<vmem_shared>> -> memref<10112x16xf32, #tpu.memory_space<vmem_shared>>
      tpu.wait_indirect_dma semaphore(%run_scoped3A : memref<!tpu.dma_semaphore, #tpu.memory_space<semaphore_mem>>) src(%arg8 : memref<128x16xf32, #tpu.memory_space<vmem>>) dst(%dma_wait3A_145 : memref<10112x16xf32, #tpu.memory_space<vmem_shared>>)
      tpu.yield
    }) : () -> ()
    %add3A_103 = arith.constant 1 : i32
    %add3A_104 = arith.addi %sub3A_93, %add3A_103 : i32
    %dma_wait3A_105 = arith.constant 0 : i32
    %dma_wait3A_106 = tpu.memref_slice %arg6[%add3A_104, %dma_wait3A_105] : memref<112x128xi32, #tpu.memory_space<vmem>> -> memref<1x128xi32, #tpu.memory_space<vmem>>
    %dma_wait3A_107 = tpu.memref_squeeze %dma_wait3A_106 : memref<1x128xi32, #tpu.memory_space<vmem>> -> memref<128xi32, #tpu.memory_space<vmem>>
    %dma_wait3A_108 = arith.constant 0 : i32
    %dma_wait3A_109 = arith.constant 0 : i32
    %dma_wait3A_110 = tpu.memref_slice %arg2[%dma_wait3A_108, %dma_wait3A_109] : memref<10112x16xf32, #tpu.memory_space<hbm>> -> memref<10112x16xf32, #tpu.memory_space<hbm>>
    tpu.wait_indirect_dma semaphore(%arg14 : memref<!tpu.dma_semaphore, #tpu.memory_space<semaphore_mem>>) src(%dma_wait3A_110 : memref<10112x16xf32, #tpu.memory_space<hbm>>) dst(%arg9 : memref<128x16xf32, #tpu.memory_space<vmem>>)
    %add3A_111 = arith.constant 1 : i32
    %add3A_112 = arith.addi %sub3A_93, %add3A_111 : i32
    "tpu.region"() ({
      %run_scoped3A = tpu.sem_alloc : memref<!tpu.dma_semaphore, #tpu.memory_space<semaphore_mem>>
      %dma_start3A_134 = arith.constant 0 : i32
      %dma_start3A_135 = tpu.memref_slice %arg7[%add3A_112, %dma_start3A_134] : memref<112x128xi32, #tpu.memory_space<vmem>> -> memref<1x128xi32, #tpu.memory_space<vmem>>
      %dma_start3A_136 = tpu.memref_squeeze %dma_start3A_135 : memref<1x128xi32, #tpu.memory_space<vmem>> -> memref<128xi32, #tpu.memory_space<vmem>>
      %dma_start3A_137 = arith.constant 0 : i32
      %dma_start3A_138 = arith.constant 0 : i32
      %dma_start3A_139 = tpu.memref_slice %arg12[%dma_start3A_137, %dma_start3A_138] : memref<10112x16xf32, #tpu.memory_space<vmem_shared>> -> memref<10112x16xf32, #tpu.memory_space<vmem_shared>>
      tpu.enqueue_indirect_dma source(%arg9 : memref<128x16xf32, #tpu.memory_space<vmem>>) target(%dma_start3A_139 : memref<10112x16xf32, #tpu.memory_space<vmem_shared>>) offsets(%dma_start3A_136 : memref<128xi32, #tpu.memory_space<vmem>>) semaphore(%run_scoped3A : memref<!tpu.dma_semaphore, #tpu.memory_space<semaphore_mem>>) {add = true}
      %dma_wait3A_140 = arith.constant 0 : i32
      %dma_wait3A_141 = tpu.memref_slice %arg7[%add3A_112, %dma_wait3A_140] : memref<112x128xi32, #tpu.memory_space<vmem>> -> memref<1x128xi32, #tpu.memory_space<vmem>>
      %dma_wait3A_142 = tpu.memref_squeeze %dma_wait3A_141 : memref<1x128xi32, #tpu.memory_space<vmem>> -> memref<128xi32, #tpu.memory_space<vmem>>
      %dma_wait3A_143 = arith.constant 0 : i32
      %dma_wait3A_144 = arith.constant 0 : i32
      %dma_wait3A_145 = tpu.memref_slice %arg12[%dma_wait3A_143, %dma_wait3A_144] : memref<10112x16xf32, #tpu.memory_space<vmem_shared>> -> memref<10112x16xf32, #tpu.memory_space<vmem_shared>>
      tpu.wait_indirect_dma semaphore(%run_scoped3A : memref<!tpu.dma_semaphore, #tpu.memory_space<semaphore_mem>>) src(%arg9 : memref<128x16xf32, #tpu.memory_space<vmem>>) dst(%dma_wait3A_145 : memref<10112x16xf32, #tpu.memory_space<vmem_shared>>)
      tpu.yield
    }) : () -> ()
    %add3A_113 = arith.constant 2 : i32
    %add3A_114 = arith.addi %sub3A_93, %add3A_113 : i32
    %dma_wait3A_115 = arith.constant 0 : i32
    %dma_wait3A_116 = tpu.memref_slice %arg6[%add3A_114, %dma_wait3A_115] : memref<112x128xi32, #tpu.memory_space<vmem>> -> memref<1x128xi32, #tpu.memory_space<vmem>>
    %dma_wait3A_117 = tpu.memref_squeeze %dma_wait3A_116 : memref<1x128xi32, #tpu.memory_space<vmem>> -> memref<128xi32, #tpu.memory_space<vmem>>
    %dma_wait3A_118 = arith.constant 0 : i32
    %dma_wait3A_119 = arith.constant 0 : i32
    %dma_wait3A_120 = tpu.memref_slice %arg2[%dma_wait3A_118, %dma_wait3A_119] : memref<10112x16xf32, #tpu.memory_space<hbm>> -> memref<10112x16xf32, #tpu.memory_space<hbm>>
    tpu.wait_indirect_dma semaphore(%arg15 : memref<!tpu.dma_semaphore, #tpu.memory_space<semaphore_mem>>) src(%dma_wait3A_120 : memref<10112x16xf32, #tpu.memory_space<hbm>>) dst(%arg10 : memref<128x16xf32, #tpu.memory_space<vmem>>)
    %add3A_121 = arith.constant 2 : i32
    %add3A_122 = arith.addi %sub3A_93, %add3A_121 : i32
    "tpu.region"() ({
      %run_scoped3A = tpu.sem_alloc : memref<!tpu.dma_semaphore, #tpu.memory_space<semaphore_mem>>
      %dma_start3A_134 = arith.constant 0 : i32
      %dma_start3A_135 = tpu.memref_slice %arg7[%add3A_122, %dma_start3A_134] : memref<112x128xi32, #tpu.memory_space<vmem>> -> memref<1x128xi32, #tpu.memory_space<vmem>>
      %dma_start3A_136 = tpu.memref_squeeze %dma_start3A_135 : memref<1x128xi32, #tpu.memory_space<vmem>> -> memref<128xi32, #tpu.memory_space<vmem>>
      %dma_start3A_137 = arith.constant 0 : i32
      %dma_start3A_138 = arith.constant 0 : i32
      %dma_start3A_139 = tpu.memref_slice %arg12[%dma_start3A_137, %dma_start3A_138] : memref<10112x16xf32, #tpu.memory_space<vmem_shared>> -> memref<10112x16xf32, #tpu.memory_space<vmem_shared>>
      tpu.enqueue_indirect_dma source(%arg10 : memref<128x16xf32, #tpu.memory_space<vmem>>) target(%dma_start3A_139 : memref<10112x16xf32, #tpu.memory_space<vmem_shared>>) offsets(%dma_start3A_136 : memref<128xi32, #tpu.memory_space<vmem>>) semaphore(%run_scoped3A : memref<!tpu.dma_semaphore, #tpu.memory_space<semaphore_mem>>) {add = true}
      %dma_wait3A_140 = arith.constant 0 : i32
      %dma_wait3A_141 = tpu.memref_slice %arg7[%add3A_122, %dma_wait3A_140] : memref<112x128xi32, #tpu.memory_space<vmem>> -> memref<1x128xi32, #tpu.memory_space<vmem>>
      %dma_wait3A_142 = tpu.memref_squeeze %dma_wait3A_141 : memref<1x128xi32, #tpu.memory_space<vmem>> -> memref<128xi32, #tpu.memory_space<vmem>>
      %dma_wait3A_143 = arith.constant 0 : i32
      %dma_wait3A_144 = arith.constant 0 : i32
      %dma_wait3A_145 = tpu.memref_slice %arg12[%dma_wait3A_143, %dma_wait3A_144] : memref<10112x16xf32, #tpu.memory_space<vmem_shared>> -> memref<10112x16xf32, #tpu.memory_space<vmem_shared>>
      tpu.wait_indirect_dma semaphore(%run_scoped3A : memref<!tpu.dma_semaphore, #tpu.memory_space<semaphore_mem>>) src(%arg10 : memref<128x16xf32, #tpu.memory_space<vmem>>) dst(%dma_wait3A_145 : memref<10112x16xf32, #tpu.memory_space<vmem_shared>>)
      tpu.yield
    }) : () -> ()
    %add3A_123 = arith.constant 3 : i32
    %add3A_124 = arith.addi %sub3A_93, %add3A_123 : i32
    %dma_wait3A_125 = arith.constant 0 : i32
    %dma_wait3A_126 = tpu.memref_slice %arg6[%add3A_124, %dma_wait3A_125] : memref<112x128xi32, #tpu.memory_space<vmem>> -> memref<1x128xi32, #tpu.memory_space<vmem>>
    %dma_wait3A_127 = tpu.memref_squeeze %dma_wait3A_126 : memref<1x128xi32, #tpu.memory_space<vmem>> -> memref<128xi32, #tpu.memory_space<vmem>>
    %dma_wait3A_128 = arith.constant 0 : i32
    %dma_wait3A_129 = arith.constant 0 : i32
    %dma_wait3A_130 = tpu.memref_slice %arg2[%dma_wait3A_128, %dma_wait3A_129] : memref<10112x16xf32, #tpu.memory_space<hbm>> -> memref<10112x16xf32, #tpu.memory_space<hbm>>
    tpu.wait_indirect_dma semaphore(%arg16 : memref<!tpu.dma_semaphore, #tpu.memory_space<semaphore_mem>>) src(%dma_wait3A_130 : memref<10112x16xf32, #tpu.memory_space<hbm>>) dst(%arg11 : memref<128x16xf32, #tpu.memory_space<vmem>>)
    %add3A_131 = arith.constant 3 : i32
    %add3A_132 = arith.addi %sub3A_93, %add3A_131 : i32
    "tpu.region"() ({
      %run_scoped3A = tpu.sem_alloc : memref<!tpu.dma_semaphore, #tpu.memory_space<semaphore_mem>>
      %dma_start3A_134 = arith.constant 0 : i32
      %dma_start3A_135 = tpu.memref_slice %arg7[%add3A_132, %dma_start3A_134] : memref<112x128xi32, #tpu.memory_space<vmem>> -> memref<1x128xi32, #tpu.memory_space<vmem>>
      %dma_start3A_136 = tpu.memref_squeeze %dma_start3A_135 : memref<1x128xi32, #tpu.memory_space<vmem>> -> memref<128xi32, #tpu.memory_space<vmem>>
      %dma_start3A_137 = arith.constant 0 : i32
      %dma_start3A_138 = arith.constant 0 : i32
      %dma_start3A_139 = tpu.memref_slice %arg12[%dma_start3A_137, %dma_start3A_138] : memref<10112x16xf32, #tpu.memory_space<vmem_shared>> -> memref<10112x16xf32, #tpu.memory_space<vmem_shared>>
      tpu.enqueue_indirect_dma source(%arg11 : memref<128x16xf32, #tpu.memory_space<vmem>>) target(%dma_start3A_139 : memref<10112x16xf32, #tpu.memory_space<vmem_shared>>) offsets(%dma_start3A_136 : memref<128xi32, #tpu.memory_space<vmem>>) semaphore(%run_scoped3A : memref<!tpu.dma_semaphore, #tpu.memory_space<semaphore_mem>>) {add = true}
      %dma_wait3A_140 = arith.constant 0 : i32
      %dma_wait3A_141 = tpu.memref_slice %arg7[%add3A_132, %dma_wait3A_140] : memref<112x128xi32, #tpu.memory_space<vmem>> -> memref<1x128xi32, #tpu.memory_space<vmem>>
      %dma_wait3A_142 = tpu.memref_squeeze %dma_wait3A_141 : memref<1x128xi32, #tpu.memory_space<vmem>> -> memref<128xi32, #tpu.memory_space<vmem>>
      %dma_wait3A_143 = arith.constant 0 : i32
      %dma_wait3A_144 = arith.constant 0 : i32
      %dma_wait3A_145 = tpu.memref_slice %arg12[%dma_wait3A_143, %dma_wait3A_144] : memref<10112x16xf32, #tpu.memory_space<vmem_shared>> -> memref<10112x16xf32, #tpu.memory_space<vmem_shared>>
      tpu.wait_indirect_dma semaphore(%run_scoped3A : memref<!tpu.dma_semaphore, #tpu.memory_space<semaphore_mem>>) src(%arg11 : memref<128x16xf32, #tpu.memory_space<vmem>>) dst(%dma_wait3A_145 : memref<10112x16xf32, #tpu.memory_space<vmem_shared>>)
      tpu.yield
    }) : () -> ()
    %barrier3A_133 = arith.constant 0 : index
    tpu.barrier barrier_id(%barrier3A_133)
    "tpu.region"() ({
      %run_scoped3A = tpu.sem_alloc : memref<!tpu.dma_semaphore, #tpu.memory_space<semaphore_mem>>
      %dma_start3A_134 = arith.constant 0 : i32
      %dma_start3A_135 = tpu.memref_slice %arg5[%arg0, %multiple_of3A, %dma_start3A_134] : memref<2x10112x16xf32, #tpu.memory_space<hbm>> -> memref<1x632x16xf32, #tpu.memory_space<hbm>>
      %dma_start3A_136 = tpu.memref_squeeze %dma_start3A_135 : memref<1x632x16xf32, #tpu.memory_space<hbm>> -> memref<632x16xf32, #tpu.memory_space<hbm>>
      %dma_start3A_137 = arith.constant 0 : i32
      %dma_start3A_138 = tpu.memref_slice %arg12[%multiple_of3A, %dma_start3A_137] : memref<10112x16xf32, #tpu.memory_space<vmem_shared>> -> memref<632x16xf32, #tpu.memory_space<vmem_shared>>
      tpu.enqueue_dma source(%dma_start3A_138 : memref<632x16xf32, #tpu.memory_space<vmem_shared>>) target(%dma_start3A_136 : memref<632x16xf32, #tpu.memory_space<hbm>>) target_semaphore(%run_scoped3A : memref<!tpu.dma_semaphore, #tpu.memory_space<semaphore_mem>>)
      %dma_wait3A_139 = arith.constant 0 : i32
      %dma_wait3A_140 = tpu.memref_slice %arg5[%arg0, %multiple_of3A, %dma_wait3A_139] : memref<2x10112x16xf32, #tpu.memory_space<hbm>> -> memref<1x632x16xf32, #tpu.memory_space<hbm>>
      %dma_wait3A_141 = tpu.memref_squeeze %dma_wait3A_140 : memref<1x632x16xf32, #tpu.memory_space<hbm>> -> memref<632x16xf32, #tpu.memory_space<hbm>>
      %dma_wait3A_142 = arith.constant 0 : i32
      %dma_wait3A_143 = tpu.memref_slice %arg12[%multiple_of3A, %dma_wait3A_142] : memref<10112x16xf32, #tpu.memory_space<vmem_shared>> -> memref<632x16xf32, #tpu.memory_space<vmem_shared>>
      tpu.wait_dma2 semaphore(%run_scoped3A : memref<!tpu.dma_semaphore, #tpu.memory_space<semaphore_mem>>) src(%dma_wait3A_143 : memref<632x16xf32, #tpu.memory_space<vmem_shared>>) dst(%dma_wait3A_141 : memref<632x16xf32, #tpu.memory_space<hbm>>)
      tpu.yield
    }) : () -> ()
    return
  }
}

#map = affine_map<(d0, d1) -> (0, 0)>
#map1 = affine_map<(d0, d1) -> (0, 0, 0)>
module attributes {stable_mosaic.version = 14 : i64} {
  func.func @prop(%arg0: i32, %arg1: i32, %arg2: memref<10112x16xf32, #tpu.memory_space<hbm>>, %arg3: memref<2x2500x128xi32, #tpu.memory_space<hbm>>, %arg4: memref<10112x16xf32, #tpu.memory_space<hbm>>, %arg5: memref<2x10112x16xf32, #tpu.memory_space<hbm>>, %arg6: memref<112x128xi32, #tpu.memory_space<vmem>>, %arg7: memref<112x128xi32, #tpu.memory_space<vmem>>, %arg8: memref<128x16xf32, #tpu.memory_space<vmem>>, %arg9: memref<128x16xf32, #tpu.memory_space<vmem>>, %arg10: memref<128x16xf32, #tpu.memory_space<vmem>>, %arg11: memref<128x16xf32, #tpu.memory_space<vmem>>, %arg12: memref<10112x16xf32, #tpu.memory_space<vmem_shared>>, %arg13: memref<!tpu.dma_semaphore, #tpu.memory_space<semaphore_mem>>, %arg14: memref<!tpu.dma_semaphore, #tpu.memory_space<semaphore_mem>>, %arg15: memref<!tpu.dma_semaphore, #tpu.memory_space<semaphore_mem>>, %arg16: memref<!tpu.dma_semaphore, #tpu.memory_space<semaphore_mem>>) attributes {dimension_semantics = [#tpu.dimension_semantics<core_parallel>, #tpu.dimension_semantics<subcore_parallel>], iteration_bounds = array<i64: 2, 16>, scalar_prefetch = 0 : i64, scratch_operands = 11 : i64, tpu.core_type = #tpu.core_type<sc_vector_subcore>, window_params = [{transform_indices = #map}, {transform_indices = #map1}, {transform_indices = #map}, {transform_indices = #map1}]} {
    %mul3A = arith.constant 632 : i32
    %mul3A_0 = arith.muli %arg1, %mul3A : i32
    %multiple_of3A = tpu.assume_multiple %mul3A_0, 8 : i32
    %eq3A = arith.constant 15 : i32
    %eq3A_1 = arith.cmpi eq, %arg1, %eq3A : i32
    %eq3A_2 = arith.constant 0 : i32
    %eq3A_3 = arith.cmpi eq, %arg0, %eq3A_2 : i32
    %jit3A = arith.constant 72 : i32
    %jit3A_4 = arith.constant 112 : i32
    %select_n3A = arith.select %eq3A_1, %jit3A, %jit3A_4 : i32
    %jit3A_5 = arith.constant 28 : i32
    %jit3A_6 = arith.constant 48 : i32
    %select_n3A_7 = arith.select %eq3A_1, %jit3A_5, %jit3A_6 : i32
    %select_n3A_8 = arith.select %eq3A_3, %select_n3A, %select_n3A_7 : i32
    %eq3A_9 = arith.constant 0 : i32
    %eq3A_10 = arith.cmpi eq, %arg0, %eq3A_9 : i32
    %mul3A_11 = arith.constant 112 : i32
    %mul3A_12 = arith.muli %arg1, %mul3A_11 : i32
    %mul3A_13 = arith.constant 48 : i32
    %mul3A_14 = arith.muli %arg1, %mul3A_13 : i32
    %add3A = arith.constant 1752 : i32
    %add3A_15 = arith.addi %add3A, %mul3A_14 : i32
    %select_n3A_16 = arith.select %eq3A_10, %mul3A_12, %add3A_15 : i32
    %multiple_of3A_17 = tpu.assume_multiple %select_n3A_16, 8 : i32
    "tpu.region"() ({
      %run_scoped3A = tpu.sem_alloc : memref<!tpu.dma_semaphore, #tpu.memory_space<semaphore_mem>>
      %dma_start3A_134 = arith.constant 0 : i32
      %dma_start3A_135 = tpu.memref_slice %arg12[%multiple_of3A, %dma_start3A_134] : memref<10112x16xf32, #tpu.memory_space<vmem_shared>> -> memref<632x16xf32, #tpu.memory_space<vmem_shared>>
      %dma_start3A_136 = arith.constant 0 : i32
      %dma_start3A_137 = tpu.memref_slice %arg4[%multiple_of3A, %dma_start3A_136] : memref<10112x16xf32, #tpu.memory_space<hbm>> -> memref<632x16xf32, #tpu.memory_space<hbm>>
      tpu.enqueue_dma source(%dma_start3A_137 : memref<632x16xf32, #tpu.memory_space<hbm>>) target(%dma_start3A_135 : memref<632x16xf32, #tpu.memory_space<vmem_shared>>) target_semaphore(%run_scoped3A : memref<!tpu.dma_semaphore, #tpu.memory_space<semaphore_mem>>)
      %dma_wait3A_138 = arith.constant 0 : i32
      %dma_wait3A_139 = tpu.memref_slice %arg12[%multiple_of3A, %dma_wait3A_138] : memref<10112x16xf32, #tpu.memory_space<vmem_shared>> -> memref<632x16xf32, #tpu.memory_space<vmem_shared>>
      %dma_wait3A_140 = arith.constant 0 : i32
      %dma_wait3A_141 = tpu.memref_slice %arg4[%multiple_of3A, %dma_wait3A_140] : memref<10112x16xf32, #tpu.memory_space<hbm>> -> memref<632x16xf32, #tpu.memory_space<hbm>>
      tpu.wait_dma2 semaphore(%run_scoped3A : memref<!tpu.dma_semaphore, #tpu.memory_space<semaphore_mem>>) src(%dma_wait3A_141 : memref<632x16xf32, #tpu.memory_space<hbm>>) dst(%dma_wait3A_139 : memref<632x16xf32, #tpu.memory_space<vmem_shared>>)
      tpu.yield
    }) : () -> ()
    %eq3A_18 = arith.constant 0 : i32
    %eq3A_19 = arith.cmpi eq, %arg0, %eq3A_18 : i32
    %eq3A_20 = arith.constant 1 : i32
    %eq3A_21 = arith.cmpi eq, %arg0, %eq3A_20 : i32
    %lt3A = arith.constant 15 : i32
    %lt3A_22 = arith.cmpi slt, %arg1, %lt3A : i32
    %and3A = arith.andi %eq3A_21, %lt3A_22 : i1
    %eq3A_23 = arith.constant 1 : i32
    %eq3A_24 = arith.cmpi eq, %arg0, %eq3A_23 : i32
    %eq3A_25 = arith.constant 15 : i32
    %eq3A_26 = arith.cmpi eq, %arg1, %eq3A_25 : i32
    %and3A_27 = arith.andi %eq3A_24, %eq3A_26 : i1
    %convert_element_type3A = arith.extui %eq3A_19 : i1 to i32
    %cond3A = arith.constant 0 : i32
    %cond3A_28 = arith.cmpi ne, %convert_element_type3A, %cond3A : i32
    scf.if %cond3A_28 {
      %run_scoped3A = arith.constant 0 : i32
      "tpu.region"() ({
        %run_scoped3A_135 = tpu.sem_alloc : memref<!tpu.dma_semaphore, #tpu.memory_space<semaphore_mem>>
        %dma_start3A_136 = arith.constant 0 : i32
        %dma_start3A_137 = tpu.memref_slice %arg3[%run_scoped3A, %multiple_of3A_17, %dma_start3A_136] : memref<2x2500x128xi32, #tpu.memory_space<hbm>> -> memref<1x112x128xi32, #tpu.memory_space<hbm>>
        %dma_start3A_138 = tpu.memref_squeeze %dma_start3A_137 : memref<1x112x128xi32, #tpu.memory_space<hbm>> -> memref<112x128xi32, #tpu.memory_space<hbm>>
        %dma_start3A_139 = arith.constant 0 : i32
        %dma_start3A_140 = tpu.memref_slice %arg3[%run_scoped3A, %multiple_of3A_17, %dma_start3A_139] : memref<2x2500x128xi32, #tpu.memory_space<hbm>> -> memref<1x112x128xi32, #tpu.memory_space<hbm>>
        %dma_start3A_141 = tpu.memref_squeeze %dma_start3A_140 : memref<1x112x128xi32, #tpu.memory_space<hbm>> -> memref<112x128xi32, #tpu.memory_space<hbm>>
        tpu.enqueue_dma source(%dma_start3A_141 : memref<112x128xi32, #tpu.memory_space<hbm>>) target(%arg6 : memref<112x128xi32, #tpu.memory_space<vmem>>) target_semaphore(%run_scoped3A_135 : memref<!tpu.dma_semaphore, #tpu.memory_space<semaphore_mem>>)
        %dma_wait3A_142 = arith.constant 0 : i32
        %dma_wait3A_143 = tpu.memref_slice %arg3[%run_scoped3A, %multiple_of3A_17, %dma_wait3A_142] : memref<2x2500x128xi32, #tpu.memory_space<hbm>> -> memref<1x112x128xi32, #tpu.memory_space<hbm>>
        %dma_wait3A_144 = tpu.memref_squeeze %dma_wait3A_143 : memref<1x112x128xi32, #tpu.memory_space<hbm>> -> memref<112x128xi32, #tpu.memory_space<hbm>>
        %dma_wait3A_145 = arith.constant 0 : i32
        %dma_wait3A_146 = tpu.memref_slice %arg3[%run_scoped3A, %multiple_of3A_17, %dma_wait3A_145] : memref<2x2500x128xi32, #tpu.memory_space<hbm>> -> memref<1x112x128xi32, #tpu.memory_space<hbm>>
        %dma_wait3A_147 = tpu.memref_squeeze %dma_wait3A_146 : memref<1x112x128xi32, #tpu.memory_space<hbm>> -> memref<112x128xi32, #tpu.memory_space<hbm>>
        tpu.wait_dma2 semaphore(%run_scoped3A_135 : memref<!tpu.dma_semaphore, #tpu.memory_space<semaphore_mem>>) src(%dma_wait3A_147 : memref<112x128xi32, #tpu.memory_space<hbm>>) dst(%arg6 : memref<112x128xi32, #tpu.memory_space<vmem>>)
        tpu.yield
      }) : () -> ()
      %run_scoped3A_134 = arith.constant 1 : i32
      "tpu.region"() ({
        %run_scoped3A_135 = tpu.sem_alloc : memref<!tpu.dma_semaphore, #tpu.memory_space<semaphore_mem>>
        %dma_start3A_136 = arith.constant 0 : i32
        %dma_start3A_137 = tpu.memref_slice %arg3[%run_scoped3A_134, %multiple_of3A_17, %dma_start3A_136] : memref<2x2500x128xi32, #tpu.memory_space<hbm>> -> memref<1x112x128xi32, #tpu.memory_space<hbm>>
        %dma_start3A_138 = tpu.memref_squeeze %dma_start3A_137 : memref<1x112x128xi32, #tpu.memory_space<hbm>> -> memref<112x128xi32, #tpu.memory_space<hbm>>
        %dma_start3A_139 = arith.constant 0 : i32
        %dma_start3A_140 = tpu.memref_slice %arg3[%run_scoped3A_134, %multiple_of3A_17, %dma_start3A_139] : memref<2x2500x128xi32, #tpu.memory_space<hbm>> -> memref<1x112x128xi32, #tpu.memory_space<hbm>>
        %dma_start3A_141 = tpu.memref_squeeze %dma_start3A_140 : memref<1x112x128xi32, #tpu.memory_space<hbm>> -> memref<112x128xi32, #tpu.memory_space<hbm>>
        tpu.enqueue_dma source(%dma_start3A_141 : memref<112x128xi32, #tpu.memory_space<hbm>>) target(%arg7 : memref<112x128xi32, #tpu.memory_space<vmem>>) target_semaphore(%run_scoped3A_135 : memref<!tpu.dma_semaphore, #tpu.memory_space<semaphore_mem>>)
        %dma_wait3A_142 = arith.constant 0 : i32
        %dma_wait3A_143 = tpu.memref_slice %arg3[%run_scoped3A_134, %multiple_of3A_17, %dma_wait3A_142] : memref<2x2500x128xi32, #tpu.memory_space<hbm>> -> memref<1x112x128xi32, #tpu.memory_space<hbm>>
        %dma_wait3A_144 = tpu.memref_squeeze %dma_wait3A_143 : memref<1x112x128xi32, #tpu.memory_space<hbm>> -> memref<112x128xi32, #tpu.memory_space<hbm>>
        %dma_wait3A_145 = arith.constant 0 : i32
        %dma_wait3A_146 = tpu.memref_slice %arg3[%run_scoped3A_134, %multiple_of3A_17, %dma_wait3A_145] : memref<2x2500x128xi32, #tpu.memory_space<hbm>> -> memref<1x112x128xi32, #tpu.memory_space<hbm>>
        %dma_wait3A_147 = tpu.memref_squeeze %dma_wait3A_146 : memref<1x112x128xi32, #tpu.memory_space<hbm>> -> memref<112x128xi32, #tpu.memory_space<hbm>>
        tpu.wait_dma2 semaphore(%run_scoped3A_135 : memref<!tpu.dma_semaphore, #tpu.memory_space<semaphore_mem>>) src(%dma_wait3A_147 : memref<112x128xi32, #tpu.memory_space<hbm>>) dst(%arg7 : memref<112x128xi32, #tpu.memory_space<vmem>>)
        tpu.yield
      }) : () -> ()
    } else {
    }
    %convert_element_type3A_29 = arith.extui %and3A : i1 to i32
    %cond3A_30 = arith.constant 0 : i32
    %cond3A_31 = arith.cmpi ne, %convert_element_type3A_29, %cond3A_30 : i32
    scf.if %cond3A_31 {
      %run_scoped3A = arith.constant 0 : i32
      "tpu.region"() ({
        %run_scoped3A_135 = tpu.sem_alloc : memref<!tpu.dma_semaphore, #tpu.memory_space<semaphore_mem>>
        %dma_start3A_136 = arith.constant 0 : i32
        %dma_start3A_137 = arith.constant 0 : i32
        %dma_start3A_138 = tpu.memref_slice %arg6[%dma_start3A_136, %dma_start3A_137] : memref<112x128xi32, #tpu.memory_space<vmem>> -> memref<48x128xi32, #tpu.memory_space<vmem>>
        %dma_start3A_139 = arith.constant 0 : i32
        %dma_start3A_140 = tpu.memref_slice %arg3[%run_scoped3A, %multiple_of3A_17, %dma_start3A_139] : memref<2x2500x128xi32, #tpu.memory_space<hbm>> -> memref<1x48x128xi32, #tpu.memory_space<hbm>>
        %dma_start3A_141 = tpu.memref_squeeze %dma_start3A_140 : memref<1x48x128xi32, #tpu.memory_space<hbm>> -> memref<48x128xi32, #tpu.memory_space<hbm>>
        %dma_start3A_142 = arith.constant 0 : i32
        %dma_start3A_143 = arith.constant 0 : i32
        %dma_start3A_144 = tpu.memref_slice %arg6[%dma_start3A_142, %dma_start3A_143] : memref<112x128xi32, #tpu.memory_space<vmem>> -> memref<48x128xi32, #tpu.memory_space<vmem>>
        %dma_start3A_145 = arith.constant 0 : i32
        %dma_start3A_146 = tpu.memref_slice %arg3[%run_scoped3A, %multiple_of3A_17, %dma_start3A_145] : memref<2x2500x128xi32, #tpu.memory_space<hbm>> -> memref<1x48x128xi32, #tpu.memory_space<hbm>>
        %dma_start3A_147 = tpu.memref_squeeze %dma_start3A_146 : memref<1x48x128xi32, #tpu.memory_space<hbm>> -> memref<48x128xi32, #tpu.memory_space<hbm>>
        tpu.enqueue_dma source(%dma_start3A_147 : memref<48x128xi32, #tpu.memory_space<hbm>>) target(%dma_start3A_144 : memref<48x128xi32, #tpu.memory_space<vmem>>) target_semaphore(%run_scoped3A_135 : memref<!tpu.dma_semaphore, #tpu.memory_space<semaphore_mem>>)
        %dma_wait3A_148 = arith.constant 0 : i32
        %dma_wait3A_149 = arith.constant 0 : i32
        %dma_wait3A_150 = tpu.memref_slice %arg6[%dma_wait3A_148, %dma_wait3A_149] : memref<112x128xi32, #tpu.memory_space<vmem>> -> memref<48x128xi32, #tpu.memory_space<vmem>>
        %dma_wait3A_151 = arith.constant 0 : i32
        %dma_wait3A_152 = tpu.memref_slice %arg3[%run_scoped3A, %multiple_of3A_17, %dma_wait3A_151] : memref<2x2500x128xi32, #tpu.memory_space<hbm>> -> memref<1x48x128xi32, #tpu.memory_space<hbm>>
        %dma_wait3A_153 = tpu.memref_squeeze %dma_wait3A_152 : memref<1x48x128xi32, #tpu.memory_space<hbm>> -> memref<48x128xi32, #tpu.memory_space<hbm>>
        %dma_wait3A_154 = arith.constant 0 : i32
        %dma_wait3A_155 = arith.constant 0 : i32
        %dma_wait3A_156 = tpu.memref_slice %arg6[%dma_wait3A_154, %dma_wait3A_155] : memref<112x128xi32, #tpu.memory_space<vmem>> -> memref<48x128xi32, #tpu.memory_space<vmem>>
        %dma_wait3A_157 = arith.constant 0 : i32
        %dma_wait3A_158 = tpu.memref_slice %arg3[%run_scoped3A, %multiple_of3A_17, %dma_wait3A_157] : memref<2x2500x128xi32, #tpu.memory_space<hbm>> -> memref<1x48x128xi32, #tpu.memory_space<hbm>>
        %dma_wait3A_159 = tpu.memref_squeeze %dma_wait3A_158 : memref<1x48x128xi32, #tpu.memory_space<hbm>> -> memref<48x128xi32, #tpu.memory_space<hbm>>
        tpu.wait_dma2 semaphore(%run_scoped3A_135 : memref<!tpu.dma_semaphore, #tpu.memory_space<semaphore_mem>>) src(%dma_wait3A_159 : memref<48x128xi32, #tpu.memory_space<hbm>>) dst(%dma_wait3A_156 : memref<48x128xi32, #tpu.memory_space<vmem>>)
        tpu.yield
      }) : () -> ()
      %run_scoped3A_134 = arith.constant 1 : i32
      "tpu.region"() ({
        %run_scoped3A_135 = tpu.sem_alloc : memref<!tpu.dma_semaphore, #tpu.memory_space<semaphore_mem>>
        %dma_start3A_136 = arith.constant 0 : i32
        %dma_start3A_137 = arith.constant 0 : i32
        %dma_start3A_138 = tpu.memref_slice %arg7[%dma_start3A_136, %dma_start3A_137] : memref<112x128xi32, #tpu.memory_space<vmem>> -> memref<48x128xi32, #tpu.memory_space<vmem>>
        %dma_start3A_139 = arith.constant 0 : i32
        %dma_start3A_140 = tpu.memref_slice %arg3[%run_scoped3A_134, %multiple_of3A_17, %dma_start3A_139] : memref<2x2500x128xi32, #tpu.memory_space<hbm>> -> memref<1x48x128xi32, #tpu.memory_space<hbm>>
        %dma_start3A_141 = tpu.memref_squeeze %dma_start3A_140 : memref<1x48x128xi32, #tpu.memory_space<hbm>> -> memref<48x128xi32, #tpu.memory_space<hbm>>
        %dma_start3A_142 = arith.constant 0 : i32
        %dma_start3A_143 = arith.constant 0 : i32
        %dma_start3A_144 = tpu.memref_slice %arg7[%dma_start3A_142, %dma_start3A_143] : memref<112x128xi32, #tpu.memory_space<vmem>> -> memref<48x128xi32, #tpu.memory_space<vmem>>
        %dma_start3A_145 = arith.constant 0 : i32
        %dma_start3A_146 = tpu.memref_slice %arg3[%run_scoped3A_134, %multiple_of3A_17, %dma_start3A_145] : memref<2x2500x128xi32, #tpu.memory_space<hbm>> -> memref<1x48x128xi32, #tpu.memory_space<hbm>>
        %dma_start3A_147 = tpu.memref_squeeze %dma_start3A_146 : memref<1x48x128xi32, #tpu.memory_space<hbm>> -> memref<48x128xi32, #tpu.memory_space<hbm>>
        tpu.enqueue_dma source(%dma_start3A_147 : memref<48x128xi32, #tpu.memory_space<hbm>>) target(%dma_start3A_144 : memref<48x128xi32, #tpu.memory_space<vmem>>) target_semaphore(%run_scoped3A_135 : memref<!tpu.dma_semaphore, #tpu.memory_space<semaphore_mem>>)
        %dma_wait3A_148 = arith.constant 0 : i32
        %dma_wait3A_149 = arith.constant 0 : i32
        %dma_wait3A_150 = tpu.memref_slice %arg7[%dma_wait3A_148, %dma_wait3A_149] : memref<112x128xi32, #tpu.memory_space<vmem>> -> memref<48x128xi32, #tpu.memory_space<vmem>>
        %dma_wait3A_151 = arith.constant 0 : i32
        %dma_wait3A_152 = tpu.memref_slice %arg3[%run_scoped3A_134, %multiple_of3A_17, %dma_wait3A_151] : memref<2x2500x128xi32, #tpu.memory_space<hbm>> -> memref<1x48x128xi32, #tpu.memory_space<hbm>>
        %dma_wait3A_153 = tpu.memref_squeeze %dma_wait3A_152 : memref<1x48x128xi32, #tpu.memory_space<hbm>> -> memref<48x128xi32, #tpu.memory_space<hbm>>
        %dma_wait3A_154 = arith.constant 0 : i32
        %dma_wait3A_155 = arith.constant 0 : i32
        %dma_wait3A_156 = tpu.memref_slice %arg7[%dma_wait3A_154, %dma_wait3A_155] : memref<112x128xi32, #tpu.memory_space<vmem>> -> memref<48x128xi32, #tpu.memory_space<vmem>>
        %dma_wait3A_157 = arith.constant 0 : i32
        %dma_wait3A_158 = tpu.memref_slice %arg3[%run_scoped3A_134, %multiple_of3A_17, %dma_wait3A_157] : memref<2x2500x128xi32, #tpu.memory_space<hbm>> -> memref<1x48x128xi32, #tpu.memory_space<hbm>>
        %dma_wait3A_159 = tpu.memref_squeeze %dma_wait3A_158 : memref<1x48x128xi32, #tpu.memory_space<hbm>> -> memref<48x128xi32, #tpu.memory_space<hbm>>
        tpu.wait_dma2 semaphore(%run_scoped3A_135 : memref<!tpu.dma_semaphore, #tpu.memory_space<semaphore_mem>>) src(%dma_wait3A_159 : memref<48x128xi32, #tpu.memory_space<hbm>>) dst(%dma_wait3A_156 : memref<48x128xi32, #tpu.memory_space<vmem>>)
        tpu.yield
      }) : () -> ()
    } else {
    }
    %convert_element_type3A_32 = arith.extui %and3A_27 : i1 to i32
    %cond3A_33 = arith.constant 0 : i32
    %cond3A_34 = arith.cmpi ne, %convert_element_type3A_32, %cond3A_33 : i32
    scf.if %cond3A_34 {
      %run_scoped3A = arith.constant 0 : i32
      "tpu.region"() ({
        %run_scoped3A_135 = tpu.sem_alloc : memref<!tpu.dma_semaphore, #tpu.memory_space<semaphore_mem>>
        %dma_start3A_136 = arith.constant 0 : i32
        %dma_start3A_137 = arith.constant 0 : i32
        %dma_start3A_138 = tpu.memref_slice %arg6[%dma_start3A_136, %dma_start3A_137] : memref<112x128xi32, #tpu.memory_space<vmem>> -> memref<28x128xi32, #tpu.memory_space<vmem>>
        %dma_start3A_139 = arith.constant 0 : i32
        %dma_start3A_140 = tpu.memref_slice %arg3[%run_scoped3A, %multiple_of3A_17, %dma_start3A_139] : memref<2x2500x128xi32, #tpu.memory_space<hbm>> -> memref<1x28x128xi32, #tpu.memory_space<hbm>>
        %dma_start3A_141 = tpu.memref_squeeze %dma_start3A_140 : memref<1x28x128xi32, #tpu.memory_space<hbm>> -> memref<28x128xi32, #tpu.memory_space<hbm>>
        %dma_start3A_142 = arith.constant 0 : i32
        %dma_start3A_143 = arith.constant 0 : i32
        %dma_start3A_144 = tpu.memref_slice %arg6[%dma_start3A_142, %dma_start3A_143] : memref<112x128xi32, #tpu.memory_space<vmem>> -> memref<28x128xi32, #tpu.memory_space<vmem>>
        %dma_start3A_145 = arith.constant 0 : i32
        %dma_start3A_146 = tpu.memref_slice %arg3[%run_scoped3A, %multiple_of3A_17, %dma_start3A_145] : memref<2x2500x128xi32, #tpu.memory_space<hbm>> -> memref<1x28x128xi32, #tpu.memory_space<hbm>>
        %dma_start3A_147 = tpu.memref_squeeze %dma_start3A_146 : memref<1x28x128xi32, #tpu.memory_space<hbm>> -> memref<28x128xi32, #tpu.memory_space<hbm>>
        tpu.enqueue_dma source(%dma_start3A_147 : memref<28x128xi32, #tpu.memory_space<hbm>>) target(%dma_start3A_144 : memref<28x128xi32, #tpu.memory_space<vmem>>) target_semaphore(%run_scoped3A_135 : memref<!tpu.dma_semaphore, #tpu.memory_space<semaphore_mem>>)
        %dma_wait3A_148 = arith.constant 0 : i32
        %dma_wait3A_149 = arith.constant 0 : i32
        %dma_wait3A_150 = tpu.memref_slice %arg6[%dma_wait3A_148, %dma_wait3A_149] : memref<112x128xi32, #tpu.memory_space<vmem>> -> memref<28x128xi32, #tpu.memory_space<vmem>>
        %dma_wait3A_151 = arith.constant 0 : i32
        %dma_wait3A_152 = tpu.memref_slice %arg3[%run_scoped3A, %multiple_of3A_17, %dma_wait3A_151] : memref<2x2500x128xi32, #tpu.memory_space<hbm>> -> memref<1x28x128xi32, #tpu.memory_space<hbm>>
        %dma_wait3A_153 = tpu.memref_squeeze %dma_wait3A_152 : memref<1x28x128xi32, #tpu.memory_space<hbm>> -> memref<28x128xi32, #tpu.memory_space<hbm>>
        %dma_wait3A_154 = arith.constant 0 : i32
        %dma_wait3A_155 = arith.constant 0 : i32
        %dma_wait3A_156 = tpu.memref_slice %arg6[%dma_wait3A_154, %dma_wait3A_155] : memref<112x128xi32, #tpu.memory_space<vmem>> -> memref<28x128xi32, #tpu.memory_space<vmem>>
        %dma_wait3A_157 = arith.constant 0 : i32
        %dma_wait3A_158 = tpu.memref_slice %arg3[%run_scoped3A, %multiple_of3A_17, %dma_wait3A_157] : memref<2x2500x128xi32, #tpu.memory_space<hbm>> -> memref<1x28x128xi32, #tpu.memory_space<hbm>>
        %dma_wait3A_159 = tpu.memref_squeeze %dma_wait3A_158 : memref<1x28x128xi32, #tpu.memory_space<hbm>> -> memref<28x128xi32, #tpu.memory_space<hbm>>
        tpu.wait_dma2 semaphore(%run_scoped3A_135 : memref<!tpu.dma_semaphore, #tpu.memory_space<semaphore_mem>>) src(%dma_wait3A_159 : memref<28x128xi32, #tpu.memory_space<hbm>>) dst(%dma_wait3A_156 : memref<28x128xi32, #tpu.memory_space<vmem>>)
        tpu.yield
      }) : () -> ()
      %run_scoped3A_134 = arith.constant 1 : i32
      "tpu.region"() ({
        %run_scoped3A_135 = tpu.sem_alloc : memref<!tpu.dma_semaphore, #tpu.memory_space<semaphore_mem>>
        %dma_start3A_136 = arith.constant 0 : i32
        %dma_start3A_137 = arith.constant 0 : i32
        %dma_start3A_138 = tpu.memref_slice %arg7[%dma_start3A_136, %dma_start3A_137] : memref<112x128xi32, #tpu.memory_space<vmem>> -> memref<28x128xi32, #tpu.memory_space<vmem>>
        %dma_start3A_139 = arith.constant 0 : i32
        %dma_start3A_140 = tpu.memref_slice %arg3[%run_scoped3A_134, %multiple_of3A_17, %dma_start3A_139] : memref<2x2500x128xi32, #tpu.memory_space<hbm>> -> memref<1x28x128xi32, #tpu.memory_space<hbm>>
        %dma_start3A_141 = tpu.memref_squeeze %dma_start3A_140 : memref<1x28x128xi32, #tpu.memory_space<hbm>> -> memref<28x128xi32, #tpu.memory_space<hbm>>
        %dma_start3A_142 = arith.constant 0 : i32
        %dma_start3A_143 = arith.constant 0 : i32
        %dma_start3A_144 = tpu.memref_slice %arg7[%dma_start3A_142, %dma_start3A_143] : memref<112x128xi32, #tpu.memory_space<vmem>> -> memref<28x128xi32, #tpu.memory_space<vmem>>
        %dma_start3A_145 = arith.constant 0 : i32
        %dma_start3A_146 = tpu.memref_slice %arg3[%run_scoped3A_134, %multiple_of3A_17, %dma_start3A_145] : memref<2x2500x128xi32, #tpu.memory_space<hbm>> -> memref<1x28x128xi32, #tpu.memory_space<hbm>>
        %dma_start3A_147 = tpu.memref_squeeze %dma_start3A_146 : memref<1x28x128xi32, #tpu.memory_space<hbm>> -> memref<28x128xi32, #tpu.memory_space<hbm>>
        tpu.enqueue_dma source(%dma_start3A_147 : memref<28x128xi32, #tpu.memory_space<hbm>>) target(%dma_start3A_144 : memref<28x128xi32, #tpu.memory_space<vmem>>) target_semaphore(%run_scoped3A_135 : memref<!tpu.dma_semaphore, #tpu.memory_space<semaphore_mem>>)
        %dma_wait3A_148 = arith.constant 0 : i32
        %dma_wait3A_149 = arith.constant 0 : i32
        %dma_wait3A_150 = tpu.memref_slice %arg7[%dma_wait3A_148, %dma_wait3A_149] : memref<112x128xi32, #tpu.memory_space<vmem>> -> memref<28x128xi32, #tpu.memory_space<vmem>>
        %dma_wait3A_151 = arith.constant 0 : i32
        %dma_wait3A_152 = tpu.memref_slice %arg3[%run_scoped3A_134, %multiple_of3A_17, %dma_wait3A_151] : memref<2x2500x128xi32, #tpu.memory_space<hbm>> -> memref<1x28x128xi32, #tpu.memory_space<hbm>>
        %dma_wait3A_153 = tpu.memref_squeeze %dma_wait3A_152 : memref<1x28x128xi32, #tpu.memory_space<hbm>> -> memref<28x128xi32, #tpu.memory_space<hbm>>
        %dma_wait3A_154 = arith.constant 0 : i32
        %dma_wait3A_155 = arith.constant 0 : i32
        %dma_wait3A_156 = tpu.memref_slice %arg7[%dma_wait3A_154, %dma_wait3A_155] : memref<112x128xi32, #tpu.memory_space<vmem>> -> memref<28x128xi32, #tpu.memory_space<vmem>>
        %dma_wait3A_157 = arith.constant 0 : i32
        %dma_wait3A_158 = tpu.memref_slice %arg3[%run_scoped3A_134, %multiple_of3A_17, %dma_wait3A_157] : memref<2x2500x128xi32, #tpu.memory_space<hbm>> -> memref<1x28x128xi32, #tpu.memory_space<hbm>>
        %dma_wait3A_159 = tpu.memref_squeeze %dma_wait3A_158 : memref<1x28x128xi32, #tpu.memory_space<hbm>> -> memref<28x128xi32, #tpu.memory_space<hbm>>
        tpu.wait_dma2 semaphore(%run_scoped3A_135 : memref<!tpu.dma_semaphore, #tpu.memory_space<semaphore_mem>>) src(%dma_wait3A_159 : memref<28x128xi32, #tpu.memory_space<hbm>>) dst(%dma_wait3A_156 : memref<28x128xi32, #tpu.memory_space<vmem>>)
        tpu.yield
      }) : () -> ()
    } else {
    }
    %barrier3A = arith.constant 0 : index
    tpu.barrier barrier_id(%barrier3A)
    %dma_start3A = arith.constant 0 : i32
    %dma_start3A_35 = arith.constant 0 : i32
    %dma_start3A_36 = tpu.memref_slice %arg6[%dma_start3A, %dma_start3A_35] : memref<112x128xi32, #tpu.memory_space<vmem>> -> memref<1x128xi32, #tpu.memory_space<vmem>>
    %dma_start3A_37 = tpu.memref_squeeze %dma_start3A_36 : memref<1x128xi32, #tpu.memory_space<vmem>> -> memref<128xi32, #tpu.memory_space<vmem>>
    %dma_start3A_38 = arith.constant 0 : i32
    %dma_start3A_39 = arith.constant 0 : i32
    %dma_start3A_40 = tpu.memref_slice %arg2[%dma_start3A_38, %dma_start3A_39] : memref<10112x16xf32, #tpu.memory_space<hbm>> -> memref<10112x16xf32, #tpu.memory_space<hbm>>
    tpu.enqueue_indirect_dma source(%dma_start3A_40 : memref<10112x16xf32, #tpu.memory_space<hbm>>) target(%arg8 : memref<128x16xf32, #tpu.memory_space<vmem>>) offsets(%dma_start3A_37 : memref<128xi32, #tpu.memory_space<vmem>>) semaphore(%arg13 : memref<!tpu.dma_semaphore, #tpu.memory_space<semaphore_mem>>)
    %dma_start3A_41 = arith.constant 1 : i32
    %dma_start3A_42 = arith.constant 0 : i32
    %dma_start3A_43 = tpu.memref_slice %arg6[%dma_start3A_41, %dma_start3A_42] : memref<112x128xi32, #tpu.memory_space<vmem>> -> memref<1x128xi32, #tpu.memory_space<vmem>>
    %dma_start3A_44 = tpu.memref_squeeze %dma_start3A_43 : memref<1x128xi32, #tpu.memory_space<vmem>> -> memref<128xi32, #tpu.memory_space<vmem>>
    %dma_start3A_45 = arith.constant 0 : i32
    %dma_start3A_46 = arith.constant 0 : i32
    %dma_start3A_47 = tpu.memref_slice %arg2[%dma_start3A_45, %dma_start3A_46] : memref<10112x16xf32, #tpu.memory_space<hbm>> -> memref<10112x16xf32, #tpu.memory_space<hbm>>
    tpu.enqueue_indirect_dma source(%dma_start3A_47 : memref<10112x16xf32, #tpu.memory_space<hbm>>) target(%arg9 : memref<128x16xf32, #tpu.memory_space<vmem>>) offsets(%dma_start3A_44 : memref<128xi32, #tpu.memory_space<vmem>>) semaphore(%arg14 : memref<!tpu.dma_semaphore, #tpu.memory_space<semaphore_mem>>)
    %dma_start3A_48 = arith.constant 2 : i32
    %dma_start3A_49 = arith.constant 0 : i32
    %dma_start3A_50 = tpu.memref_slice %arg6[%dma_start3A_48, %dma_start3A_49] : memref<112x128xi32, #tpu.memory_space<vmem>> -> memref<1x128xi32, #tpu.memory_space<vmem>>
    %dma_start3A_51 = tpu.memref_squeeze %dma_start3A_50 : memref<1x128xi32, #tpu.memory_space<vmem>> -> memref<128xi32, #tpu.memory_space<vmem>>
    %dma_start3A_52 = arith.constant 0 : i32
    %dma_start3A_53 = arith.constant 0 : i32
    %dma_start3A_54 = tpu.memref_slice %arg2[%dma_start3A_52, %dma_start3A_53] : memref<10112x16xf32, #tpu.memory_space<hbm>> -> memref<10112x16xf32, #tpu.memory_space<hbm>>
    tpu.enqueue_indirect_dma source(%dma_start3A_54 : memref<10112x16xf32, #tpu.memory_space<hbm>>) target(%arg10 : memref<128x16xf32, #tpu.memory_space<vmem>>) offsets(%dma_start3A_51 : memref<128xi32, #tpu.memory_space<vmem>>) semaphore(%arg15 : memref<!tpu.dma_semaphore, #tpu.memory_space<semaphore_mem>>)
    %dma_start3A_55 = arith.constant 3 : i32
    %dma_start3A_56 = arith.constant 0 : i32
    %dma_start3A_57 = tpu.memref_slice %arg6[%dma_start3A_55, %dma_start3A_56] : memref<112x128xi32, #tpu.memory_space<vmem>> -> memref<1x128xi32, #tpu.memory_space<vmem>>
    %dma_start3A_58 = tpu.memref_squeeze %dma_start3A_57 : memref<1x128xi32, #tpu.memory_space<vmem>> -> memref<128xi32, #tpu.memory_space<vmem>>
    %dma_start3A_59 = arith.constant 0 : i32
    %dma_start3A_60 = arith.constant 0 : i32
    %dma_start3A_61 = tpu.memref_slice %arg2[%dma_start3A_59, %dma_start3A_60] : memref<10112x16xf32, #tpu.memory_space<hbm>> -> memref<10112x16xf32, #tpu.memory_space<hbm>>
    tpu.enqueue_indirect_dma source(%dma_start3A_61 : memref<10112x16xf32, #tpu.memory_space<hbm>>) target(%arg11 : memref<128x16xf32, #tpu.memory_space<vmem>>) offsets(%dma_start3A_58 : memref<128xi32, #tpu.memory_space<vmem>>) semaphore(%arg16 : memref<!tpu.dma_semaphore, #tpu.memory_space<semaphore_mem>>)
    %jit3A_62 = arith.constant 4 : i32
    %div3A = arith.divsi %select_n3A_8, %jit3A_62 : i32
    %sign3A = arith.constant 0 : i32
    %sign3A_63 = arith.cmpi sgt, %select_n3A_8, %sign3A : i32
    %sign3A_64 = arith.extui %sign3A_63 : i1 to i32
    %sign3A_65 = arith.constant 0 : i32
    %sign3A_66 = arith.cmpi slt, %select_n3A_8, %sign3A_65 : i32
    %sign3A_67 = arith.extui %sign3A_66 : i1 to i32
    %sign3A_68 = arith.subi %sign3A_64, %sign3A_67 : i32
    %sign3A_69 = arith.constant 0 : i32
    %sign3A_70 = arith.cmpi sgt, %jit3A_62, %sign3A_69 : i32
    %sign3A_71 = arith.extui %sign3A_70 : i1 to i32
    %sign3A_72 = arith.constant 0 : i32
    %sign3A_73 = arith.cmpi slt, %jit3A_62, %sign3A_72 : i32
    %sign3A_74 = arith.extui %sign3A_73 : i1 to i32
    %sign3A_75 = arith.subi %sign3A_71, %sign3A_74 : i32
    %ne3A = arith.cmpi ne, %sign3A_68, %sign3A_75 : i32
    %rem3A = arith.remsi %select_n3A_8, %jit3A_62 : i32
    %ne3A_76 = arith.constant 0 : i32
    %ne3A_77 = arith.cmpi ne, %rem3A, %ne3A_76 : i32
    %and3A_78 = arith.andi %ne3A, %ne3A_77 : i1
    %sub3A = arith.constant 1 : i32
    %sub3A_79 = arith.subi %div3A, %sub3A : i32
    %select_n3A_80 = arith.select %and3A_78, %sub3A_79, %div3A : i32
    %sub3A_81 = arith.constant 1 : i32
    %sub3A_82 = arith.subi %select_n3A_80, %sub3A_81 : i32
    %while3A = arith.constant 0 : i32
    %while3A_83 = arith.constant 0 : i32
    %while3A_84 = arith.subi %sub3A_82, %while3A_83 : i32
    %while3A_85 = arith.addi %while3A_83, %while3A_84 : i32
    %while3A_86 = arith.constant 1 : i32
    %while3A_87 = arith.divsi %while3A_84, %while3A_86 : i32
    %while3A_88 = arith.muli %while3A_87, %while3A_86 : i32
    %while3A_89 = arith.addi %while3A_83, %while3A_88 : i32
    %while3A_90 = arith.constant 1 : i32
    scf.for %while3A_134 = %while3A_83 to %while3A_89 step %while3A_90  : i32 {
      %mul3A_135 = arith.constant 4 : i32
      %mul3A_136 = arith.muli %while3A_134, %mul3A_135 : i32
      %add3A_137 = arith.constant 0 : i32
      %add3A_138 = arith.addi %mul3A_136, %add3A_137 : i32
      %dma_wait3A_139 = arith.constant 0 : i32
      %dma_wait3A_140 = tpu.memref_slice %arg6[%add3A_138, %dma_wait3A_139] : memref<112x128xi32, #tpu.memory_space<vmem>> -> memref<1x128xi32, #tpu.memory_space<vmem>>
      %dma_wait3A_141 = tpu.memref_squeeze %dma_wait3A_140 : memref<1x128xi32, #tpu.memory_space<vmem>> -> memref<128xi32, #tpu.memory_space<vmem>>
      %dma_wait3A_142 = arith.constant 0 : i32
      %dma_wait3A_143 = arith.constant 0 : i32
      %dma_wait3A_144 = tpu.memref_slice %arg2[%dma_wait3A_142, %dma_wait3A_143] : memref<10112x16xf32, #tpu.memory_space<hbm>> -> memref<10112x16xf32, #tpu.memory_space<hbm>>
      tpu.wait_indirect_dma semaphore(%arg13 : memref<!tpu.dma_semaphore, #tpu.memory_space<semaphore_mem>>) src(%dma_wait3A_144 : memref<10112x16xf32, #tpu.memory_space<hbm>>) dst(%arg8 : memref<128x16xf32, #tpu.memory_space<vmem>>)
      %add3A_145 = arith.constant 0 : i32
      %add3A_146 = arith.addi %mul3A_136, %add3A_145 : i32
      "tpu.region"() ({
        %run_scoped3A = tpu.sem_alloc : memref<!tpu.dma_semaphore, #tpu.memory_space<semaphore_mem>>
        %dma_start3A_217 = arith.constant 0 : i32
        %dma_start3A_218 = tpu.memref_slice %arg7[%add3A_146, %dma_start3A_217] : memref<112x128xi32, #tpu.memory_space<vmem>> -> memref<1x128xi32, #tpu.memory_space<vmem>>
        %dma_start3A_219 = tpu.memref_squeeze %dma_start3A_218 : memref<1x128xi32, #tpu.memory_space<vmem>> -> memref<128xi32, #tpu.memory_space<vmem>>
        %dma_start3A_220 = arith.constant 0 : i32
        %dma_start3A_221 = arith.constant 0 : i32
        %dma_start3A_222 = tpu.memref_slice %arg12[%dma_start3A_220, %dma_start3A_221] : memref<10112x16xf32, #tpu.memory_space<vmem_shared>> -> memref<10112x16xf32, #tpu.memory_space<vmem_shared>>
        tpu.enqueue_indirect_dma source(%arg8 : memref<128x16xf32, #tpu.memory_space<vmem>>) target(%dma_start3A_222 : memref<10112x16xf32, #tpu.memory_space<vmem_shared>>) offsets(%dma_start3A_219 : memref<128xi32, #tpu.memory_space<vmem>>) semaphore(%run_scoped3A : memref<!tpu.dma_semaphore, #tpu.memory_space<semaphore_mem>>) {add = true}
        %dma_wait3A_223 = arith.constant 0 : i32
        %dma_wait3A_224 = tpu.memref_slice %arg7[%add3A_146, %dma_wait3A_223] : memref<112x128xi32, #tpu.memory_space<vmem>> -> memref<1x128xi32, #tpu.memory_space<vmem>>
        %dma_wait3A_225 = tpu.memref_squeeze %dma_wait3A_224 : memref<1x128xi32, #tpu.memory_space<vmem>> -> memref<128xi32, #tpu.memory_space<vmem>>
        %dma_wait3A_226 = arith.constant 0 : i32
        %dma_wait3A_227 = arith.constant 0 : i32
        %dma_wait3A_228 = tpu.memref_slice %arg12[%dma_wait3A_226, %dma_wait3A_227] : memref<10112x16xf32, #tpu.memory_space<vmem_shared>> -> memref<10112x16xf32, #tpu.memory_space<vmem_shared>>
        tpu.wait_indirect_dma semaphore(%run_scoped3A : memref<!tpu.dma_semaphore, #tpu.memory_space<semaphore_mem>>) src(%arg8 : memref<128x16xf32, #tpu.memory_space<vmem>>) dst(%dma_wait3A_228 : memref<10112x16xf32, #tpu.memory_space<vmem_shared>>)
        tpu.yield
      }) : () -> ()
      %add3A_147 = arith.constant 0 : i32
      %add3A_148 = arith.addi %mul3A_136, %add3A_147 : i32
      %add3A_149 = arith.constant 4 : i32
      %add3A_150 = arith.addi %add3A_148, %add3A_149 : i32
      %dma_start3A_151 = arith.constant 0 : i32
      %dma_start3A_152 = tpu.memref_slice %arg6[%add3A_150, %dma_start3A_151] : memref<112x128xi32, #tpu.memory_space<vmem>> -> memref<1x128xi32, #tpu.memory_space<vmem>>
      %dma_start3A_153 = tpu.memref_squeeze %dma_start3A_152 : memref<1x128xi32, #tpu.memory_space<vmem>> -> memref<128xi32, #tpu.memory_space<vmem>>
      %dma_start3A_154 = arith.constant 0 : i32
      %dma_start3A_155 = arith.constant 0 : i32
      %dma_start3A_156 = tpu.memref_slice %arg2[%dma_start3A_154, %dma_start3A_155] : memref<10112x16xf32, #tpu.memory_space<hbm>> -> memref<10112x16xf32, #tpu.memory_space<hbm>>
      tpu.enqueue_indirect_dma source(%dma_start3A_156 : memref<10112x16xf32, #tpu.memory_space<hbm>>) target(%arg8 : memref<128x16xf32, #tpu.memory_space<vmem>>) offsets(%dma_start3A_153 : memref<128xi32, #tpu.memory_space<vmem>>) semaphore(%arg13 : memref<!tpu.dma_semaphore, #tpu.memory_space<semaphore_mem>>)
      %add3A_157 = arith.constant 1 : i32
      %add3A_158 = arith.addi %mul3A_136, %add3A_157 : i32
      %dma_wait3A_159 = arith.constant 0 : i32
      %dma_wait3A_160 = tpu.memref_slice %arg6[%add3A_158, %dma_wait3A_159] : memref<112x128xi32, #tpu.memory_space<vmem>> -> memref<1x128xi32, #tpu.memory_space<vmem>>
      %dma_wait3A_161 = tpu.memref_squeeze %dma_wait3A_160 : memref<1x128xi32, #tpu.memory_space<vmem>> -> memref<128xi32, #tpu.memory_space<vmem>>
      %dma_wait3A_162 = arith.constant 0 : i32
      %dma_wait3A_163 = arith.constant 0 : i32
      %dma_wait3A_164 = tpu.memref_slice %arg2[%dma_wait3A_162, %dma_wait3A_163] : memref<10112x16xf32, #tpu.memory_space<hbm>> -> memref<10112x16xf32, #tpu.memory_space<hbm>>
      tpu.wait_indirect_dma semaphore(%arg14 : memref<!tpu.dma_semaphore, #tpu.memory_space<semaphore_mem>>) src(%dma_wait3A_164 : memref<10112x16xf32, #tpu.memory_space<hbm>>) dst(%arg9 : memref<128x16xf32, #tpu.memory_space<vmem>>)
      %add3A_165 = arith.constant 1 : i32
      %add3A_166 = arith.addi %mul3A_136, %add3A_165 : i32
      "tpu.region"() ({
        %run_scoped3A = tpu.sem_alloc : memref<!tpu.dma_semaphore, #tpu.memory_space<semaphore_mem>>
        %dma_start3A_217 = arith.constant 0 : i32
        %dma_start3A_218 = tpu.memref_slice %arg7[%add3A_166, %dma_start3A_217] : memref<112x128xi32, #tpu.memory_space<vmem>> -> memref<1x128xi32, #tpu.memory_space<vmem>>
        %dma_start3A_219 = tpu.memref_squeeze %dma_start3A_218 : memref<1x128xi32, #tpu.memory_space<vmem>> -> memref<128xi32, #tpu.memory_space<vmem>>
        %dma_start3A_220 = arith.constant 0 : i32
        %dma_start3A_221 = arith.constant 0 : i32
        %dma_start3A_222 = tpu.memref_slice %arg12[%dma_start3A_220, %dma_start3A_221] : memref<10112x16xf32, #tpu.memory_space<vmem_shared>> -> memref<10112x16xf32, #tpu.memory_space<vmem_shared>>
        tpu.enqueue_indirect_dma source(%arg9 : memref<128x16xf32, #tpu.memory_space<vmem>>) target(%dma_start3A_222 : memref<10112x16xf32, #tpu.memory_space<vmem_shared>>) offsets(%dma_start3A_219 : memref<128xi32, #tpu.memory_space<vmem>>) semaphore(%run_scoped3A : memref<!tpu.dma_semaphore, #tpu.memory_space<semaphore_mem>>) {add = true}
        %dma_wait3A_223 = arith.constant 0 : i32
        %dma_wait3A_224 = tpu.memref_slice %arg7[%add3A_166, %dma_wait3A_223] : memref<112x128xi32, #tpu.memory_space<vmem>> -> memref<1x128xi32, #tpu.memory_space<vmem>>
        %dma_wait3A_225 = tpu.memref_squeeze %dma_wait3A_224 : memref<1x128xi32, #tpu.memory_space<vmem>> -> memref<128xi32, #tpu.memory_space<vmem>>
        %dma_wait3A_226 = arith.constant 0 : i32
        %dma_wait3A_227 = arith.constant 0 : i32
        %dma_wait3A_228 = tpu.memref_slice %arg12[%dma_wait3A_226, %dma_wait3A_227] : memref<10112x16xf32, #tpu.memory_space<vmem_shared>> -> memref<10112x16xf32, #tpu.memory_space<vmem_shared>>
        tpu.wait_indirect_dma semaphore(%run_scoped3A : memref<!tpu.dma_semaphore, #tpu.memory_space<semaphore_mem>>) src(%arg9 : memref<128x16xf32, #tpu.memory_space<vmem>>) dst(%dma_wait3A_228 : memref<10112x16xf32, #tpu.memory_space<vmem_shared>>)
        tpu.yield
      }) : () -> ()
      %add3A_167 = arith.constant 1 : i32
      %add3A_168 = arith.addi %mul3A_136, %add3A_167 : i32
      %add3A_169 = arith.constant 4 : i32
      %add3A_170 = arith.addi %add3A_168, %add3A_169 : i32
      %dma_start3A_171 = arith.constant 0 : i32
      %dma_start3A_172 = tpu.memref_slice %arg6[%add3A_170, %dma_start3A_171] : memref<112x128xi32, #tpu.memory_space<vmem>> -> memref<1x128xi32, #tpu.memory_space<vmem>>
      %dma_start3A_173 = tpu.memref_squeeze %dma_start3A_172 : memref<1x128xi32, #tpu.memory_space<vmem>> -> memref<128xi32, #tpu.memory_space<vmem>>
      %dma_start3A_174 = arith.constant 0 : i32
      %dma_start3A_175 = arith.constant 0 : i32
      %dma_start3A_176 = tpu.memref_slice %arg2[%dma_start3A_174, %dma_start3A_175] : memref<10112x16xf32, #tpu.memory_space<hbm>> -> memref<10112x16xf32, #tpu.memory_space<hbm>>
      tpu.enqueue_indirect_dma source(%dma_start3A_176 : memref<10112x16xf32, #tpu.memory_space<hbm>>) target(%arg9 : memref<128x16xf32, #tpu.memory_space<vmem>>) offsets(%dma_start3A_173 : memref<128xi32, #tpu.memory_space<vmem>>) semaphore(%arg14 : memref<!tpu.dma_semaphore, #tpu.memory_space<semaphore_mem>>)
      %add3A_177 = arith.constant 2 : i32
      %add3A_178 = arith.addi %mul3A_136, %add3A_177 : i32
      %dma_wait3A_179 = arith.constant 0 : i32
      %dma_wait3A_180 = tpu.memref_slice %arg6[%add3A_178, %dma_wait3A_179] : memref<112x128xi32, #tpu.memory_space<vmem>> -> memref<1x128xi32, #tpu.memory_space<vmem>>
      %dma_wait3A_181 = tpu.memref_squeeze %dma_wait3A_180 : memref<1x128xi32, #tpu.memory_space<vmem>> -> memref<128xi32, #tpu.memory_space<vmem>>
      %dma_wait3A_182 = arith.constant 0 : i32
      %dma_wait3A_183 = arith.constant 0 : i32
      %dma_wait3A_184 = tpu.memref_slice %arg2[%dma_wait3A_182, %dma_wait3A_183] : memref<10112x16xf32, #tpu.memory_space<hbm>> -> memref<10112x16xf32, #tpu.memory_space<hbm>>
      tpu.wait_indirect_dma semaphore(%arg15 : memref<!tpu.dma_semaphore, #tpu.memory_space<semaphore_mem>>) src(%dma_wait3A_184 : memref<10112x16xf32, #tpu.memory_space<hbm>>) dst(%arg10 : memref<128x16xf32, #tpu.memory_space<vmem>>)
      %add3A_185 = arith.constant 2 : i32
      %add3A_186 = arith.addi %mul3A_136, %add3A_185 : i32
      "tpu.region"() ({
        %run_scoped3A = tpu.sem_alloc : memref<!tpu.dma_semaphore, #tpu.memory_space<semaphore_mem>>
        %dma_start3A_217 = arith.constant 0 : i32
        %dma_start3A_218 = tpu.memref_slice %arg7[%add3A_186, %dma_start3A_217] : memref<112x128xi32, #tpu.memory_space<vmem>> -> memref<1x128xi32, #tpu.memory_space<vmem>>
        %dma_start3A_219 = tpu.memref_squeeze %dma_start3A_218 : memref<1x128xi32, #tpu.memory_space<vmem>> -> memref<128xi32, #tpu.memory_space<vmem>>
        %dma_start3A_220 = arith.constant 0 : i32
        %dma_start3A_221 = arith.constant 0 : i32
        %dma_start3A_222 = tpu.memref_slice %arg12[%dma_start3A_220, %dma_start3A_221] : memref<10112x16xf32, #tpu.memory_space<vmem_shared>> -> memref<10112x16xf32, #tpu.memory_space<vmem_shared>>
        tpu.enqueue_indirect_dma source(%arg10 : memref<128x16xf32, #tpu.memory_space<vmem>>) target(%dma_start3A_222 : memref<10112x16xf32, #tpu.memory_space<vmem_shared>>) offsets(%dma_start3A_219 : memref<128xi32, #tpu.memory_space<vmem>>) semaphore(%run_scoped3A : memref<!tpu.dma_semaphore, #tpu.memory_space<semaphore_mem>>) {add = true}
        %dma_wait3A_223 = arith.constant 0 : i32
        %dma_wait3A_224 = tpu.memref_slice %arg7[%add3A_186, %dma_wait3A_223] : memref<112x128xi32, #tpu.memory_space<vmem>> -> memref<1x128xi32, #tpu.memory_space<vmem>>
        %dma_wait3A_225 = tpu.memref_squeeze %dma_wait3A_224 : memref<1x128xi32, #tpu.memory_space<vmem>> -> memref<128xi32, #tpu.memory_space<vmem>>
        %dma_wait3A_226 = arith.constant 0 : i32
        %dma_wait3A_227 = arith.constant 0 : i32
        %dma_wait3A_228 = tpu.memref_slice %arg12[%dma_wait3A_226, %dma_wait3A_227] : memref<10112x16xf32, #tpu.memory_space<vmem_shared>> -> memref<10112x16xf32, #tpu.memory_space<vmem_shared>>
        tpu.wait_indirect_dma semaphore(%run_scoped3A : memref<!tpu.dma_semaphore, #tpu.memory_space<semaphore_mem>>) src(%arg10 : memref<128x16xf32, #tpu.memory_space<vmem>>) dst(%dma_wait3A_228 : memref<10112x16xf32, #tpu.memory_space<vmem_shared>>)
        tpu.yield
      }) : () -> ()
      %add3A_187 = arith.constant 2 : i32
      %add3A_188 = arith.addi %mul3A_136, %add3A_187 : i32
      %add3A_189 = arith.constant 4 : i32
      %add3A_190 = arith.addi %add3A_188, %add3A_189 : i32
      %dma_start3A_191 = arith.constant 0 : i32
      %dma_start3A_192 = tpu.memref_slice %arg6[%add3A_190, %dma_start3A_191] : memref<112x128xi32, #tpu.memory_space<vmem>> -> memref<1x128xi32, #tpu.memory_space<vmem>>
      %dma_start3A_193 = tpu.memref_squeeze %dma_start3A_192 : memref<1x128xi32, #tpu.memory_space<vmem>> -> memref<128xi32, #tpu.memory_space<vmem>>
      %dma_start3A_194 = arith.constant 0 : i32
      %dma_start3A_195 = arith.constant 0 : i32
      %dma_start3A_196 = tpu.memref_slice %arg2[%dma_start3A_194, %dma_start3A_195] : memref<10112x16xf32, #tpu.memory_space<hbm>> -> memref<10112x16xf32, #tpu.memory_space<hbm>>
      tpu.enqueue_indirect_dma source(%dma_start3A_196 : memref<10112x16xf32, #tpu.memory_space<hbm>>) target(%arg10 : memref<128x16xf32, #tpu.memory_space<vmem>>) offsets(%dma_start3A_193 : memref<128xi32, #tpu.memory_space<vmem>>) semaphore(%arg15 : memref<!tpu.dma_semaphore, #tpu.memory_space<semaphore_mem>>)
      %add3A_197 = arith.constant 3 : i32
      %add3A_198 = arith.addi %mul3A_136, %add3A_197 : i32
      %dma_wait3A_199 = arith.constant 0 : i32
      %dma_wait3A_200 = tpu.memref_slice %arg6[%add3A_198, %dma_wait3A_199] : memref<112x128xi32, #tpu.memory_space<vmem>> -> memref<1x128xi32, #tpu.memory_space<vmem>>
      %dma_wait3A_201 = tpu.memref_squeeze %dma_wait3A_200 : memref<1x128xi32, #tpu.memory_space<vmem>> -> memref<128xi32, #tpu.memory_space<vmem>>
      %dma_wait3A_202 = arith.constant 0 : i32
      %dma_wait3A_203 = arith.constant 0 : i32
      %dma_wait3A_204 = tpu.memref_slice %arg2[%dma_wait3A_202, %dma_wait3A_203] : memref<10112x16xf32, #tpu.memory_space<hbm>> -> memref<10112x16xf32, #tpu.memory_space<hbm>>
      tpu.wait_indirect_dma semaphore(%arg16 : memref<!tpu.dma_semaphore, #tpu.memory_space<semaphore_mem>>) src(%dma_wait3A_204 : memref<10112x16xf32, #tpu.memory_space<hbm>>) dst(%arg11 : memref<128x16xf32, #tpu.memory_space<vmem>>)
      %add3A_205 = arith.constant 3 : i32
      %add3A_206 = arith.addi %mul3A_136, %add3A_205 : i32
      "tpu.region"() ({
        %run_scoped3A = tpu.sem_alloc : memref<!tpu.dma_semaphore, #tpu.memory_space<semaphore_mem>>
        %dma_start3A_217 = arith.constant 0 : i32
        %dma_start3A_218 = tpu.memref_slice %arg7[%add3A_206, %dma_start3A_217] : memref<112x128xi32, #tpu.memory_space<vmem>> -> memref<1x128xi32, #tpu.memory_space<vmem>>
        %dma_start3A_219 = tpu.memref_squeeze %dma_start3A_218 : memref<1x128xi32, #tpu.memory_space<vmem>> -> memref<128xi32, #tpu.memory_space<vmem>>
        %dma_start3A_220 = arith.constant 0 : i32
        %dma_start3A_221 = arith.constant 0 : i32
        %dma_start3A_222 = tpu.memref_slice %arg12[%dma_start3A_220, %dma_start3A_221] : memref<10112x16xf32, #tpu.memory_space<vmem_shared>> -> memref<10112x16xf32, #tpu.memory_space<vmem_shared>>
        tpu.enqueue_indirect_dma source(%arg11 : memref<128x16xf32, #tpu.memory_space<vmem>>) target(%dma_start3A_222 : memref<10112x16xf32, #tpu.memory_space<vmem_shared>>) offsets(%dma_start3A_219 : memref<128xi32, #tpu.memory_space<vmem>>) semaphore(%run_scoped3A : memref<!tpu.dma_semaphore, #tpu.memory_space<semaphore_mem>>) {add = true}
        %dma_wait3A_223 = arith.constant 0 : i32
        %dma_wait3A_224 = tpu.memref_slice %arg7[%add3A_206, %dma_wait3A_223] : memref<112x128xi32, #tpu.memory_space<vmem>> -> memref<1x128xi32, #tpu.memory_space<vmem>>
        %dma_wait3A_225 = tpu.memref_squeeze %dma_wait3A_224 : memref<1x128xi32, #tpu.memory_space<vmem>> -> memref<128xi32, #tpu.memory_space<vmem>>
        %dma_wait3A_226 = arith.constant 0 : i32
        %dma_wait3A_227 = arith.constant 0 : i32
        %dma_wait3A_228 = tpu.memref_slice %arg12[%dma_wait3A_226, %dma_wait3A_227] : memref<10112x16xf32, #tpu.memory_space<vmem_shared>> -> memref<10112x16xf32, #tpu.memory_space<vmem_shared>>
        tpu.wait_indirect_dma semaphore(%run_scoped3A : memref<!tpu.dma_semaphore, #tpu.memory_space<semaphore_mem>>) src(%arg11 : memref<128x16xf32, #tpu.memory_space<vmem>>) dst(%dma_wait3A_228 : memref<10112x16xf32, #tpu.memory_space<vmem_shared>>)
        tpu.yield
      }) : () -> ()
      %add3A_207 = arith.constant 3 : i32
      %add3A_208 = arith.addi %mul3A_136, %add3A_207 : i32
      %add3A_209 = arith.constant 4 : i32
      %add3A_210 = arith.addi %add3A_208, %add3A_209 : i32
      %dma_start3A_211 = arith.constant 0 : i32
      %dma_start3A_212 = tpu.memref_slice %arg6[%add3A_210, %dma_start3A_211] : memref<112x128xi32, #tpu.memory_space<vmem>> -> memref<1x128xi32, #tpu.memory_space<vmem>>
      %dma_start3A_213 = tpu.memref_squeeze %dma_start3A_212 : memref<1x128xi32, #tpu.memory_space<vmem>> -> memref<128xi32, #tpu.memory_space<vmem>>
      %dma_start3A_214 = arith.constant 0 : i32
      %dma_start3A_215 = arith.constant 0 : i32
      %dma_start3A_216 = tpu.memref_slice %arg2[%dma_start3A_214, %dma_start3A_215] : memref<10112x16xf32, #tpu.memory_space<hbm>> -> memref<10112x16xf32, #tpu.memory_space<hbm>>
      tpu.enqueue_indirect_dma source(%dma_start3A_216 : memref<10112x16xf32, #tpu.memory_space<hbm>>) target(%arg11 : memref<128x16xf32, #tpu.memory_space<vmem>>) offsets(%dma_start3A_213 : memref<128xi32, #tpu.memory_space<vmem>>) semaphore(%arg16 : memref<!tpu.dma_semaphore, #tpu.memory_space<semaphore_mem>>)
    }
    %while3A_91 = arith.constant 1 : i32
    scf.for %while3A_134 = %while3A_89 to %while3A_85 step %while3A_91  : i32 {
      %mul3A_135 = arith.constant 4 : i32
      %mul3A_136 = arith.muli %while3A_134, %mul3A_135 : i32
      %add3A_137 = arith.constant 0 : i32
      %add3A_138 = arith.addi %mul3A_136, %add3A_137 : i32
      %dma_wait3A_139 = arith.constant 0 : i32
      %dma_wait3A_140 = tpu.memref_slice %arg6[%add3A_138, %dma_wait3A_139] : memref<112x128xi32, #tpu.memory_space<vmem>> -> memref<1x128xi32, #tpu.memory_space<vmem>>
      %dma_wait3A_141 = tpu.memref_squeeze %dma_wait3A_140 : memref<1x128xi32, #tpu.memory_space<vmem>> -> memref<128xi32, #tpu.memory_space<vmem>>
      %dma_wait3A_142 = arith.constant 0 : i32
      %dma_wait3A_143 = arith.constant 0 : i32
      %dma_wait3A_144 = tpu.memref_slice %arg2[%dma_wait3A_142, %dma_wait3A_143] : memref<10112x16xf32, #tpu.memory_space<hbm>> -> memref<10112x16xf32, #tpu.memory_space<hbm>>
      tpu.wait_indirect_dma semaphore(%arg13 : memref<!tpu.dma_semaphore, #tpu.memory_space<semaphore_mem>>) src(%dma_wait3A_144 : memref<10112x16xf32, #tpu.memory_space<hbm>>) dst(%arg8 : memref<128x16xf32, #tpu.memory_space<vmem>>)
      %add3A_145 = arith.constant 0 : i32
      %add3A_146 = arith.addi %mul3A_136, %add3A_145 : i32
      "tpu.region"() ({
        %run_scoped3A = tpu.sem_alloc : memref<!tpu.dma_semaphore, #tpu.memory_space<semaphore_mem>>
        %dma_start3A_217 = arith.constant 0 : i32
        %dma_start3A_218 = tpu.memref_slice %arg7[%add3A_146, %dma_start3A_217] : memref<112x128xi32, #tpu.memory_space<vmem>> -> memref<1x128xi32, #tpu.memory_space<vmem>>
        %dma_start3A_219 = tpu.memref_squeeze %dma_start3A_218 : memref<1x128xi32, #tpu.memory_space<vmem>> -> memref<128xi32, #tpu.memory_space<vmem>>
        %dma_start3A_220 = arith.constant 0 : i32
        %dma_start3A_221 = arith.constant 0 : i32
        %dma_start3A_222 = tpu.memref_slice %arg12[%dma_start3A_220, %dma_start3A_221] : memref<10112x16xf32, #tpu.memory_space<vmem_shared>> -> memref<10112x16xf32, #tpu.memory_space<vmem_shared>>
        tpu.enqueue_indirect_dma source(%arg8 : memref<128x16xf32, #tpu.memory_space<vmem>>) target(%dma_start3A_222 : memref<10112x16xf32, #tpu.memory_space<vmem_shared>>) offsets(%dma_start3A_219 : memref<128xi32, #tpu.memory_space<vmem>>) semaphore(%run_scoped3A : memref<!tpu.dma_semaphore, #tpu.memory_space<semaphore_mem>>) {add = true}
        %dma_wait3A_223 = arith.constant 0 : i32
        %dma_wait3A_224 = tpu.memref_slice %arg7[%add3A_146, %dma_wait3A_223] : memref<112x128xi32, #tpu.memory_space<vmem>> -> memref<1x128xi32, #tpu.memory_space<vmem>>
        %dma_wait3A_225 = tpu.memref_squeeze %dma_wait3A_224 : memref<1x128xi32, #tpu.memory_space<vmem>> -> memref<128xi32, #tpu.memory_space<vmem>>
        %dma_wait3A_226 = arith.constant 0 : i32
        %dma_wait3A_227 = arith.constant 0 : i32
        %dma_wait3A_228 = tpu.memref_slice %arg12[%dma_wait3A_226, %dma_wait3A_227] : memref<10112x16xf32, #tpu.memory_space<vmem_shared>> -> memref<10112x16xf32, #tpu.memory_space<vmem_shared>>
        tpu.wait_indirect_dma semaphore(%run_scoped3A : memref<!tpu.dma_semaphore, #tpu.memory_space<semaphore_mem>>) src(%arg8 : memref<128x16xf32, #tpu.memory_space<vmem>>) dst(%dma_wait3A_228 : memref<10112x16xf32, #tpu.memory_space<vmem_shared>>)
        tpu.yield
      }) : () -> ()
      %add3A_147 = arith.constant 0 : i32
      %add3A_148 = arith.addi %mul3A_136, %add3A_147 : i32
      %add3A_149 = arith.constant 4 : i32
      %add3A_150 = arith.addi %add3A_148, %add3A_149 : i32
      %dma_start3A_151 = arith.constant 0 : i32
      %dma_start3A_152 = tpu.memref_slice %arg6[%add3A_150, %dma_start3A_151] : memref<112x128xi32, #tpu.memory_space<vmem>> -> memref<1x128xi32, #tpu.memory_space<vmem>>
      %dma_start3A_153 = tpu.memref_squeeze %dma_start3A_152 : memref<1x128xi32, #tpu.memory_space<vmem>> -> memref<128xi32, #tpu.memory_space<vmem>>
      %dma_start3A_154 = arith.constant 0 : i32
      %dma_start3A_155 = arith.constant 0 : i32
      %dma_start3A_156 = tpu.memref_slice %arg2[%dma_start3A_154, %dma_start3A_155] : memref<10112x16xf32, #tpu.memory_space<hbm>> -> memref<10112x16xf32, #tpu.memory_space<hbm>>
      tpu.enqueue_indirect_dma source(%dma_start3A_156 : memref<10112x16xf32, #tpu.memory_space<hbm>>) target(%arg8 : memref<128x16xf32, #tpu.memory_space<vmem>>) offsets(%dma_start3A_153 : memref<128xi32, #tpu.memory_space<vmem>>) semaphore(%arg13 : memref<!tpu.dma_semaphore, #tpu.memory_space<semaphore_mem>>)
      %add3A_157 = arith.constant 1 : i32
      %add3A_158 = arith.addi %mul3A_136, %add3A_157 : i32
      %dma_wait3A_159 = arith.constant 0 : i32
      %dma_wait3A_160 = tpu.memref_slice %arg6[%add3A_158, %dma_wait3A_159] : memref<112x128xi32, #tpu.memory_space<vmem>> -> memref<1x128xi32, #tpu.memory_space<vmem>>
      %dma_wait3A_161 = tpu.memref_squeeze %dma_wait3A_160 : memref<1x128xi32, #tpu.memory_space<vmem>> -> memref<128xi32, #tpu.memory_space<vmem>>
      %dma_wait3A_162 = arith.constant 0 : i32
      %dma_wait3A_163 = arith.constant 0 : i32
      %dma_wait3A_164 = tpu.memref_slice %arg2[%dma_wait3A_162, %dma_wait3A_163] : memref<10112x16xf32, #tpu.memory_space<hbm>> -> memref<10112x16xf32, #tpu.memory_space<hbm>>
      tpu.wait_indirect_dma semaphore(%arg14 : memref<!tpu.dma_semaphore, #tpu.memory_space<semaphore_mem>>) src(%dma_wait3A_164 : memref<10112x16xf32, #tpu.memory_space<hbm>>) dst(%arg9 : memref<128x16xf32, #tpu.memory_space<vmem>>)
      %add3A_165 = arith.constant 1 : i32
      %add3A_166 = arith.addi %mul3A_136, %add3A_165 : i32
      "tpu.region"() ({
        %run_scoped3A = tpu.sem_alloc : memref<!tpu.dma_semaphore, #tpu.memory_space<semaphore_mem>>
        %dma_start3A_217 = arith.constant 0 : i32
        %dma_start3A_218 = tpu.memref_slice %arg7[%add3A_166, %dma_start3A_217] : memref<112x128xi32, #tpu.memory_space<vmem>> -> memref<1x128xi32, #tpu.memory_space<vmem>>
        %dma_start3A_219 = tpu.memref_squeeze %dma_start3A_218 : memref<1x128xi32, #tpu.memory_space<vmem>> -> memref<128xi32, #tpu.memory_space<vmem>>
        %dma_start3A_220 = arith.constant 0 : i32
        %dma_start3A_221 = arith.constant 0 : i32
        %dma_start3A_222 = tpu.memref_slice %arg12[%dma_start3A_220, %dma_start3A_221] : memref<10112x16xf32, #tpu.memory_space<vmem_shared>> -> memref<10112x16xf32, #tpu.memory_space<vmem_shared>>
        tpu.enqueue_indirect_dma source(%arg9 : memref<128x16xf32, #tpu.memory_space<vmem>>) target(%dma_start3A_222 : memref<10112x16xf32, #tpu.memory_space<vmem_shared>>) offsets(%dma_start3A_219 : memref<128xi32, #tpu.memory_space<vmem>>) semaphore(%run_scoped3A : memref<!tpu.dma_semaphore, #tpu.memory_space<semaphore_mem>>) {add = true}
        %dma_wait3A_223 = arith.constant 0 : i32
        %dma_wait3A_224 = tpu.memref_slice %arg7[%add3A_166, %dma_wait3A_223] : memref<112x128xi32, #tpu.memory_space<vmem>> -> memref<1x128xi32, #tpu.memory_space<vmem>>
        %dma_wait3A_225 = tpu.memref_squeeze %dma_wait3A_224 : memref<1x128xi32, #tpu.memory_space<vmem>> -> memref<128xi32, #tpu.memory_space<vmem>>
        %dma_wait3A_226 = arith.constant 0 : i32
        %dma_wait3A_227 = arith.constant 0 : i32
        %dma_wait3A_228 = tpu.memref_slice %arg12[%dma_wait3A_226, %dma_wait3A_227] : memref<10112x16xf32, #tpu.memory_space<vmem_shared>> -> memref<10112x16xf32, #tpu.memory_space<vmem_shared>>
        tpu.wait_indirect_dma semaphore(%run_scoped3A : memref<!tpu.dma_semaphore, #tpu.memory_space<semaphore_mem>>) src(%arg9 : memref<128x16xf32, #tpu.memory_space<vmem>>) dst(%dma_wait3A_228 : memref<10112x16xf32, #tpu.memory_space<vmem_shared>>)
        tpu.yield
      }) : () -> ()
      %add3A_167 = arith.constant 1 : i32
      %add3A_168 = arith.addi %mul3A_136, %add3A_167 : i32
      %add3A_169 = arith.constant 4 : i32
      %add3A_170 = arith.addi %add3A_168, %add3A_169 : i32
      %dma_start3A_171 = arith.constant 0 : i32
      %dma_start3A_172 = tpu.memref_slice %arg6[%add3A_170, %dma_start3A_171] : memref<112x128xi32, #tpu.memory_space<vmem>> -> memref<1x128xi32, #tpu.memory_space<vmem>>
      %dma_start3A_173 = tpu.memref_squeeze %dma_start3A_172 : memref<1x128xi32, #tpu.memory_space<vmem>> -> memref<128xi32, #tpu.memory_space<vmem>>
      %dma_start3A_174 = arith.constant 0 : i32
      %dma_start3A_175 = arith.constant 0 : i32
      %dma_start3A_176 = tpu.memref_slice %arg2[%dma_start3A_174, %dma_start3A_175] : memref<10112x16xf32, #tpu.memory_space<hbm>> -> memref<10112x16xf32, #tpu.memory_space<hbm>>
      tpu.enqueue_indirect_dma source(%dma_start3A_176 : memref<10112x16xf32, #tpu.memory_space<hbm>>) target(%arg9 : memref<128x16xf32, #tpu.memory_space<vmem>>) offsets(%dma_start3A_173 : memref<128xi32, #tpu.memory_space<vmem>>) semaphore(%arg14 : memref<!tpu.dma_semaphore, #tpu.memory_space<semaphore_mem>>)
      %add3A_177 = arith.constant 2 : i32
      %add3A_178 = arith.addi %mul3A_136, %add3A_177 : i32
      %dma_wait3A_179 = arith.constant 0 : i32
      %dma_wait3A_180 = tpu.memref_slice %arg6[%add3A_178, %dma_wait3A_179] : memref<112x128xi32, #tpu.memory_space<vmem>> -> memref<1x128xi32, #tpu.memory_space<vmem>>
      %dma_wait3A_181 = tpu.memref_squeeze %dma_wait3A_180 : memref<1x128xi32, #tpu.memory_space<vmem>> -> memref<128xi32, #tpu.memory_space<vmem>>
      %dma_wait3A_182 = arith.constant 0 : i32
      %dma_wait3A_183 = arith.constant 0 : i32
      %dma_wait3A_184 = tpu.memref_slice %arg2[%dma_wait3A_182, %dma_wait3A_183] : memref<10112x16xf32, #tpu.memory_space<hbm>> -> memref<10112x16xf32, #tpu.memory_space<hbm>>
      tpu.wait_indirect_dma semaphore(%arg15 : memref<!tpu.dma_semaphore, #tpu.memory_space<semaphore_mem>>) src(%dma_wait3A_184 : memref<10112x16xf32, #tpu.memory_space<hbm>>) dst(%arg10 : memref<128x16xf32, #tpu.memory_space<vmem>>)
      %add3A_185 = arith.constant 2 : i32
      %add3A_186 = arith.addi %mul3A_136, %add3A_185 : i32
      "tpu.region"() ({
        %run_scoped3A = tpu.sem_alloc : memref<!tpu.dma_semaphore, #tpu.memory_space<semaphore_mem>>
        %dma_start3A_217 = arith.constant 0 : i32
        %dma_start3A_218 = tpu.memref_slice %arg7[%add3A_186, %dma_start3A_217] : memref<112x128xi32, #tpu.memory_space<vmem>> -> memref<1x128xi32, #tpu.memory_space<vmem>>
        %dma_start3A_219 = tpu.memref_squeeze %dma_start3A_218 : memref<1x128xi32, #tpu.memory_space<vmem>> -> memref<128xi32, #tpu.memory_space<vmem>>
        %dma_start3A_220 = arith.constant 0 : i32
        %dma_start3A_221 = arith.constant 0 : i32
        %dma_start3A_222 = tpu.memref_slice %arg12[%dma_start3A_220, %dma_start3A_221] : memref<10112x16xf32, #tpu.memory_space<vmem_shared>> -> memref<10112x16xf32, #tpu.memory_space<vmem_shared>>
        tpu.enqueue_indirect_dma source(%arg10 : memref<128x16xf32, #tpu.memory_space<vmem>>) target(%dma_start3A_222 : memref<10112x16xf32, #tpu.memory_space<vmem_shared>>) offsets(%dma_start3A_219 : memref<128xi32, #tpu.memory_space<vmem>>) semaphore(%run_scoped3A : memref<!tpu.dma_semaphore, #tpu.memory_space<semaphore_mem>>) {add = true}
        %dma_wait3A_223 = arith.constant 0 : i32
        %dma_wait3A_224 = tpu.memref_slice %arg7[%add3A_186, %dma_wait3A_223] : memref<112x128xi32, #tpu.memory_space<vmem>> -> memref<1x128xi32, #tpu.memory_space<vmem>>
        %dma_wait3A_225 = tpu.memref_squeeze %dma_wait3A_224 : memref<1x128xi32, #tpu.memory_space<vmem>> -> memref<128xi32, #tpu.memory_space<vmem>>
        %dma_wait3A_226 = arith.constant 0 : i32
        %dma_wait3A_227 = arith.constant 0 : i32
        %dma_wait3A_228 = tpu.memref_slice %arg12[%dma_wait3A_226, %dma_wait3A_227] : memref<10112x16xf32, #tpu.memory_space<vmem_shared>> -> memref<10112x16xf32, #tpu.memory_space<vmem_shared>>
        tpu.wait_indirect_dma semaphore(%run_scoped3A : memref<!tpu.dma_semaphore, #tpu.memory_space<semaphore_mem>>) src(%arg10 : memref<128x16xf32, #tpu.memory_space<vmem>>) dst(%dma_wait3A_228 : memref<10112x16xf32, #tpu.memory_space<vmem_shared>>)
        tpu.yield
      }) : () -> ()
      %add3A_187 = arith.constant 2 : i32
      %add3A_188 = arith.addi %mul3A_136, %add3A_187 : i32
      %add3A_189 = arith.constant 4 : i32
      %add3A_190 = arith.addi %add3A_188, %add3A_189 : i32
      %dma_start3A_191 = arith.constant 0 : i32
      %dma_start3A_192 = tpu.memref_slice %arg6[%add3A_190, %dma_start3A_191] : memref<112x128xi32, #tpu.memory_space<vmem>> -> memref<1x128xi32, #tpu.memory_space<vmem>>
      %dma_start3A_193 = tpu.memref_squeeze %dma_start3A_192 : memref<1x128xi32, #tpu.memory_space<vmem>> -> memref<128xi32, #tpu.memory_space<vmem>>
      %dma_start3A_194 = arith.constant 0 : i32
      %dma_start3A_195 = arith.constant 0 : i32
      %dma_start3A_196 = tpu.memref_slice %arg2[%dma_start3A_194, %dma_start3A_195] : memref<10112x16xf32, #tpu.memory_space<hbm>> -> memref<10112x16xf32, #tpu.memory_space<hbm>>
      tpu.enqueue_indirect_dma source(%dma_start3A_196 : memref<10112x16xf32, #tpu.memory_space<hbm>>) target(%arg10 : memref<128x16xf32, #tpu.memory_space<vmem>>) offsets(%dma_start3A_193 : memref<128xi32, #tpu.memory_space<vmem>>) semaphore(%arg15 : memref<!tpu.dma_semaphore, #tpu.memory_space<semaphore_mem>>)
      %add3A_197 = arith.constant 3 : i32
      %add3A_198 = arith.addi %mul3A_136, %add3A_197 : i32
      %dma_wait3A_199 = arith.constant 0 : i32
      %dma_wait3A_200 = tpu.memref_slice %arg6[%add3A_198, %dma_wait3A_199] : memref<112x128xi32, #tpu.memory_space<vmem>> -> memref<1x128xi32, #tpu.memory_space<vmem>>
      %dma_wait3A_201 = tpu.memref_squeeze %dma_wait3A_200 : memref<1x128xi32, #tpu.memory_space<vmem>> -> memref<128xi32, #tpu.memory_space<vmem>>
      %dma_wait3A_202 = arith.constant 0 : i32
      %dma_wait3A_203 = arith.constant 0 : i32
      %dma_wait3A_204 = tpu.memref_slice %arg2[%dma_wait3A_202, %dma_wait3A_203] : memref<10112x16xf32, #tpu.memory_space<hbm>> -> memref<10112x16xf32, #tpu.memory_space<hbm>>
      tpu.wait_indirect_dma semaphore(%arg16 : memref<!tpu.dma_semaphore, #tpu.memory_space<semaphore_mem>>) src(%dma_wait3A_204 : memref<10112x16xf32, #tpu.memory_space<hbm>>) dst(%arg11 : memref<128x16xf32, #tpu.memory_space<vmem>>)
      %add3A_205 = arith.constant 3 : i32
      %add3A_206 = arith.addi %mul3A_136, %add3A_205 : i32
      "tpu.region"() ({
        %run_scoped3A = tpu.sem_alloc : memref<!tpu.dma_semaphore, #tpu.memory_space<semaphore_mem>>
        %dma_start3A_217 = arith.constant 0 : i32
        %dma_start3A_218 = tpu.memref_slice %arg7[%add3A_206, %dma_start3A_217] : memref<112x128xi32, #tpu.memory_space<vmem>> -> memref<1x128xi32, #tpu.memory_space<vmem>>
        %dma_start3A_219 = tpu.memref_squeeze %dma_start3A_218 : memref<1x128xi32, #tpu.memory_space<vmem>> -> memref<128xi32, #tpu.memory_space<vmem>>
        %dma_start3A_220 = arith.constant 0 : i32
        %dma_start3A_221 = arith.constant 0 : i32
        %dma_start3A_222 = tpu.memref_slice %arg12[%dma_start3A_220, %dma_start3A_221] : memref<10112x16xf32, #tpu.memory_space<vmem_shared>> -> memref<10112x16xf32, #tpu.memory_space<vmem_shared>>
        tpu.enqueue_indirect_dma source(%arg11 : memref<128x16xf32, #tpu.memory_space<vmem>>) target(%dma_start3A_222 : memref<10112x16xf32, #tpu.memory_space<vmem_shared>>) offsets(%dma_start3A_219 : memref<128xi32, #tpu.memory_space<vmem>>) semaphore(%run_scoped3A : memref<!tpu.dma_semaphore, #tpu.memory_space<semaphore_mem>>) {add = true}
        %dma_wait3A_223 = arith.constant 0 : i32
        %dma_wait3A_224 = tpu.memref_slice %arg7[%add3A_206, %dma_wait3A_223] : memref<112x128xi32, #tpu.memory_space<vmem>> -> memref<1x128xi32, #tpu.memory_space<vmem>>
        %dma_wait3A_225 = tpu.memref_squeeze %dma_wait3A_224 : memref<1x128xi32, #tpu.memory_space<vmem>> -> memref<128xi32, #tpu.memory_space<vmem>>
        %dma_wait3A_226 = arith.constant 0 : i32
        %dma_wait3A_227 = arith.constant 0 : i32
        %dma_wait3A_228 = tpu.memref_slice %arg12[%dma_wait3A_226, %dma_wait3A_227] : memref<10112x16xf32, #tpu.memory_space<vmem_shared>> -> memref<10112x16xf32, #tpu.memory_space<vmem_shared>>
        tpu.wait_indirect_dma semaphore(%run_scoped3A : memref<!tpu.dma_semaphore, #tpu.memory_space<semaphore_mem>>) src(%arg11 : memref<128x16xf32, #tpu.memory_space<vmem>>) dst(%dma_wait3A_228 : memref<10112x16xf32, #tpu.memory_space<vmem_shared>>)
        tpu.yield
      }) : () -> ()
      %add3A_207 = arith.constant 3 : i32
      %add3A_208 = arith.addi %mul3A_136, %add3A_207 : i32
      %add3A_209 = arith.constant 4 : i32
      %add3A_210 = arith.addi %add3A_208, %add3A_209 : i32
      %dma_start3A_211 = arith.constant 0 : i32
      %dma_start3A_212 = tpu.memref_slice %arg6[%add3A_210, %dma_start3A_211] : memref<112x128xi32, #tpu.memory_space<vmem>> -> memref<1x128xi32, #tpu.memory_space<vmem>>
      %dma_start3A_213 = tpu.memref_squeeze %dma_start3A_212 : memref<1x128xi32, #tpu.memory_space<vmem>> -> memref<128xi32, #tpu.memory_space<vmem>>
      %dma_start3A_214 = arith.constant 0 : i32
      %dma_start3A_215 = arith.constant 0 : i32
      %dma_start3A_216 = tpu.memref_slice %arg2[%dma_start3A_214, %dma_start3A_215] : memref<10112x16xf32, #tpu.memory_space<hbm>> -> memref<10112x16xf32, #tpu.memory_space<hbm>>
      tpu.enqueue_indirect_dma source(%dma_start3A_216 : memref<10112x16xf32, #tpu.memory_space<hbm>>) target(%arg11 : memref<128x16xf32, #tpu.memory_space<vmem>>) offsets(%dma_start3A_213 : memref<128xi32, #tpu.memory_space<vmem>>) semaphore(%arg16 : memref<!tpu.dma_semaphore, #tpu.memory_space<semaphore_mem>>)
    }
    %sub3A_92 = arith.constant 4 : i32
    %sub3A_93 = arith.subi %select_n3A_8, %sub3A_92 : i32
    %add3A_94 = arith.constant 0 : i32
    %add3A_95 = arith.addi %sub3A_93, %add3A_94 : i32
    %dma_wait3A = arith.constant 0 : i32
    %dma_wait3A_96 = tpu.memref_slice %arg6[%add3A_95, %dma_wait3A] : memref<112x128xi32, #tpu.memory_space<vmem>> -> memref<1x128xi32, #tpu.memory_space<vmem>>
    %dma_wait3A_97 = tpu.memref_squeeze %dma_wait3A_96 : memref<1x128xi32, #tpu.memory_space<vmem>> -> memref<128xi32, #tpu.memory_space<vmem>>
    %dma_wait3A_98 = arith.constant 0 : i32
    %dma_wait3A_99 = arith.constant 0 : i32
    %dma_wait3A_100 = tpu.memref_slice %arg2[%dma_wait3A_98, %dma_wait3A_99] : memref<10112x16xf32, #tpu.memory_space<hbm>> -> memref<10112x16xf32, #tpu.memory_space<hbm>>
    tpu.wait_indirect_dma semaphore(%arg13 : memref<!tpu.dma_semaphore, #tpu.memory_space<semaphore_mem>>) src(%dma_wait3A_100 : memref<10112x16xf32, #tpu.memory_space<hbm>>) dst(%arg8 : memref<128x16xf32, #tpu.memory_space<vmem>>)
    %add3A_101 = arith.constant 0 : i32
    %add3A_102 = arith.addi %sub3A_93, %add3A_101 : i32
    "tpu.region"() ({
      %run_scoped3A = tpu.sem_alloc : memref<!tpu.dma_semaphore, #tpu.memory_space<semaphore_mem>>
      %dma_start3A_134 = arith.constant 0 : i32
      %dma_start3A_135 = tpu.memref_slice %arg7[%add3A_102, %dma_start3A_134] : memref<112x128xi32, #tpu.memory_space<vmem>> -> memref<1x128xi32, #tpu.memory_space<vmem>>
      %dma_start3A_136 = tpu.memref_squeeze %dma_start3A_135 : memref<1x128xi32, #tpu.memory_space<vmem>> -> memref<128xi32, #tpu.memory_space<vmem>>
      %dma_start3A_137 = arith.constant 0 : i32
      %dma_start3A_138 = arith.constant 0 : i32
      %dma_start3A_139 = tpu.memref_slice %arg12[%dma_start3A_137, %dma_start3A_138] : memref<10112x16xf32, #tpu.memory_space<vmem_shared>> -> memref<10112x16xf32, #tpu.memory_space<vmem_shared>>
      tpu.enqueue_indirect_dma source(%arg8 : memref<128x16xf32, #tpu.memory_space<vmem>>) target(%dma_start3A_139 : memref<10112x16xf32, #tpu.memory_space<vmem_shared>>) offsets(%dma_start3A_136 : memref<128xi32, #tpu.memory_space<vmem>>) semaphore(%run_scoped3A : memref<!tpu.dma_semaphore, #tpu.memory_space<semaphore_mem>>) {add = true}
      %dma_wait3A_140 = arith.constant 0 : i32
      %dma_wait3A_141 = tpu.memref_slice %arg7[%add3A_102, %dma_wait3A_140] : memref<112x128xi32, #tpu.memory_space<vmem>> -> memref<1x128xi32, #tpu.memory_space<vmem>>
      %dma_wait3A_142 = tpu.memref_squeeze %dma_wait3A_141 : memref<1x128xi32, #tpu.memory_space<vmem>> -> memref<128xi32, #tpu.memory_space<vmem>>
      %dma_wait3A_143 = arith.constant 0 : i32
      %dma_wait3A_144 = arith.constant 0 : i32
      %dma_wait3A_145 = tpu.memref_slice %arg12[%dma_wait3A_143, %dma_wait3A_144] : memref<10112x16xf32, #tpu.memory_space<vmem_shared>> -> memref<10112x16xf32, #tpu.memory_space<vmem_shared>>
      tpu.wait_indirect_dma semaphore(%run_scoped3A : memref<!tpu.dma_semaphore, #tpu.memory_space<semaphore_mem>>) src(%arg8 : memref<128x16xf32, #tpu.memory_space<vmem>>) dst(%dma_wait3A_145 : memref<10112x16xf32, #tpu.memory_space<vmem_shared>>)
      tpu.yield
    }) : () -> ()
    %add3A_103 = arith.constant 1 : i32
    %add3A_104 = arith.addi %sub3A_93, %add3A_103 : i32
    %dma_wait3A_105 = arith.constant 0 : i32
    %dma_wait3A_106 = tpu.memref_slice %arg6[%add3A_104, %dma_wait3A_105] : memref<112x128xi32, #tpu.memory_space<vmem>> -> memref<1x128xi32, #tpu.memory_space<vmem>>
    %dma_wait3A_107 = tpu.memref_squeeze %dma_wait3A_106 : memref<1x128xi32, #tpu.memory_space<vmem>> -> memref<128xi32, #tpu.memory_space<vmem>>
    %dma_wait3A_108 = arith.constant 0 : i32
    %dma_wait3A_109 = arith.constant 0 : i32
    %dma_wait3A_110 = tpu.memref_slice %arg2[%dma_wait3A_108, %dma_wait3A_109] : memref<10112x16xf32, #tpu.memory_space<hbm>> -> memref<10112x16xf32, #tpu.memory_space<hbm>>
    tpu.wait_indirect_dma semaphore(%arg14 : memref<!tpu.dma_semaphore, #tpu.memory_space<semaphore_mem>>) src(%dma_wait3A_110 : memref<10112x16xf32, #tpu.memory_space<hbm>>) dst(%arg9 : memref<128x16xf32, #tpu.memory_space<vmem>>)
    %add3A_111 = arith.constant 1 : i32
    %add3A_112 = arith.addi %sub3A_93, %add3A_111 : i32
    "tpu.region"() ({
      %run_scoped3A = tpu.sem_alloc : memref<!tpu.dma_semaphore, #tpu.memory_space<semaphore_mem>>
      %dma_start3A_134 = arith.constant 0 : i32
      %dma_start3A_135 = tpu.memref_slice %arg7[%add3A_112, %dma_start3A_134] : memref<112x128xi32, #tpu.memory_space<vmem>> -> memref<1x128xi32, #tpu.memory_space<vmem>>
      %dma_start3A_136 = tpu.memref_squeeze %dma_start3A_135 : memref<1x128xi32, #tpu.memory_space<vmem>> -> memref<128xi32, #tpu.memory_space<vmem>>
      %dma_start3A_137 = arith.constant 0 : i32
      %dma_start3A_138 = arith.constant 0 : i32
      %dma_start3A_139 = tpu.memref_slice %arg12[%dma_start3A_137, %dma_start3A_138] : memref<10112x16xf32, #tpu.memory_space<vmem_shared>> -> memref<10112x16xf32, #tpu.memory_space<vmem_shared>>
      tpu.enqueue_indirect_dma source(%arg9 : memref<128x16xf32, #tpu.memory_space<vmem>>) target(%dma_start3A_139 : memref<10112x16xf32, #tpu.memory_space<vmem_shared>>) offsets(%dma_start3A_136 : memref<128xi32, #tpu.memory_space<vmem>>) semaphore(%run_scoped3A : memref<!tpu.dma_semaphore, #tpu.memory_space<semaphore_mem>>) {add = true}
      %dma_wait3A_140 = arith.constant 0 : i32
      %dma_wait3A_141 = tpu.memref_slice %arg7[%add3A_112, %dma_wait3A_140] : memref<112x128xi32, #tpu.memory_space<vmem>> -> memref<1x128xi32, #tpu.memory_space<vmem>>
      %dma_wait3A_142 = tpu.memref_squeeze %dma_wait3A_141 : memref<1x128xi32, #tpu.memory_space<vmem>> -> memref<128xi32, #tpu.memory_space<vmem>>
      %dma_wait3A_143 = arith.constant 0 : i32
      %dma_wait3A_144 = arith.constant 0 : i32
      %dma_wait3A_145 = tpu.memref_slice %arg12[%dma_wait3A_143, %dma_wait3A_144] : memref<10112x16xf32, #tpu.memory_space<vmem_shared>> -> memref<10112x16xf32, #tpu.memory_space<vmem_shared>>
      tpu.wait_indirect_dma semaphore(%run_scoped3A : memref<!tpu.dma_semaphore, #tpu.memory_space<semaphore_mem>>) src(%arg9 : memref<128x16xf32, #tpu.memory_space<vmem>>) dst(%dma_wait3A_145 : memref<10112x16xf32, #tpu.memory_space<vmem_shared>>)
      tpu.yield
    }) : () -> ()
    %add3A_113 = arith.constant 2 : i32
    %add3A_114 = arith.addi %sub3A_93, %add3A_113 : i32
    %dma_wait3A_115 = arith.constant 0 : i32
    %dma_wait3A_116 = tpu.memref_slice %arg6[%add3A_114, %dma_wait3A_115] : memref<112x128xi32, #tpu.memory_space<vmem>> -> memref<1x128xi32, #tpu.memory_space<vmem>>
    %dma_wait3A_117 = tpu.memref_squeeze %dma_wait3A_116 : memref<1x128xi32, #tpu.memory_space<vmem>> -> memref<128xi32, #tpu.memory_space<vmem>>
    %dma_wait3A_118 = arith.constant 0 : i32
    %dma_wait3A_119 = arith.constant 0 : i32
    %dma_wait3A_120 = tpu.memref_slice %arg2[%dma_wait3A_118, %dma_wait3A_119] : memref<10112x16xf32, #tpu.memory_space<hbm>> -> memref<10112x16xf32, #tpu.memory_space<hbm>>
    tpu.wait_indirect_dma semaphore(%arg15 : memref<!tpu.dma_semaphore, #tpu.memory_space<semaphore_mem>>) src(%dma_wait3A_120 : memref<10112x16xf32, #tpu.memory_space<hbm>>) dst(%arg10 : memref<128x16xf32, #tpu.memory_space<vmem>>)
    %add3A_121 = arith.constant 2 : i32
    %add3A_122 = arith.addi %sub3A_93, %add3A_121 : i32
    "tpu.region"() ({
      %run_scoped3A = tpu.sem_alloc : memref<!tpu.dma_semaphore, #tpu.memory_space<semaphore_mem>>
      %dma_start3A_134 = arith.constant 0 : i32
      %dma_start3A_135 = tpu.memref_slice %arg7[%add3A_122, %dma_start3A_134] : memref<112x128xi32, #tpu.memory_space<vmem>> -> memref<1x128xi32, #tpu.memory_space<vmem>>
      %dma_start3A_136 = tpu.memref_squeeze %dma_start3A_135 : memref<1x128xi32, #tpu.memory_space<vmem>> -> memref<128xi32, #tpu.memory_space<vmem>>
      %dma_start3A_137 = arith.constant 0 : i32
      %dma_start3A_138 = arith.constant 0 : i32
      %dma_start3A_139 = tpu.memref_slice %arg12[%dma_start3A_137, %dma_start3A_138] : memref<10112x16xf32, #tpu.memory_space<vmem_shared>> -> memref<10112x16xf32, #tpu.memory_space<vmem_shared>>
      tpu.enqueue_indirect_dma source(%arg10 : memref<128x16xf32, #tpu.memory_space<vmem>>) target(%dma_start3A_139 : memref<10112x16xf32, #tpu.memory_space<vmem_shared>>) offsets(%dma_start3A_136 : memref<128xi32, #tpu.memory_space<vmem>>) semaphore(%run_scoped3A : memref<!tpu.dma_semaphore, #tpu.memory_space<semaphore_mem>>) {add = true}
      %dma_wait3A_140 = arith.constant 0 : i32
      %dma_wait3A_141 = tpu.memref_slice %arg7[%add3A_122, %dma_wait3A_140] : memref<112x128xi32, #tpu.memory_space<vmem>> -> memref<1x128xi32, #tpu.memory_space<vmem>>
      %dma_wait3A_142 = tpu.memref_squeeze %dma_wait3A_141 : memref<1x128xi32, #tpu.memory_space<vmem>> -> memref<128xi32, #tpu.memory_space<vmem>>
      %dma_wait3A_143 = arith.constant 0 : i32
      %dma_wait3A_144 = arith.constant 0 : i32
      %dma_wait3A_145 = tpu.memref_slice %arg12[%dma_wait3A_143, %dma_wait3A_144] : memref<10112x16xf32, #tpu.memory_space<vmem_shared>> -> memref<10112x16xf32, #tpu.memory_space<vmem_shared>>
      tpu.wait_indirect_dma semaphore(%run_scoped3A : memref<!tpu.dma_semaphore, #tpu.memory_space<semaphore_mem>>) src(%arg10 : memref<128x16xf32, #tpu.memory_space<vmem>>) dst(%dma_wait3A_145 : memref<10112x16xf32, #tpu.memory_space<vmem_shared>>)
      tpu.yield
    }) : () -> ()
    %add3A_123 = arith.constant 3 : i32
    %add3A_124 = arith.addi %sub3A_93, %add3A_123 : i32
    %dma_wait3A_125 = arith.constant 0 : i32
    %dma_wait3A_126 = tpu.memref_slice %arg6[%add3A_124, %dma_wait3A_125] : memref<112x128xi32, #tpu.memory_space<vmem>> -> memref<1x128xi32, #tpu.memory_space<vmem>>
    %dma_wait3A_127 = tpu.memref_squeeze %dma_wait3A_126 : memref<1x128xi32, #tpu.memory_space<vmem>> -> memref<128xi32, #tpu.memory_space<vmem>>
    %dma_wait3A_128 = arith.constant 0 : i32
    %dma_wait3A_129 = arith.constant 0 : i32
    %dma_wait3A_130 = tpu.memref_slice %arg2[%dma_wait3A_128, %dma_wait3A_129] : memref<10112x16xf32, #tpu.memory_space<hbm>> -> memref<10112x16xf32, #tpu.memory_space<hbm>>
    tpu.wait_indirect_dma semaphore(%arg16 : memref<!tpu.dma_semaphore, #tpu.memory_space<semaphore_mem>>) src(%dma_wait3A_130 : memref<10112x16xf32, #tpu.memory_space<hbm>>) dst(%arg11 : memref<128x16xf32, #tpu.memory_space<vmem>>)
    %add3A_131 = arith.constant 3 : i32
    %add3A_132 = arith.addi %sub3A_93, %add3A_131 : i32
    "tpu.region"() ({
      %run_scoped3A = tpu.sem_alloc : memref<!tpu.dma_semaphore, #tpu.memory_space<semaphore_mem>>
      %dma_start3A_134 = arith.constant 0 : i32
      %dma_start3A_135 = tpu.memref_slice %arg7[%add3A_132, %dma_start3A_134] : memref<112x128xi32, #tpu.memory_space<vmem>> -> memref<1x128xi32, #tpu.memory_space<vmem>>
      %dma_start3A_136 = tpu.memref_squeeze %dma_start3A_135 : memref<1x128xi32, #tpu.memory_space<vmem>> -> memref<128xi32, #tpu.memory_space<vmem>>
      %dma_start3A_137 = arith.constant 0 : i32
      %dma_start3A_138 = arith.constant 0 : i32
      %dma_start3A_139 = tpu.memref_slice %arg12[%dma_start3A_137, %dma_start3A_138] : memref<10112x16xf32, #tpu.memory_space<vmem_shared>> -> memref<10112x16xf32, #tpu.memory_space<vmem_shared>>
      tpu.enqueue_indirect_dma source(%arg11 : memref<128x16xf32, #tpu.memory_space<vmem>>) target(%dma_start3A_139 : memref<10112x16xf32, #tpu.memory_space<vmem_shared>>) offsets(%dma_start3A_136 : memref<128xi32, #tpu.memory_space<vmem>>) semaphore(%run_scoped3A : memref<!tpu.dma_semaphore, #tpu.memory_space<semaphore_mem>>) {add = true}
      %dma_wait3A_140 = arith.constant 0 : i32
      %dma_wait3A_141 = tpu.memref_slice %arg7[%add3A_132, %dma_wait3A_140] : memref<112x128xi32, #tpu.memory_space<vmem>> -> memref<1x128xi32, #tpu.memory_space<vmem>>
      %dma_wait3A_142 = tpu.memref_squeeze %dma_wait3A_141 : memref<1x128xi32, #tpu.memory_space<vmem>> -> memref<128xi32, #tpu.memory_space<vmem>>
      %dma_wait3A_143 = arith.constant 0 : i32
      %dma_wait3A_144 = arith.constant 0 : i32
      %dma_wait3A_145 = tpu.memref_slice %arg12[%dma_wait3A_143, %dma_wait3A_144] : memref<10112x16xf32, #tpu.memory_space<vmem_shared>> -> memref<10112x16xf32, #tpu.memory_space<vmem_shared>>
      tpu.wait_indirect_dma semaphore(%run_scoped3A : memref<!tpu.dma_semaphore, #tpu.memory_space<semaphore_mem>>) src(%arg11 : memref<128x16xf32, #tpu.memory_space<vmem>>) dst(%dma_wait3A_145 : memref<10112x16xf32, #tpu.memory_space<vmem_shared>>)
      tpu.yield
    }) : () -> ()
    %barrier3A_133 = arith.constant 0 : index
    tpu.barrier barrier_id(%barrier3A_133)
    "tpu.region"() ({
      %run_scoped3A = tpu.sem_alloc : memref<!tpu.dma_semaphore, #tpu.memory_space<semaphore_mem>>
      %dma_start3A_134 = arith.constant 0 : i32
      %dma_start3A_135 = tpu.memref_slice %arg5[%arg0, %multiple_of3A, %dma_start3A_134] : memref<2x10112x16xf32, #tpu.memory_space<hbm>> -> memref<1x632x16xf32, #tpu.memory_space<hbm>>
      %dma_start3A_136 = tpu.memref_squeeze %dma_start3A_135 : memref<1x632x16xf32, #tpu.memory_space<hbm>> -> memref<632x16xf32, #tpu.memory_space<hbm>>
      %dma_start3A_137 = arith.constant 0 : i32
      %dma_start3A_138 = tpu.memref_slice %arg12[%multiple_of3A, %dma_start3A_137] : memref<10112x16xf32, #tpu.memory_space<vmem_shared>> -> memref<632x16xf32, #tpu.memory_space<vmem_shared>>
      tpu.enqueue_dma source(%dma_start3A_138 : memref<632x16xf32, #tpu.memory_space<vmem_shared>>) target(%dma_start3A_136 : memref<632x16xf32, #tpu.memory_space<hbm>>) target_semaphore(%run_scoped3A : memref<!tpu.dma_semaphore, #tpu.memory_space<semaphore_mem>>)
      %dma_wait3A_139 = arith.constant 0 : i32
      %dma_wait3A_140 = tpu.memref_slice %arg5[%arg0, %multiple_of3A, %dma_wait3A_139] : memref<2x10112x16xf32, #tpu.memory_space<hbm>> -> memref<1x632x16xf32, #tpu.memory_space<hbm>>
      %dma_wait3A_141 = tpu.memref_squeeze %dma_wait3A_140 : memref<1x632x16xf32, #tpu.memory_space<hbm>> -> memref<632x16xf32, #tpu.memory_space<hbm>>
      %dma_wait3A_142 = arith.constant 0 : i32
      %dma_wait3A_143 = tpu.memref_slice %arg12[%multiple_of3A, %dma_wait3A_142] : memref<10112x16xf32, #tpu.memory_space<vmem_shared>> -> memref<632x16xf32, #tpu.memory_space<vmem_shared>>
      tpu.wait_dma2 semaphore(%run_scoped3A : memref<!tpu.dma_semaphore, #tpu.memory_space<semaphore_mem>>) src(%dma_wait3A_143 : memref<632x16xf32, #tpu.memory_space<vmem_shared>>) dst(%dma_wait3A_141 : memref<632x16xf32, #tpu.memory_space<hbm>>)
      tpu.yield
    }) : () -> ()
    return
  }
}

module attributes {stable_mosaic.version = 14 : i64} {
  func.func @_tc1_body(%arg0: memref<10000x128xf32, #tpu.memory_space<vmem>>, %arg1: memref<128x16xf32, #tpu.memory_space<vmem>>, %arg2: memref<2x10112x16xf32, #tpu.memory_space<vmem>>, %arg3: memref<10112x16xf32, #tpu.memory_space<vmem>>) attributes {dimension_semantics = [], scalar_prefetch = 0 : i64, scratch_operands = 0 : i64, tpu.core_type = #tpu.core_type<tc>} {
    %get3A = arith.constant 0 : index
    %get3A_0 = arith.constant 0 : index
    %get3A_1 = arith.constant 0 : index
    %get3A_2 = vector.load %arg2[%get3A, %get3A_0, %get3A_1] : memref<2x10112x16xf32, #tpu.memory_space<vmem>>, vector<1x10112x1xf32>
    %get3A_3 = vector.shape_cast %get3A_2 : vector<1x10112x1xf32> to vector<10112x1xf32>
    %get3A_4 = arith.constant 1 : index
    %get3A_5 = arith.constant 0 : index
    %get3A_6 = arith.constant 0 : index
    %get3A_7 = vector.load %arg2[%get3A_4, %get3A_5, %get3A_6] : memref<2x10112x16xf32, #tpu.memory_space<vmem>>, vector<1x10112x1xf32>
    %get3A_8 = vector.shape_cast %get3A_7 : vector<1x10112x1xf32> to vector<10112x1xf32>
    %add3A = arith.addf %get3A_3, %get3A_8 : vector<10112x1xf32>
    %add3A_9 = arith.constant 1.000000e+00 : f32
    %add3A_10 = vector.broadcast %add3A_9 : f32 to vector<10112x1xf32>
    %add3A_11 = arith.addf %add3A, %add3A_10 : vector<10112x1xf32>
    %rsqrt3A = math.rsqrt %add3A_11 : vector<10112x1xf32>
    %get3A_12 = arith.constant 0 : index
    %get3A_13 = arith.constant 0 : index
    %get3A_14 = vector.load %arg0[%get3A_12, %get3A_13] : memref<10000x128xf32, #tpu.memory_space<vmem>>, vector<10000x128xf32>
    %get3A_15 = arith.constant 0 : index
    %get3A_16 = arith.constant 0 : index
    %get3A_17 = vector.load %arg1[%get3A_15, %get3A_16] : memref<128x16xf32, #tpu.memory_space<vmem>>, vector<128x16xf32>
    %dot_general3A = arith.constant dense<0.000000e+00> : vector<10000x16xf32>
    %dot_general3A_18 = tpu.matmul %get3A_14, %get3A_17, %dot_general3A {dimension_numbers = #tpu.dot_dimension_numbers<[1], [0], [0], [1], [0, 0, 1, 1], [], []>, transpose_lhs_hint = false} : vector<10000x128xf32>, vector<128x16xf32>, vector<10000x16xf32> -> vector<10000x16xf32>
    %slice3A = vector.extract_strided_slice %rsqrt3A {offsets = [0, 0], sizes = [10000, 1], strides = [1, 1]} : vector<10112x1xf32> to vector<10000x1xf32>
    %mul3A = vector.broadcast %slice3A : vector<10000x1xf32> to vector<10000x16xf32>
    %mul3A_19 = arith.mulf %dot_general3A_18, %mul3A : vector<10000x16xf32>
    %swap3A = arith.constant 0 : index
    %swap3A_20 = arith.constant 0 : index
    %swap3A_21 = vector.load %arg3[%swap3A, %swap3A_20] : memref<10112x16xf32, #tpu.memory_space<vmem>>, vector<10000x16xf32>
    tpu.vector_store %arg3[%swap3A, %swap3A_20], %mul3A_19 {strides = array<i32>} : memref<10112x16xf32, #tpu.memory_space<vmem>>, vector<10000x16xf32>,
    return
  }
}

module attributes {stable_mosaic.version = 14 : i64} {
  func.func @_tc2_body(%arg0: memref<2x1264x128xf32, #tpu.memory_space<vmem>>, %arg1: memref<1264x128xf32, #tpu.memory_space<vmem>>, %arg2: memref<2x1264x128xf32, #tpu.memory_space<vmem>>, %arg3: memref<1x128xf32, #tpu.memory_space<vmem>>, %arg4: memref<1264x128xf32, #tpu.memory_space<vmem>>) attributes {dimension_semantics = [], scalar_prefetch = 0 : i64, scratch_operands = 0 : i64, tpu.core_type = #tpu.core_type<tc>} {
    %get3A = arith.constant 0 : index
    %get3A_0 = arith.constant 0 : index
    %get3A_1 = arith.constant 0 : index
    %get3A_2 = vector.load %arg2[%get3A, %get3A_0, %get3A_1] : memref<2x1264x128xf32, #tpu.memory_space<vmem>>, vector<1x1264x128xf32>
    %get3A_3 = vector.shape_cast %get3A_2 : vector<1x1264x128xf32> to vector<1264x128xf32>
    %get3A_4 = arith.constant 1 : index
    %get3A_5 = arith.constant 0 : index
    %get3A_6 = arith.constant 0 : index
    %get3A_7 = vector.load %arg2[%get3A_4, %get3A_5, %get3A_6] : memref<2x1264x128xf32, #tpu.memory_space<vmem>>, vector<1x1264x128xf32>
    %get3A_8 = vector.shape_cast %get3A_7 : vector<1x1264x128xf32> to vector<1264x128xf32>
    %add3A = arith.addf %get3A_3, %get3A_8 : vector<1264x128xf32>
    %add3A_9 = arith.constant 1.000000e+00 : f32
    %add3A_10 = vector.broadcast %add3A_9 : f32 to vector<1264x128xf32>
    %add3A_11 = arith.addf %add3A, %add3A_10 : vector<1264x128xf32>
    %rsqrt3A = math.rsqrt %add3A_11 : vector<1264x128xf32>
    %get3A_12 = arith.constant 0 : index
    %get3A_13 = arith.constant 0 : index
    %get3A_14 = arith.constant 0 : index
    %get3A_15 = vector.load %arg0[%get3A_12, %get3A_13, %get3A_14] : memref<2x1264x128xf32, #tpu.memory_space<vmem>>, vector<1x1264x128xf32>
    %get3A_16 = vector.shape_cast %get3A_15 : vector<1x1264x128xf32> to vector<1264x128xf32>
    %get3A_17 = arith.constant 1 : index
    %get3A_18 = arith.constant 0 : index
    %get3A_19 = arith.constant 0 : index
    %get3A_20 = vector.load %arg0[%get3A_17, %get3A_18, %get3A_19] : memref<2x1264x128xf32, #tpu.memory_space<vmem>>, vector<1x1264x128xf32>
    %get3A_21 = vector.shape_cast %get3A_20 : vector<1x1264x128xf32> to vector<1264x128xf32>
    %add3A_22 = arith.addf %get3A_16, %get3A_21 : vector<1264x128xf32>
    %get3A_23 = arith.constant 0 : index
    %get3A_24 = arith.constant 0 : index
    %get3A_25 = vector.load %arg1[%get3A_23, %get3A_24] : memref<1264x128xf32, #tpu.memory_space<vmem>>, vector<1264x128xf32>
    %add3A_26 = arith.addf %add3A_22, %get3A_25 : vector<1264x128xf32>
    %mul3A = arith.mulf %rsqrt3A, %add3A_26 : vector<1264x128xf32>
    %get3A_27 = arith.constant 0 : index
    %get3A_28 = arith.constant 0 : index
    %get3A_29 = vector.load %arg3[%get3A_27, %get3A_28] : memref<1x128xf32, #tpu.memory_space<vmem>>, vector<1x128xf32>
    %add3A_30 = vector.broadcast %get3A_29 : vector<1x128xf32> to vector<1264x128xf32>
    %add3A_31 = arith.addf %mul3A, %add3A_30 : vector<1264x128xf32>
    %max3A = arith.constant 0.000000e+00 : f32
    %max3A_32 = vector.broadcast %max3A : f32 to vector<1264x128xf32>
    %max3A_33 = arith.maximumf %add3A_31, %max3A_32 : vector<1264x128xf32>
    %mul3A_34 = arith.mulf %max3A_33, %rsqrt3A : vector<1264x128xf32>
    %swap3A = arith.constant 0 : index
    %swap3A_35 = arith.constant 0 : index
    %swap3A_36 = vector.load %arg4[%swap3A, %swap3A_35] : memref<1264x128xf32, #tpu.memory_space<vmem>>, vector<1264x128xf32>
    tpu.vector_store %arg4[%swap3A, %swap3A_35], %mul3A_34 {strides = array<i32>} : memref<1264x128xf32, #tpu.memory_space<vmem>>, vector<1264x128xf32>,
    return
  }
}

module attributes {stable_mosaic.version = 14 : i64} {
  func.func @_tc3_body(%arg0: memref<2x10112x16xf32, #tpu.memory_space<vmem>>, %arg1: memref<10112x16xf32, #tpu.memory_space<vmem>>, %arg2: memref<2x10112x16xf32, #tpu.memory_space<vmem>>, %arg3: memref<16x40xf32, #tpu.memory_space<vmem>>, %arg4: memref<1x40xf32, #tpu.memory_space<vmem>>, %arg5: memref<10112x40xf32, #tpu.memory_space<vmem>>) attributes {dimension_semantics = [], scalar_prefetch = 0 : i64, scratch_operands = 0 : i64, tpu.core_type = #tpu.core_type<tc>} {
    %get3A = arith.constant 0 : index
    %get3A_0 = arith.constant 0 : index
    %get3A_1 = arith.constant 0 : index
    %get3A_2 = vector.load %arg2[%get3A, %get3A_0, %get3A_1] : memref<2x10112x16xf32, #tpu.memory_space<vmem>>, vector<1x10112x1xf32>
    %get3A_3 = vector.shape_cast %get3A_2 : vector<1x10112x1xf32> to vector<10112x1xf32>
    %get3A_4 = arith.constant 1 : index
    %get3A_5 = arith.constant 0 : index
    %get3A_6 = arith.constant 0 : index
    %get3A_7 = vector.load %arg2[%get3A_4, %get3A_5, %get3A_6] : memref<2x10112x16xf32, #tpu.memory_space<vmem>>, vector<1x10112x1xf32>
    %get3A_8 = vector.shape_cast %get3A_7 : vector<1x10112x1xf32> to vector<10112x1xf32>
    %add3A = arith.addf %get3A_3, %get3A_8 : vector<10112x1xf32>
    %add3A_9 = arith.constant 1.000000e+00 : f32
    %add3A_10 = vector.broadcast %add3A_9 : f32 to vector<10112x1xf32>
    %add3A_11 = arith.addf %add3A, %add3A_10 : vector<10112x1xf32>
    %rsqrt3A = math.rsqrt %add3A_11 : vector<10112x1xf32>
    %get3A_12 = arith.constant 0 : index
    %get3A_13 = arith.constant 0 : index
    %get3A_14 = arith.constant 0 : index
    %get3A_15 = vector.load %arg0[%get3A_12, %get3A_13, %get3A_14] : memref<2x10112x16xf32, #tpu.memory_space<vmem>>, vector<1x10112x16xf32>
    %get3A_16 = vector.shape_cast %get3A_15 : vector<1x10112x16xf32> to vector<10112x16xf32>
    %get3A_17 = arith.constant 1 : index
    %get3A_18 = arith.constant 0 : index
    %get3A_19 = arith.constant 0 : index
    %get3A_20 = vector.load %arg0[%get3A_17, %get3A_18, %get3A_19] : memref<2x10112x16xf32, #tpu.memory_space<vmem>>, vector<1x10112x16xf32>
    %get3A_21 = vector.shape_cast %get3A_20 : vector<1x10112x16xf32> to vector<10112x16xf32>
    %add3A_22 = arith.addf %get3A_16, %get3A_21 : vector<10112x16xf32>
    %get3A_23 = arith.constant 0 : index
    %get3A_24 = arith.constant 0 : index
    %get3A_25 = vector.load %arg1[%get3A_23, %get3A_24] : memref<10112x16xf32, #tpu.memory_space<vmem>>, vector<10112x16xf32>
    %add3A_26 = arith.addf %add3A_22, %get3A_25 : vector<10112x16xf32>
    %mul3A = vector.broadcast %rsqrt3A : vector<10112x1xf32> to vector<10112x16xf32>
    %mul3A_27 = arith.mulf %mul3A, %add3A_26 : vector<10112x16xf32>
    %get3A_28 = arith.constant 0 : index
    %get3A_29 = arith.constant 0 : index
    %get3A_30 = vector.load %arg3[%get3A_28, %get3A_29] : memref<16x40xf32, #tpu.memory_space<vmem>>, vector<16x40xf32>
    %dot_general3A = arith.constant dense<0.000000e+00> : vector<10112x40xf32>
    %dot_general3A_31 = tpu.matmul %mul3A_27, %get3A_30, %dot_general3A {dimension_numbers = #tpu.dot_dimension_numbers<[1], [0], [0], [1], [0, 0, 1, 1], [], []>, transpose_lhs_hint = false} : vector<10112x16xf32>, vector<16x40xf32>, vector<10112x40xf32> -> vector<10112x40xf32>
    %get3A_32 = arith.constant 0 : index
    %get3A_33 = arith.constant 0 : index
    %get3A_34 = vector.load %arg4[%get3A_32, %get3A_33] : memref<1x40xf32, #tpu.memory_space<vmem>>, vector<1x40xf32>
    %add3A_35 = vector.broadcast %get3A_34 : vector<1x40xf32> to vector<10112x40xf32>
    %add3A_36 = arith.addf %dot_general3A_31, %add3A_35 : vector<10112x40xf32>
    %reduce_max3A = arith.constant dense<0xFF800000> : vector<10112xf32>
    %reduce_max3A_37 = vector.multi_reduction <maximumf>, %add3A_36, %reduce_max3A [1] : vector<10112x40xf32> to vector<10112xf32>
    %broadcast_in_dim3A = vector.shape_cast %reduce_max3A_37 : vector<10112xf32> to vector<10112x1xf32>
    %sub3A = vector.broadcast %broadcast_in_dim3A : vector<10112x1xf32> to vector<10112x40xf32>
    %sub3A_38 = arith.subf %add3A_36, %sub3A : vector<10112x40xf32>
    %exp3A = math.exp %sub3A_38 : vector<10112x40xf32>
    %reduce_sum3A = arith.constant dense<0.000000e+00> : vector<10112xf32>
    %reduce_sum3A_39 = vector.multi_reduction <add>, %exp3A, %reduce_sum3A [1] : vector<10112x40xf32> to vector<10112xf32>
    %broadcast_in_dim3A_40 = vector.shape_cast %reduce_sum3A_39 : vector<10112xf32> to vector<10112x1xf32>
    %log3A = math.log %broadcast_in_dim3A_40 : vector<10112x1xf32>
    %add3A_41 = arith.addf %log3A, %broadcast_in_dim3A : vector<10112x1xf32>
    %sub3A_42 = vector.broadcast %add3A_41 : vector<10112x1xf32> to vector<10112x40xf32>
    %sub3A_43 = arith.subf %add3A_36, %sub3A_42 : vector<10112x40xf32>
    %swap3A = arith.constant 0 : index
    %swap3A_44 = arith.constant 0 : index
    %swap3A_45 = vector.load %arg5[%swap3A, %swap3A_44] : memref<10112x40xf32, #tpu.memory_space<vmem>>, vector<10112x40xf32>
    tpu.vector_store %arg5[%swap3A, %swap3A_44], %sub3A_43 {strides = array<i32>} : memref<10112x40xf32, #tpu.memory_space<vmem>>, vector<10112x40xf32>,
    return
  }
}

</mosaic_0001>

<sc_bundles>
// kernel: kernel.11.cloned.1.call-start
scs
__scs_entry_jumppad:
0x0: {  	(pc) =	sbr.rel $0x88, $3  }
0x1: {  	(tag) =	ssettag $0x0;
	lr =	simm.s32 $0x1  }
0x2: {  	[smem:$0x3F9B] =	sst lr;
	_ =	strace $0xD0000000  }
0x3: {  	_ = 	snop  }
0x4: {  	_ = 	snop  }
0x5: {  	_ = 	snop  }
0x6: {  	_ = 	snop  }
0x7: {  	_ = 	snop  }
__scs_overlays_trampoline_lowered:
0x8: {  	[smem:$0x3FAA] =	sst s0  }
0x9: {  	[smem:$0x3FAB] =	sst s1  }
0xa: {  	[smem:$0x3FAC] =	sst s2  }
0xb: {  	[smem:$0x3FAD] =	sst s3  }
0xc: {  	[smem:$0x3FAE] =	sst s4  }
0xd: {  	[smem:$0x3FAF] =	sst s5  }
0xe: {  	[smem:$0x3FB0] =	sst s6  }
0xf: {  	[smem:$0x3FB1] =	sst s7  }
0x10: {  	[smem:$0x3FB2] =	sst s8  }
0x11: {  	[smem:$0x3FB3] =	sst s9;
	s0 =	simm.s32 @!p0 $0x0  }
0x12: {  	s1 =	sld [smem:$0x3F99];
	s0 =	simm.s32 @p0 $0x1  }
0x13: {  	[smem:$0x3FB4] =	sst s0;
	s0 =	simm.s32 @!p1 $0x0  }
0x14: {  	s2 =	sld [smem:$0x3F98];
	s0 =	simm.s32 @p1 $0x1  }
0x15: {  	[smem:$0x3FB5] =	sst s0;
	s0 =	simm.s32 @!p2 $0x0  }
0x16: {  	s3 =	sld [smem:$0x3FDB];
	s0 =	simm.s32 @p2 $0x1  }
0x17: {  	s4 =	simm.s32 $0x1BF5;
	[smem:$0x3FB7] =	sst s0  }
0x18: {  	s0 =	sld [smem:$0x3F9A];
	_ =	swait.ge [sflag:s4], $0x0  }
0x19: {  	s7 =	sld [smem:$0x3F9B]  }
0x1a: {  	s8 =	sadd.s32 $0xFFFFE003, lr  }
0x1b: {  	s9 =	sadd.s32 $0xFFFFFEF7, lr;
	s5 =	simm.s32 $0xFFFFFFFF;
	p2 =	slt.u32 s8, $0xFFFFF086  }
0x1c: {  	p1 =	slt.u32 s9, $0xF7A;
	s5 =	simm.s32 @!p2 $0x0  }
0x1d: {  	s5 =	simm.s32 @p1 $0x1;
	p0 =	seq.s32 s7, s2  }
0x1e: {  	s7 =	smul.u32 @!p0 $0xF7A, s2;
	p2 =	seq.s32 @!p0 s5, $0x0  }
0x1f: {  	s9 =	smul.u32 $0xF7A, s1;
	s8 =	simm.s32 @!p0 $0x1BF5;
	p2 =	por !p2, p0  }
0x20: {  	[sflag:s8] =	ssyncset.s32 @!p0 $0xFFFFF086;
	s6 =	sadd.s32 @!p0 s3, s7;
	s7 =	simm.s32 @!p0 $0x108  }
0x21: {  	s3 =	sadd.s32 s3, s9;
	s6 =	sadd.s32 @!p0 $0x88, s6;
	s7 =	simm.s32 @p2 $0x1082  }
0x22: {  	[simem:s7], [sflag:s8] =	dma.local @!p0 [hbm:s6], $0xF7A  }
0x23: {  	s9 =	sor.u32 $0xD0000000, s2;
	s6 =	simm.s32 $0x108;
	_ =	swait.ge @!p0 [sflag:s8], $0x0  }
0x24: {  	s3 =	sadd.s32 $0x88, s3;
	s6 =	simm.s32 @!p1 $0x1082;
	[sflag:s4] =	ssyncset.s32 $0xFFFFF086  }
0x25: {  	[simem:s6], [sflag:s4] =	dma.local [hbm:s3], $0xF7A  }
0x26: {  	[smem:$0x3F9B] =	sst s1;
	(tag) =	ssettag s2;
	_ =	strace s9  }
0x27: {  	s1 =	sld [smem:$0x3FAB]  }
0x28: {  	s2 =	sld [smem:$0x3FAC]  }
0x29: {  	s4 =	sld [smem:$0x3FAE]  }
0x2a: {  	p0 =	seq.s32 s5, $0x0;
	s5 =	sld [smem:$0x3FAF]  }
0x2b: {  	s6 =	sld [smem:$0x3FB0]  }
0x2c: {  	s7 =	sld [smem:$0x3FB1]  }
0x2d: {  	s3 =	simm.s32 $0x108;
	s8 =	sld [smem:$0x3FB2]  }
0x2e: {  	s3 =	simm.s32 @!p0 $0x1082;
	s9 =	sld [smem:$0x3FB3]  }
0x2f: {  	lr =	sadd.s32 s0, s3;
	s0 =	sld [smem:$0x3FAA]  }
0x30: {  	s3 =	sld [smem:$0x3FAD]  }
0x31: {  	[smem:$0x3FB6] =	sst s10  }
0x32: {  	s10 =	sld [smem:$0x3FB4];
	_ =	sdelay $0x3  }
0x33: {  	p0 =	seq.s32 s10, $0x1;
	s10 =	sld [smem:$0x3FB6];
	_ =	sdelay $0x3  }
0x34: {  	[smem:$0x3FB6] =	sst s10  }
0x35: {  	s10 =	sld [smem:$0x3FB5];
	_ =	sdelay $0x3  }
0x36: {  	p1 =	seq.s32 s10, $0x1;
	s10 =	sld [smem:$0x3FB6];
	_ =	sdelay $0x3  }
0x37: {  	[smem:$0x3FB6] =	sst s10  }
0x38: {  	s10 =	sld [smem:$0x3FB7]  }
0x39: {  	_ = 	snop;
	(pc) =	sbr.ind lr, $3  }
0x3a: {  	_ = 	snop  }
0x3b: {  	_ = 	snop  }
0x3c: {  	p2 =	seq.s32 s10, $0x1;
	s10 =	sld [smem:$0x3FB6]  }
0x3d: {  	_ =	shalt  }
0x3e: {  	_ =	shalt  }
0x3f: {  	_ =	shalt  }
0x40: {  	_ =	shalt  }
0x41: {  	_ =	shalt  }
0x42: {  	_ =	shalt  }
0x43: {  	_ =	shalt  }
0x44: {  	_ =	shalt  }
0x45: {  	_ =	shalt  }
0x46: {  	_ =	shalt  }
0x47: {  	_ =	shalt  }
0x48: {  	_ =	shalt  }
0x49: {  	_ =	shalt  }
0x4a: {  	_ =	shalt  }
0x4b: {  	_ =	shalt  }
0x4c: {  	_ =	shalt  }
0x4d: {  	_ =	shalt  }
0x4e: {  	_ =	shalt  }
0x4f: {  	_ =	shalt  }
0x50: {  	_ =	shalt  }
0x51: {  	_ =	shalt  }
0x52: {  	_ =	shalt  }
0x53: {  	_ =	shalt  }
0x54: {  	_ =	shalt  }
0x55: {  	_ =	shalt  }
0x56: {  	_ =	shalt  }
0x57: {  	_ =	shalt  }
0x58: {  	_ =	shalt  }
0x59: {  	_ =	shalt  }
0x5a: {  	_ =	shalt  }
0x5b: {  	_ =	shalt  }
0x5c: {  	_ =	shalt  }
0x5d: {  	_ =	shalt  }
0x5e: {  	_ =	shalt  }
0x5f: {  	_ =	shalt  }
0x60: {  	_ =	shalt  }
0x61: {  	_ =	shalt  }
0x62: {  	_ =	shalt  }
0x63: {  	_ =	shalt  }
0x64: {  	_ =	shalt  }
0x65: {  	_ =	shalt  }
0x66: {  	_ =	shalt  }
0x67: {  	_ =	shalt  }
0x68: {  	_ =	shalt  }
0x69: {  	_ =	shalt  }
0x6a: {  	_ =	shalt  }
0x6b: {  	_ =	shalt  }
0x6c: {  	_ =	shalt  }
0x6d: {  	_ =	shalt  }
0x6e: {  	_ =	shalt  }
0x6f: {  	_ =	shalt  }
0x70: {  	_ =	shalt  }
0x71: {  	_ =	shalt  }
0x72: {  	_ =	shalt  }
0x73: {  	_ =	shalt  }
0x74: {  	_ =	shalt  }
0x75: {  	_ =	shalt  }
0x76: {  	_ =	shalt  }
0x77: {  	_ =	shalt  }
0x78: {  	_ =	shalt  }
0x79: {  	_ =	shalt  }
0x7a: {  	_ =	shalt  }
0x7b: {  	_ =	shalt  }
0x7c: {  	_ =	shalt  }
0x7d: {  	_ =	shalt  }
0x7e: {  	_ =	shalt  }
0x7f: {  	_ =	shalt  }
0x80: {  	_ =	shalt  }
0x81: {  	_ =	shalt  }
0x82: {  	_ =	shalt  }
0x83: {  	_ =	shalt  }
0x84: {  	_ =	shalt  }
0x85: {  	_ =	shalt  }
0x86: {  	_ =	shalt  }
0x87: {  	_ =	shalt  }
.Lfunc_end0:
.L_simem_size_0:
called_computation.1_lowered:
.L_overlay_start_0:
0x88: {  	s2 =	sld [smem:$0x3FD9]  }
0x89: {  	s3 =	sld [smem:$0x3FFE];
	_ =	sdelay $0x1  }
0x8a: {  	s1 =	srdreg.scid  }
0x8b: {  	s0 =	sand.u32 $0x1, s1  }
0x8c: {  	s17 =	sshll.u32 s0, $0xA;
	s2 =	sadd.s32 s3, s2  }
0x8d: {  	s2 =	sadd.s32 s2, s17  }
0x8e: {  	[smem:$0x3FC2] =	sst s2  }
0x8f: {  	_ = 	snop  }
0x90: {  	s2 =	sld [smem:$0x3FD0];
	(tm) =	ssettm $0x1  }
0x91: {  	s18 =	sld [smem:$0x3FFB];
	_ =	sdelay $0x3  }
0x92: {  	_ =	strace s18  }
0x93: {  	s3 =	sld [smem:$0x3FFC];
	_ =	sdelay $0x3  }
0x94: {  	_ =	strace s3  }
0x95: {  	s3 =	sld [smem:$0x3FFD];
	_ =	sdelay $0x3  }
0x96: {  	_ =	strace s3  }
0x97: {  	_ =	strace $0x8FFFFFFF  }
0x98: {  	s19 =	sld [smem:$0x3FDB];
	_ =	sdelay $0x1  }
0x99: {  	s4 =	simm.s32 $_scs_section_size  }
0x9a: {  	s5 =	simm.s32 $_size__tile_overlayer_lowered;
	s6 =	simm.s32 $_tile_overlayer_lowered  }
0x9b: {  	s22 =	simm.s32 $0x1BFF;
	s21 =	sshll.u32 s6, $0x1;
	s3 =	sadd.s32 s4, s19  }
0x9c: {  	s7 =	simm.s32 $0x0;
	s20 =	sshll.u32 s5, $0x1;
	s5 =	sadd.s32 s21, s3  }
0x9d: {  	[timem:s7], [sflag:s22] =	dma.local [hbm:s5], s20  }
0x9e: {  	_ =	swait.ge [sflag:s22], s20  }
0x9f: {  	s4 =	ssub.s32 $0x0, s20;
	[sflag:s22] =	ssyncset.done $0x0  }
0xa0: {  	[sflag:s22] =	ssyncadd.s32 s4;
	_ =	sdelay $0x1  }
0xa1: {  	s23 =	simm.s32 $0x1B8B  }
0xa2: {  	_ =	swait.ge [sflag:s23], $0x1  }
0xa3: {  	[sflag:s23] =	ssyncset.done $0x0  }
0xa4: {  	s25 =	simm.s32 $0x1B8E;
	s24 =	sld [smem:$0x3FFE];
	[sflag:s23] =	ssyncadd.s32 $0xFFFFFFFF  }
0xa5: {  	s26 =	simm.s32 $execute0_lowered;
	[smem:$0x3FD2] =	sst s25  }
0xa6: {  	s5 =	sshll.u32 s26, $0x1;
	_ =	strace $0x80000049;
	[dreg:$0x1] =	wrdreg $0xFFFFFFFF  }
0xa7: {  	s28 =	simm.s32 $_size_execute0_lowered;
	s3 =	sadd.s32 s3, s5;
	[dreg:$0x0] =	wrdreg $0x0  }
0xa8: {  	s5 =	sshll.u32 s28, $0x1;
	[dreg:$0x2] =	wrdreg s3  }
0xa9: {  	[dreg:$0x3] =	wrdreg s5  }
0xaa: {  	[dreg:$0x4] =	wrdreg $0xC0  }
0xab: {  	_ =	task [dreg:s7], $0x5FFFF  }
0xac: {  	[dreg:$0x1] =	wrdreg $0xFFFFFFFF  }
0xad: {  	[dreg:$0x0] =	wrdreg $0x60  }
0xae: {  	[dreg:$0x2] =	wrdreg s24  }
0xaf: {  	[dreg:$0x3] =	wrdreg s2  }
0xb0: {  	[dreg:$0x4] =	wrdreg $0x90000  }
0xb1: {  	[dreg:$0x5] =	wrdreg $0x9  }
0xb2: {  	_ =	task.clear_ibuf [dreg:s7], $0x6FFFF;
	_ =	strace $0x90000049  }
0xb3: {  	s29 =	simm.s32 $0x9;
	_ =	strace $0x8000004B  }
0xb4: {  	_ =	swait.ge [sflag:s29], $0x1  }
0xb5: {  	[sflag:s29] =	ssyncadd.s32 $0xFFFFFFFF  }
0xb6: {  	_ =	strace $0x9000004B  }
0xb7: {  	_ =	sfence  }
0xb8: {  	s30 =	sld [smem:$0x0];
	_ =	sdelay $0x2  }
0xb9: {  	s31 =	sshll.u32 s1, $0xD;
	s1 =	sshrl.u32 s1, $0x2  }
0xba: {  	s3 =	sand.u32 $0x4000, s31;
	s1 =	sadd.s32 s1, s30  }
0xbb: {  	s0 =	sor.u32 s3, s0;
	s1 =	sshll.u32 s1, $0x11  }
0xbc: {  	s0 =	sor.u32 s1, s0  }
0xbd: {  	s0 =	sadd.s32 $0x8F2B, s0  }
0xbe: {  	[sflag:s0] =	ssyncadd.remote.s32 $0x1  }
0xbf: {  	_ =	sfence.sel $0xFFFF  }
0xc0: {  	[dreg:$0x0] =	wrdreg $0xFFFFFFFF;
	(pc) =	sbr.abs _section_cstart, $3  }
0xc1: {  	[dreg:$0x1] =	wrdreg $0xFFFFFFFF  }
0xc2: {  	_ =	task.clear_ibuf [dreg:s7], $0x2FFFF;
	_ =	strace $0x9FFFFFFF  }
0xc3: {  	(tm) =	ssettm $0x7FFFFFFF  }
tec
execute0_lowered:
.L_overlay_start_1:
0x0: {  	(tag) =	ssettag $0x1  }
0x1: {  	s0 =	rddreg [dreg:$0x0]  }
0x2: {  	s1 =	rddreg [dreg:$0x1]  }
0x3: {  	s2 =	rddreg [dreg:$0x2]  }
0x4: {  	s4 =	simm.s32 $0x0;
	s10 =	stileid.u32;
	s3 =	srdreg.scid  }
0x5: {  	s11 =	simm.s32 $0x1C;
	s19 =	simm.s32 $0x5;
	s20 =	simm.s32 $0x80  }
0x6: {  	s28 =	simm.s32 $0x1;
	s29 =	simm.s32 $0x2;
	s30 =	simm.s32 $0x3  }
0x7: {  	s31 =	simm.s32 $0x4;
	[smem:$0x7FF] =	sst s4;
	s13 =	smul.u32 $0x2780, s10  }
0x8: {  	s3 =	sand.u32 $0x1, s3;
	s4 =	sadd.s32 $0x73E00, s0;
	s21 =	smul.u32 $0x30, s10  }
0x9: {  	s9 =	sadd.s32 $0x2600, s0;
	p0 =	seq.s32 s10, $0xF;
	s23 =	smul.u32 $0x3800, s10  }
0xa: {  	s22 =	sshll.u32 s10, $0x6;
	p2 =	sne.s32 s10, $0xF;
	s24 =	smul.u32 $0x700, s10  }
0xb: {  	_ =	strace $0x8000004A;
	s5 =	ssub.s32 $0x2, s3;
	p1 =	seq.s32 s3, $0x0  }
0xc: {  	s11 =	simm.s32 @!p0 $0x30;
	p6 =	seq.s32 s3, $0x1;
	s26 =	smul.u32 $0x27800, s3  }
0xd: {  	s6 =	sshrl.u32 s13, $0x3;
	s7 =	sshrl.u32 s5, $0x1;
	s8 =	sadd.s32 $0x6D8, s21  }
0xe: {  	s18 =	sadd.s32 s13, s2;
	p2 =	por !p2, !p6;
	s21 =	simm.s32 $0x7000  }
0xf: {  	s0 =	sadd.s32 s6, s0;
	s16 =	ssub.s32 s5, s7;
	s6 =	simm.s32 $0x48  }
0x10: {  	s7 =	smul.u32 $0x70, s10;
	s18 =	sshrl.u32 s18, $0x3;
	s6 =	simm.s32 @!p0 $0x70  }
0x11: {  	s5 =	sadd.s32 $0x16000, s0;
	s0 =	sshrl.u32 s23, $0x3;
	s16 =	smax.u32 s16, $0x1  }
0x12: {  	s11 =	smov.u32 @p1 s6;
	s8 =	smov.u32 @p1 s7;
	s6 =	sor.u32 $0x1C05, s22  }
0x13: {  	p1 =	por !p0, !p6;
	p0 =	por !p2, !p2;
	s7 =	sadd.s32 s9, s24  }
0x14: {  	s0 =	sadd.s32 s9, s0;
	p2 =	sne.s32 s3, $0x0;
	s22 =	simm.s32 $0x7800  }
0x15: {  	s24 =	simm.s32 $0x8000;
	p1 =	por !p1, !p1;
	s25 =	sshll.u32 s8, $0x4  }
0x16: {  	s8 =	sadd.s32 $0x9C40, s0;
	s17 =	sshrl.u32 s11, $0x2;
	s14 =	sshll.u32 s11, $0x7  }
0x17: {  	s0 =	sadd.s32 s13, s26;
	s26 =	simm.s32 $0x8800;
	s9 =	sadd.s32 s9, s25  }
0x18: {  	s11 =	sadd.s32 $0x3600, s14;
	s12 =	sadd.s32 $0x3680, s14;
	s13 =	sadd.s32 $0x3700, s14  }
0x19: {  	s14 =	sadd.s32 $0x3780, s14;
	s0 =	sshrl.u32 s0, $0x3;
	s17 =	sadd.s32 $0xFFFFFFFF, s17  }
0x1a: {  	s10 =	sadd.s32 $0x9C40, s9;
	s15 =	sadd.s32 s1, s0;
	s0 =	simm.s32 $0x0  }
.LBB2_1:
0x1b: {  	[spmem:s18], [sflag:s6] =	dma.local [hbm:s5], $0x4F0  }
0x1c: {  	_ =	swait.ge [sflag:s19], $0x4F0  }
0x1d: {  	[sflag:s19] =	ssyncset.done $0x0  }
0x1e: {  	s1 =	simm.s32 @!p2 $0x0;
	s3 =	simm.s32 @!p2 $0x5;
	[sflag:s19] =	ssyncadd.s32 $0xFFFFFB10  }
0x1f: {  	[tilespmem:s1], [sflag:$0x5] =	stream.linear.gather @!p2 [hbm4b:s7+s1], $0x3800, $0x38;
	[tilespmem:$0xB780] =	vst v63  }
0x20: {  	_ =	swait.ge @!p2 [sflag:s3], $0x3800  }
0x21: {  	[sflag:s3] =	ssyncset.done @!p2 $0x0  }
0x22: {  	s23 =	simm.s32 @!p2 $0x3800;
	[sflag:s3] =	ssyncadd.s32 @!p2 $0xFFFFC800  }
0x23: {  	[tilespmem:s23], [sflag:$0x5] =	stream.linear.gather @!p2 [hbm4b:s8+s1], $0x3800, $0x38;
	[tilespmem:$0xB780] =	vst v63  }
0x24: {  	_ =	swait.ge @!p2 [sflag:s3], $0x3800  }
0x25: {  	[sflag:s3] =	ssyncset.done @!p2 $0x0  }
0x26: {  	s1 =	simm.s32 @p0 $0x0;
	[sflag:s3] =	ssyncadd.s32 @!p2 $0xFFFFC800;
	s3 =	simm.s32 @p0 $0x5  }
0x27: {  	[tilespmem:s1], [sflag:$0x5] =	stream.linear.gather @p0 [hbm4b:s9+s1], $0x1800, $0x38;
	[tilespmem:$0xB780] =	vst v63  }
0x28: {  	_ =	swait.ge @p0 [sflag:s3], $0x1800  }
0x29: {  	[sflag:s3] =	ssyncset.done @p0 $0x0  }
0x2a: {  	s23 =	simm.s32 @p0 $0x3800;
	[sflag:s3] =	ssyncadd.s32 @p0 $0xFFFFE800  }
0x2b: {  	[tilespmem:s23], [sflag:$0x5] =	stream.linear.gather @p0 [hbm4b:s10+s1], $0x1800, $0x38;
	[tilespmem:$0xB780] =	vst v63  }
0x2c: {  	_ =	swait.ge @p0 [sflag:s3], $0x1800  }
0x2d: {  	[sflag:s3] =	ssyncset.done @p0 $0x0  }
0x2e: {  	s1 =	simm.s32 @p1 $0x0;
	[sflag:s3] =	ssyncadd.s32 @p0 $0xFFFFE800;
	s3 =	simm.s32 @p1 $0x5  }
0x2f: {  	[tilespmem:s1], [sflag:$0x5] =	stream.linear.gather @p1 [hbm4b:s9+s1], $0xE00, $0x38;
	[tilespmem:$0xB780] =	vst v63  }
0x30: {  	_ =	swait.ge @p1 [sflag:s3], $0xE00  }
0x31: {  	[sflag:s3] =	ssyncset.done @p1 $0x0  }
0x32: {  	s23 =	simm.s32 @p1 $0x3800;
	[sflag:s3] =	ssyncadd.s32 @p1 $0xFFFFF200  }
0x33: {  	[tilespmem:s23], [sflag:$0x5] =	stream.linear.gather @p1 [hbm4b:s10+s1], $0xE00, $0x38;
	[tilespmem:$0xB780] =	vst v63  }
0x34: {  	_ =	swait.ge @p1 [sflag:s3], $0xE00  }
0x35: {  	[sflag:s3] =	ssyncset.done @p1 $0x0  }
0x36: {  	[sflag:s3] =	ssyncadd.s32 @p1 $0xFFFFF200  }
0x37: {  	s25 =	simm.s32 $0x0;
	[bflag:$0x0] =	sbarrier.arrive $0xFFFF  }
0x38: {  	[tilespmem:s21], [sflag:$0x1] =	stream.indirect.gather [hbm4b:s4+s20], $0x10, s25, s20, $0xb8;
	[tilespmem:$0xB780] =	vst v63  }
0x39: {  	_ = 	snop  }
0x3a: {  	[tilespmem:s22], [sflag:$0x2] =	stream.indirect.gather [hbm4b:s4+s20], $0x10, s20, s20, $0xb8;
	[tilespmem:$0xB780] =	vst v63  }
0x3b: {  	s3 =	simm.s32 $0x100  }
0x3c: {  	[tilespmem:s24], [sflag:$0x3] =	stream.indirect.gather [hbm4b:s4+s20], $0x10, s3, s20, $0xb8;
	[tilespmem:$0xB780] =	vst v63  }
0x3d: {  	s23 =	simm.s32 $0x180  }
0x3e: {  	[tilespmem:s26], [sflag:$0x4] =	stream.indirect.gather [hbm4b:s4+s20], $0x10, s23, s20, $0xb8;
	[tilespmem:$0xB780] =	vst v63  }
0x3f: {  	_ =	swait.ge [sflag:s28], $0x800  }
0x40: {  	[sflag:s28] =	ssyncset.done $0x0  }
0x41: {  	s25 =	simm.s32 $0x3800;
	[sflag:s28] =	ssyncadd.s32 $0xFFFFF800  }
0x42: {  	[spmem:s2] =	stream.indirect.scatter.add.f32 [tilespmem:s21], [sflag:$0x5], $0x10, s25, s20, $0xb8;
	[tilespmem:$0xB780] =	vst v63  }
0x43: {  	_ =	swait.ge [sflag:s19], $0x800  }
0x44: {  	[sflag:s19] =	ssyncset.done $0x0  }
0x45: {  	s3 =	simm.s32 $0x200;
	[sflag:s19] =	ssyncadd.s32 $0xFFFFF800  }
0x46: {  	[tilespmem:s21], [sflag:$0x1] =	stream.indirect.gather [hbm4b:s4+s20], $0x10, s3, s20, $0xb8;
	[tilespmem:$0xB780] =	vst v63  }
0x47: {  	_ =	swait.ge [sflag:s29], $0x800  }
0x48: {  	[sflag:s29] =	ssyncset.done $0x0  }
0x49: {  	s23 =	simm.s32 $0x3880;
	[sflag:s29] =	ssyncadd.s32 $0xFFFFF800  }
0x4a: {  	[spmem:s2] =	stream.indirect.scatter.add.f32 [tilespmem:s22], [sflag:$0x5], $0x10, s23, s20, $0xb8;
	[tilespmem:$0xB780] =	vst v63  }
0x4b: {  	_ =	swait.ge [sflag:s19], $0x800  }
0x4c: {  	[sflag:s19] =	ssyncset.done $0x0  }
0x4d: {  	s25 =	simm.s32 $0x280;
	[sflag:s19] =	ssyncadd.s32 $0xFFFFF800  }
0x4e: {  	[tilespmem:s22], [sflag:$0x2] =	stream.indirect.gather [hbm4b:s4+s20], $0x10, s25, s20, $0xb8;
	[tilespmem:$0xB780] =	vst v63  }
0x4f: {  	_ =	swait.ge [sflag:s30], $0x800  }
0x50: {  	[sflag:s30] =	ssyncset.done $0x0  }
0x51: {  	s3 =	simm.s32 $0x3900;
	[sflag:s30] =	ssyncadd.s32 $0xFFFFF800  }
0x52: {  	[spmem:s2] =	stream.indirect.scatter.add.f32 [tilespmem:s24], [sflag:$0x5], $0x10, s3, s20, $0xb8;
	[tilespmem:$0xB780] =	vst v63  }
0x53: {  	_ =	swait.ge [sflag:s19], $0x800  }
0x54: {  	[sflag:s19] =	ssyncset.done $0x0  }
0x55: {  	s23 =	simm.s32 $0x300;
	[sflag:s19] =	ssyncadd.s32 $0xFFFFF800  }
0x56: {  	[tilespmem:s24], [sflag:$0x3] =	stream.indirect.gather [hbm4b:s4+s20], $0x10, s23, s20, $0xb8;
	[tilespmem:$0xB780] =	vst v63  }
0x57: {  	_ =	swait.ge [sflag:s31], $0x800  }
0x58: {  	p3 =	sne.s32 s17, $0x1;
	[sflag:s31] =	ssyncset.done $0x0  }
.Ltmp0:
0x59: {  	s25 =	simm.s32 $0x3980;
	[sflag:s31] =	ssyncadd.s32 $0xFFFFF800;
	(pc) =	sbr.rel @!p3 .LBB2_3-.Ltmp0, $4  }
0x5a: {  	[spmem:s2] =	stream.indirect.scatter.add.f32 [tilespmem:s26], [sflag:$0x5], $0x10, s25, s20, $0xb8;
	[tilespmem:$0xB780] =	vst v63  }
0x5b: {  	_ =	swait.ge [sflag:s19], $0x800  }
0x5c: {  	s1 =	sadd.s32 $0xFFFFFFFF, s17;
	[sflag:s19] =	ssyncset.done $0x0  }
0x5d: {  	s3 =	simm.s32 $0x800;
	s23 =	simm.s32 $0x380;
	[sflag:s19] =	ssyncadd.s32 $0xFFFFF800  }
.LBB2_2:
0x5e: {  	[tilespmem:s26], [sflag:$0x4] =	stream.indirect.gather [hbm4b:s4+s20], $0x10, s23, s20, $0xb8;
	[tilespmem:$0xB780] =	vst v63  }
0x5f: {  	p3 =	sne.s32 s1, $0x1;
	s1 =	sadd.s32 $0xFFFFFFFF, s1;
	_ =	swait.ge [sflag:s28], $0x800  }
0x60: {  	s23 =	sshra.s32 s3, $0x2;
	[sflag:s28] =	ssyncset.done $0x0  }
0x61: {  	s25 =	sadd.s32 $0x3800, s23;
	[sflag:s28] =	ssyncadd.s32 $0xFFFFF800  }
0x62: {  	[spmem:s2] =	stream.indirect.scatter.add.f32 [tilespmem:s21], [sflag:$0x5], $0x10, s25, s20, $0xb8;
	[tilespmem:$0xB780] =	vst v63  }
0x63: {  	_ =	swait.ge [sflag:s19], $0x800  }
0x64: {  	[sflag:s19] =	ssyncset.done $0x0  }
0x65: {  	s25 =	sadd.s32 $0x200, s23;
	[sflag:s19] =	ssyncadd.s32 $0xFFFFF800  }
0x66: {  	[tilespmem:s21], [sflag:$0x1] =	stream.indirect.gather [hbm4b:s4+s20], $0x10, s25, s20, $0xb8;
	[tilespmem:$0xB780] =	vst v63  }
0x67: {  	_ =	swait.ge [sflag:s29], $0x800  }
0x68: {  	[sflag:s29] =	ssyncset.done $0x0  }
0x69: {  	s25 =	sadd.s32 $0x3880, s23;
	[sflag:s29] =	ssyncadd.s32 $0xFFFFF800  }
0x6a: {  	[spmem:s2] =	stream.indirect.scatter.add.f32 [tilespmem:s22], [sflag:$0x5], $0x10, s25, s20, $0xb8;
	[tilespmem:$0xB780] =	vst v63  }
0x6b: {  	_ =	swait.ge [sflag:s19], $0x800  }
0x6c: {  	[sflag:s19] =	ssyncset.done $0x0  }
0x6d: {  	s25 =	sadd.s32 $0x280, s23;
	[sflag:s19] =	ssyncadd.s32 $0xFFFFF800  }
0x6e: {  	[tilespmem:s22], [sflag:$0x2] =	stream.indirect.gather [hbm4b:s4+s20], $0x10, s25, s20, $0xb8;
	[tilespmem:$0xB780] =	vst v63  }
0x6f: {  	_ =	swait.ge [sflag:s30], $0x800  }
0x70: {  	[sflag:s30] =	ssyncset.done $0x0  }
0x71: {  	s25 =	sadd.s32 $0x3900, s23;
	[sflag:s30] =	ssyncadd.s32 $0xFFFFF800  }
0x72: {  	[spmem:s2] =	stream.indirect.scatter.add.f32 [tilespmem:s24], [sflag:$0x5], $0x10, s25, s20, $0xb8;
	[tilespmem:$0xB780] =	vst v63  }
0x73: {  	_ =	swait.ge [sflag:s19], $0x800  }
0x74: {  	[sflag:s19] =	ssyncset.done $0x0  }
0x75: {  	s25 =	sadd.s32 $0x300, s23;
	[sflag:s19] =	ssyncadd.s32 $0xFFFFF800  }
0x76: {  	[tilespmem:s24], [sflag:$0x3] =	stream.indirect.gather [hbm4b:s4+s20], $0x10, s25, s20, $0xb8;
	[tilespmem:$0xB780] =	vst v63  }
0x77: {  	_ =	swait.ge [sflag:s31], $0x800  }
0x78: {  	[sflag:s31] =	ssyncset.done $0x0  }
.Ltmp1:
0x79: {  	s25 =	sadd.s32 $0x3980, s23;
	[sflag:s31] =	ssyncadd.s32 $0xFFFFF800;
	(pc) =	sbr.rel @p3 .LBB2_2-.Ltmp1, $4  }
0x7a: {  	[spmem:s2] =	stream.indirect.scatter.add.f32 [tilespmem:s26], [sflag:$0x5], $0x10, s25, s20, $0xb8;
	[tilespmem:$0xB780] =	vst v63  }
0x7b: {  	_ =	swait.ge [sflag:s19], $0x800  }
0x7c: {  	[sflag:s19] =	ssyncset.done $0x0  }
0x7d: {  	s3 =	sadd.s32 $0x800, s3;
	s23 =	sadd.s32 $0x380, s23;
	[sflag:s19] =	ssyncadd.s32 $0xFFFFF800  }
.LBB2_3:
0x7e: {  	[tilespmem:s26], [sflag:$0x4] =	stream.indirect.gather [hbm4b:s4+s20], $0x10, s23, s20, $0xb8;
	[tilespmem:$0xB780] =	vst v63  }
0x7f: {  	_ =	swait.ge [sflag:s28], $0x800  }
0x80: {  	[sflag:s28] =	ssyncset.done $0x0  }
0x81: {  	[sflag:s28] =	ssyncadd.s32 $0xFFFFF800  }
0x82: {  	[spmem:s2] =	stream.indirect.scatter.add.f32 [tilespmem:s21], [sflag:$0x5], $0x10, s11, s20, $0xb8;
	[tilespmem:$0xB780] =	vst v63  }
0x83: {  	_ =	swait.ge [sflag:s19], $0x800  }
0x84: {  	[sflag:s19] =	ssyncset.done $0x0  }
0x85: {  	[sflag:s19] =	ssyncadd.s32 $0xFFFFF800  }
0x86: {  	_ =	swait.ge [sflag:s29], $0x800  }
0x87: {  	[sflag:s29] =	ssyncset.done $0x0  }
0x88: {  	[sflag:s29] =	ssyncadd.s32 $0xFFFFF800  }
0x89: {  	[spmem:s2] =	stream.indirect.scatter.add.f32 [tilespmem:s22], [sflag:$0x5], $0x10, s12, s20, $0xb8;
	[tilespmem:$0xB780] =	vst v63  }
0x8a: {  	_ =	swait.ge [sflag:s19], $0x800  }
0x8b: {  	[sflag:s19] =	ssyncset.done $0x0  }
0x8c: {  	[sflag:s19] =	ssyncadd.s32 $0xFFFFF800  }
0x8d: {  	_ =	swait.ge [sflag:s30], $0x800  }
0x8e: {  	[sflag:s30] =	ssyncset.done $0x0  }
0x8f: {  	[sflag:s30] =	ssyncadd.s32 $0xFFFFF800  }
0x90: {  	[spmem:s2] =	stream.indirect.scatter.add.f32 [tilespmem:s24], [sflag:$0x5], $0x10, s13, s20, $0xb8;
	[tilespmem:$0xB780] =	vst v63  }
0x91: {  	_ =	swait.ge [sflag:s19], $0x800  }
0x92: {  	[sflag:s19] =	ssyncset.done $0x0  }
0x93: {  	[sflag:s19] =	ssyncadd.s32 $0xFFFFF800  }
0x94: {  	_ =	swait.ge [sflag:s31], $0x800  }
0x95: {  	[sflag:s31] =	ssyncset.done $0x0  }
0x96: {  	[sflag:s31] =	ssyncadd.s32 $0xFFFFF800  }
0x97: {  	[spmem:s2] =	stream.indirect.scatter.add.f32 [tilespmem:s26], [sflag:$0x5], $0x10, s14, s20, $0xb8;
	[tilespmem:$0xB780] =	vst v63  }
0x98: {  	_ =	swait.ge [sflag:s19], $0x800  }
0x99: {  	s0 =	sadd.s32 $0x1, s0;
	[sflag:s19] =	ssyncset.done $0x0  }
0x9a: {  	p3 =	sne.s32 s0, s16;
	[sflag:s19] =	ssyncadd.s32 $0xFFFFF800  }
.Ltmp2:
0x9b: {  	[bflag:$0x0] =	sbarrier.arrive $0xFFFF;
	(pc) =	sbr.rel @p3 .LBB2_1-.Ltmp2, $4  }
0x9c: {  	[hbm:s15], [sflag:s6] =	dma.local [spmem:s18], $0x4F0  }
0x9d: {  	_ =	swait.ge [sflag:s19], $0x4F0  }
0x9e: {  	[sflag:s19] =	ssyncset.done $0x0  }
0x9f: {  	[sflag:s19] =	ssyncadd.s32 $0xFFFFFB10  }
0xa0: {  	_ =	sfence.sel $0x180000  }
0xa1: {  	[bflag:$0x0] =	sbarrier.arrive $0xFFFF  }
0xa2: {  	_ =	strace $0x9000004A  }
0xa3: {  	s0 =	stileid.u32;
	[bflag:$0x2] =	sbarrier.arrive $0xFFFF  }
0xa4: {  	p0 =	sne.s32 s0, $0x0;
	s0 =	rddreg [dreg:$0x3]  }
0xa5: {  	s0 =	sadd.s32 @!p0 $0x100000, s0  }
0xa6: {  	[sflag:s0] =	ssyncadd.tile.s32 @!p0 $0x1;
	_ =	shalt  }
.Lfunc_end2:
_tile_overlayer_lowered:
.L_overlay_start_2:
0xa7: {  	(tag) =	ssettag $0x2  }
0xa8: {  	s0 =	rddreg [dreg:$0x0];
	s2 =	stileid.u32  }
0xa9: {  	s1 =	rddreg [dreg:$0x1];
	p0 =	sne.s32 s2, $0x0  }
0xaa: {  	s3 =	rddreg [dreg:$0x2];
	[bflag:$0x3] =	sbarrier.arrive $0xFFFF;
	s2 =	simm.s32 @!p0 $0x1C05  }
0xab: {  	[timem:s3], [sflag:s2] =	dma.local @!p0 [hbm:s0], s1  }
0xac: {  	s0 =	simm.s32 @!p0 $0x5  }
0xad: {  	_ =	swait.ge @!p0 [sflag:s0], s1  }
0xae: {  	s1 =	ssub.s32 @!p0 $0x0, s1;
	[sflag:s0] =	ssyncset.done @!p0 $0x0  }
0xaf: {  	[sflag:s0] =	ssyncadd.s32 @!p0 s1  }
0xb0: {  	[bflag:$0x3] =	sbarrier.arrive $0xFFFF  }
0xb1: {  	_ =	shalt  }

// kernel: kernel.14.cloned.1.call-start
scs
__scs_entry_jumppad:
0x0: {  	(pc) =	sbr.rel $0x88, $3  }
0x1: {  	(tag) =	ssettag $0x0;
	lr =	simm.s32 $0x1  }
0x2: {  	[smem:$0x3F9B] =	sst lr;
	_ =	strace $0xD0000000  }
0x3: {  	_ = 	snop  }
0x4: {  	_ = 	snop  }
0x5: {  	_ = 	snop  }
0x6: {  	_ = 	snop  }
0x7: {  	_ = 	snop  }
__scs_overlays_trampoline_lowered:
0x8: {  	[smem:$0x3FAA] =	sst s0  }
0x9: {  	[smem:$0x3FAB] =	sst s1  }
0xa: {  	[smem:$0x3FAC] =	sst s2  }
0xb: {  	[smem:$0x3FAD] =	sst s3  }
0xc: {  	[smem:$0x3FAE] =	sst s4  }
0xd: {  	[smem:$0x3FAF] =	sst s5  }
0xe: {  	[smem:$0x3FB0] =	sst s6  }
0xf: {  	[smem:$0x3FB1] =	sst s7  }
0x10: {  	[smem:$0x3FB2] =	sst s8  }
0x11: {  	[smem:$0x3FB3] =	sst s9;
	s0 =	simm.s32 @!p0 $0x0  }
0x12: {  	s1 =	sld [smem:$0x3F99];
	s0 =	simm.s32 @p0 $0x1  }
0x13: {  	[smem:$0x3FB4] =	sst s0;
	s0 =	simm.s32 @!p1 $0x0  }
0x14: {  	s2 =	sld [smem:$0x3F98];
	s0 =	simm.s32 @p1 $0x1  }
0x15: {  	[smem:$0x3FB5] =	sst s0;
	s0 =	simm.s32 @!p2 $0x0  }
0x16: {  	s3 =	sld [smem:$0x3FDB];
	s0 =	simm.s32 @p2 $0x1  }
0x17: {  	s4 =	simm.s32 $0x1BF5;
	[smem:$0x3FB7] =	sst s0  }
0x18: {  	s0 =	sld [smem:$0x3F9A];
	_ =	swait.ge [sflag:s4], $0x0  }
0x19: {  	s7 =	sld [smem:$0x3F9B]  }
0x1a: {  	s8 =	sadd.s32 $0xFFFFE003, lr  }
0x1b: {  	s9 =	sadd.s32 $0xFFFFFEF7, lr;
	s5 =	simm.s32 $0xFFFFFFFF;
	p2 =	slt.u32 s8, $0xFFFFF086  }
0x1c: {  	p1 =	slt.u32 s9, $0xF7A;
	s5 =	simm.s32 @!p2 $0x0  }
0x1d: {  	s5 =	simm.s32 @p1 $0x1;
	p0 =	seq.s32 s7, s2  }
0x1e: {  	s7 =	smul.u32 @!p0 $0xF7A, s2;
	p2 =	seq.s32 @!p0 s5, $0x0  }
0x1f: {  	s9 =	smul.u32 $0xF7A, s1;
	s8 =	simm.s32 @!p0 $0x1BF5;
	p2 =	por !p2, p0  }
0x20: {  	[sflag:s8] =	ssyncset.s32 @!p0 $0xFFFFF086;
	s6 =	sadd.s32 @!p0 s3, s7;
	s7 =	simm.s32 @!p0 $0x108  }
0x21: {  	s3 =	sadd.s32 s3, s9;
	s6 =	sadd.s32 @!p0 $0x88, s6;
	s7 =	simm.s32 @p2 $0x1082  }
0x22: {  	[simem:s7], [sflag:s8] =	dma.local @!p0 [hbm:s6], $0xF7A  }
0x23: {  	s9 =	sor.u32 $0xD0000000, s2;
	s6 =	simm.s32 $0x108;
	_ =	swait.ge @!p0 [sflag:s8], $0x0  }
0x24: {  	s3 =	sadd.s32 $0x88, s3;
	s6 =	simm.s32 @!p1 $0x1082;
	[sflag:s4] =	ssyncset.s32 $0xFFFFF086  }
0x25: {  	[simem:s6], [sflag:s4] =	dma.local [hbm:s3], $0xF7A  }
0x26: {  	[smem:$0x3F9B] =	sst s1;
	(tag) =	ssettag s2;
	_ =	strace s9  }
0x27: {  	s1 =	sld [smem:$0x3FAB]  }
0x28: {  	s2 =	sld [smem:$0x3FAC]  }
0x29: {  	s4 =	sld [smem:$0x3FAE]  }
0x2a: {  	p0 =	seq.s32 s5, $0x0;
	s5 =	sld [smem:$0x3FAF]  }
0x2b: {  	s6 =	sld [smem:$0x3FB0]  }
0x2c: {  	s7 =	sld [smem:$0x3FB1]  }
0x2d: {  	s3 =	simm.s32 $0x108;
	s8 =	sld [smem:$0x3FB2]  }
0x2e: {  	s3 =	simm.s32 @!p0 $0x1082;
	s9 =	sld [smem:$0x3FB3]  }
0x2f: {  	lr =	sadd.s32 s0, s3;
	s0 =	sld [smem:$0x3FAA]  }
0x30: {  	s3 =	sld [smem:$0x3FAD]  }
0x31: {  	[smem:$0x3FB6] =	sst s10  }
0x32: {  	s10 =	sld [smem:$0x3FB4];
	_ =	sdelay $0x3  }
0x33: {  	p0 =	seq.s32 s10, $0x1;
	s10 =	sld [smem:$0x3FB6];
	_ =	sdelay $0x3  }
0x34: {  	[smem:$0x3FB6] =	sst s10  }
0x35: {  	s10 =	sld [smem:$0x3FB5];
	_ =	sdelay $0x3  }
0x36: {  	p1 =	seq.s32 s10, $0x1;
	s10 =	sld [smem:$0x3FB6];
	_ =	sdelay $0x3  }
0x37: {  	[smem:$0x3FB6] =	sst s10  }
0x38: {  	s10 =	sld [smem:$0x3FB7]  }
0x39: {  	_ = 	snop;
	(pc) =	sbr.ind lr, $3  }
0x3a: {  	_ = 	snop  }
0x3b: {  	_ = 	snop  }
0x3c: {  	p2 =	seq.s32 s10, $0x1;
	s10 =	sld [smem:$0x3FB6]  }
0x3d: {  	_ =	shalt  }
0x3e: {  	_ =	shalt  }
0x3f: {  	_ =	shalt  }
0x40: {  	_ =	shalt  }
0x41: {  	_ =	shalt  }
0x42: {  	_ =	shalt  }
0x43: {  	_ =	shalt  }
0x44: {  	_ =	shalt  }
0x45: {  	_ =	shalt  }
0x46: {  	_ =	shalt  }
0x47: {  	_ =	shalt  }
0x48: {  	_ =	shalt  }
0x49: {  	_ =	shalt  }
0x4a: {  	_ =	shalt  }
0x4b: {  	_ =	shalt  }
0x4c: {  	_ =	shalt  }
0x4d: {  	_ =	shalt  }
0x4e: {  	_ =	shalt  }
0x4f: {  	_ =	shalt  }
0x50: {  	_ =	shalt  }
0x51: {  	_ =	shalt  }
0x52: {  	_ =	shalt  }
0x53: {  	_ =	shalt  }
0x54: {  	_ =	shalt  }
0x55: {  	_ =	shalt  }
0x56: {  	_ =	shalt  }
0x57: {  	_ =	shalt  }
0x58: {  	_ =	shalt  }
0x59: {  	_ =	shalt  }
0x5a: {  	_ =	shalt  }
0x5b: {  	_ =	shalt  }
0x5c: {  	_ =	shalt  }
0x5d: {  	_ =	shalt  }
0x5e: {  	_ =	shalt  }
0x5f: {  	_ =	shalt  }
0x60: {  	_ =	shalt  }
0x61: {  	_ =	shalt  }
0x62: {  	_ =	shalt  }
0x63: {  	_ =	shalt  }
0x64: {  	_ =	shalt  }
0x65: {  	_ =	shalt  }
0x66: {  	_ =	shalt  }
0x67: {  	_ =	shalt  }
0x68: {  	_ =	shalt  }
0x69: {  	_ =	shalt  }
0x6a: {  	_ =	shalt  }
0x6b: {  	_ =	shalt  }
0x6c: {  	_ =	shalt  }
0x6d: {  	_ =	shalt  }
0x6e: {  	_ =	shalt  }
0x6f: {  	_ =	shalt  }
0x70: {  	_ =	shalt  }
0x71: {  	_ =	shalt  }
0x72: {  	_ =	shalt  }
0x73: {  	_ =	shalt  }
0x74: {  	_ =	shalt  }
0x75: {  	_ =	shalt  }
0x76: {  	_ =	shalt  }
0x77: {  	_ =	shalt  }
0x78: {  	_ =	shalt  }
0x79: {  	_ =	shalt  }
0x7a: {  	_ =	shalt  }
0x7b: {  	_ =	shalt  }
0x7c: {  	_ =	shalt  }
0x7d: {  	_ =	shalt  }
0x7e: {  	_ =	shalt  }
0x7f: {  	_ =	shalt  }
0x80: {  	_ =	shalt  }
0x81: {  	_ =	shalt  }
0x82: {  	_ =	shalt  }
0x83: {  	_ =	shalt  }
0x84: {  	_ =	shalt  }
0x85: {  	_ =	shalt  }
0x86: {  	_ =	shalt  }
0x87: {  	_ =	shalt  }
.Lfunc_end0:
.L_simem_size_0:
called_computation.2_lowered:
.L_overlay_start_0:
0x88: {  	s2 =	sld [smem:$0x3FD9]  }
0x89: {  	s3 =	sld [smem:$0x3FFE];
	_ =	sdelay $0x1  }
0x8a: {  	s1 =	srdreg.scid  }
0x8b: {  	s0 =	sand.u32 $0x1, s1  }
0x8c: {  	s17 =	sshll.u32 s0, $0xA;
	s2 =	sadd.s32 s3, s2  }
0x8d: {  	s2 =	sadd.s32 s2, s17  }
0x8e: {  	[smem:$0x3FC2] =	sst s2  }
0x8f: {  	_ = 	snop  }
0x90: {  	s2 =	sld [smem:$0x3FD0];
	(tm) =	ssettm $0x1  }
0x91: {  	s18 =	sld [smem:$0x3FFB];
	_ =	sdelay $0x3  }
0x92: {  	_ =	strace s18  }
0x93: {  	s3 =	sld [smem:$0x3FFC];
	_ =	sdelay $0x3  }
0x94: {  	_ =	strace s3  }
0x95: {  	s3 =	sld [smem:$0x3FFD];
	_ =	sdelay $0x3  }
0x96: {  	_ =	strace s3  }
0x97: {  	_ =	strace $0x8FFFFFFF  }
0x98: {  	s19 =	sld [smem:$0x3FDB];
	_ =	sdelay $0x1  }
0x99: {  	s4 =	simm.s32 $_scs_section_size  }
0x9a: {  	s5 =	simm.s32 $_size__tile_overlayer_lowered;
	s6 =	simm.s32 $_tile_overlayer_lowered  }
0x9b: {  	s22 =	simm.s32 $0x1BFF;
	s21 =	sshll.u32 s6, $0x1;
	s3 =	sadd.s32 s4, s19  }
0x9c: {  	s7 =	simm.s32 $0x0;
	s20 =	sshll.u32 s5, $0x1;
	s5 =	sadd.s32 s21, s3  }
0x9d: {  	[timem:s7], [sflag:s22] =	dma.local [hbm:s5], s20  }
0x9e: {  	_ =	swait.ge [sflag:s22], s20  }
0x9f: {  	s4 =	ssub.s32 $0x0, s20;
	[sflag:s22] =	ssyncset.done $0x0  }
0xa0: {  	[sflag:s22] =	ssyncadd.s32 s4;
	_ =	sdelay $0x1  }
0xa1: {  	s23 =	simm.s32 $0x1B8B  }
0xa2: {  	_ =	swait.ge [sflag:s23], $0x1  }
0xa3: {  	[sflag:s23] =	ssyncset.done $0x0  }
0xa4: {  	s25 =	simm.s32 $0x1B8E;
	s24 =	sld [smem:$0x3FFE];
	[sflag:s23] =	ssyncadd.s32 $0xFFFFFFFF  }
0xa5: {  	s26 =	simm.s32 $execute0_lowered;
	[smem:$0x3FD2] =	sst s25  }
0xa6: {  	s5 =	sshll.u32 s26, $0x1;
	_ =	strace $0x8000004C;
	[dreg:$0x1] =	wrdreg $0xFFFFFFFF  }
0xa7: {  	s28 =	simm.s32 $_size_execute0_lowered;
	s3 =	sadd.s32 s3, s5;
	[dreg:$0x0] =	wrdreg $0x0  }
0xa8: {  	s5 =	sshll.u32 s28, $0x1;
	[dreg:$0x2] =	wrdreg s3  }
0xa9: {  	[dreg:$0x3] =	wrdreg s5  }
0xaa: {  	[dreg:$0x4] =	wrdreg $0xC0  }
0xab: {  	_ =	task [dreg:s7], $0x5FFFF  }
0xac: {  	[dreg:$0x1] =	wrdreg $0xFFFFFFFF  }
0xad: {  	[dreg:$0x0] =	wrdreg $0x60  }
0xae: {  	[dreg:$0x2] =	wrdreg s24  }
0xaf: {  	[dreg:$0x3] =	wrdreg s2  }
0xb0: {  	[dreg:$0x4] =	wrdreg $0x90000  }
0xb1: {  	[dreg:$0x5] =	wrdreg $0x9  }
0xb2: {  	_ =	task.clear_ibuf [dreg:s7], $0x6FFFF;
	_ =	strace $0x9000004C  }
0xb3: {  	s29 =	simm.s32 $0x9;
	_ =	strace $0x8000004E  }
0xb4: {  	_ =	swait.ge [sflag:s29], $0x1  }
0xb5: {  	[sflag:s29] =	ssyncadd.s32 $0xFFFFFFFF  }
0xb6: {  	_ =	strace $0x9000004E  }
0xb7: {  	_ =	sfence  }
0xb8: {  	s30 =	sld [smem:$0x0];
	_ =	sdelay $0x2  }
0xb9: {  	s31 =	sshll.u32 s1, $0xD;
	s1 =	sshrl.u32 s1, $0x2  }
0xba: {  	s3 =	sand.u32 $0x4000, s31;
	s1 =	sadd.s32 s1, s30  }
0xbb: {  	s0 =	sor.u32 s3, s0;
	s1 =	sshll.u32 s1, $0x11  }
0xbc: {  	s0 =	sor.u32 s1, s0  }
0xbd: {  	s0 =	sadd.s32 $0x8F2B, s0  }
0xbe: {  	[sflag:s0] =	ssyncadd.remote.s32 $0x1  }
0xbf: {  	_ =	sfence.sel $0xFFFF  }
0xc0: {  	[dreg:$0x0] =	wrdreg $0xFFFFFFFF;
	(pc) =	sbr.abs _section_cstart, $3  }
0xc1: {  	[dreg:$0x1] =	wrdreg $0xFFFFFFFF  }
0xc2: {  	_ =	task.clear_ibuf [dreg:s7], $0x2FFFF;
	_ =	strace $0x9FFFFFFF  }
0xc3: {  	(tm) =	ssettm $0x7FFFFFFF  }
tec
execute0_lowered:
.L_overlay_start_1:
0x0: {  	(tag) =	ssettag $0x1  }
0x1: {  	s0 =	rddreg [dreg:$0x0]  }
0x2: {  	s1 =	rddreg [dreg:$0x1]  }
0x3: {  	s2 =	rddreg [dreg:$0x2]  }
0x4: {  	s4 =	simm.s32 $0x0;
	s10 =	stileid.u32;
	s3 =	srdreg.scid  }
0x5: {  	s11 =	simm.s32 $0x1C;
	s19 =	simm.s32 $0x5;
	s20 =	simm.s32 $0x80  }
0x6: {  	s28 =	simm.s32 $0x1;
	s29 =	simm.s32 $0x2;
	s30 =	simm.s32 $0x3  }
0x7: {  	s31 =	simm.s32 $0x4;
	[smem:$0x7FF] =	sst s4;
	s13 =	smul.u32 $0x2780, s10  }
0x8: {  	s3 =	sand.u32 $0x1, s3;
	s4 =	sadd.s32 $0x1B000, s0;
	s21 =	smul.u32 $0x30, s10  }
0x9: {  	s9 =	sadd.s32 $0x2600, s0;
	p0 =	seq.s32 s10, $0xF;
	s23 =	smul.u32 $0x3800, s10  }
0xa: {  	s22 =	sshll.u32 s10, $0x6;
	p2 =	sne.s32 s10, $0xF;
	s24 =	smul.u32 $0x700, s10  }
0xb: {  	_ =	strace $0x8000004D;
	s5 =	ssub.s32 $0x2, s3;
	p1 =	seq.s32 s3, $0x0  }
0xc: {  	s11 =	simm.s32 @!p0 $0x30;
	p6 =	seq.s32 s3, $0x1;
	s26 =	smul.u32 $0x27800, s3  }
0xd: {  	s6 =	sshrl.u32 s13, $0x3;
	s7 =	sshrl.u32 s5, $0x1;
	s8 =	sadd.s32 $0x6D8, s21  }
0xe: {  	s18 =	sadd.s32 s13, s2;
	p2 =	por !p2, !p6;
	s21 =	simm.s32 $0x7000  }
0xf: {  	s0 =	sadd.s32 s6, s0;
	s16 =	ssub.s32 s5, s7;
	s6 =	simm.s32 $0x48  }
0x10: {  	s7 =	smul.u32 $0x70, s10;
	s18 =	sshrl.u32 s18, $0x3;
	s6 =	simm.s32 @!p0 $0x70  }
0x11: {  	s5 =	sadd.s32 $0x16000, s0;
	s0 =	sshrl.u32 s23, $0x3;
	s16 =	smax.u32 s16, $0x1  }
0x12: {  	s11 =	smov.u32 @p1 s6;
	s8 =	smov.u32 @p1 s7;
	s6 =	sor.u32 $0x1C05, s22  }
0x13: {  	p1 =	por !p0, !p6;
	p0 =	por !p2, !p2;
	s7 =	sadd.s32 s9, s24  }
0x14: {  	s0 =	sadd.s32 s9, s0;
	p2 =	sne.s32 s3, $0x0;
	s22 =	simm.s32 $0x7800  }
0x15: {  	s24 =	simm.s32 $0x8000;
	p1 =	por !p1, !p1;
	s25 =	sshll.u32 s8, $0x4  }
0x16: {  	s8 =	sadd.s32 $0x9C40, s0;
	s17 =	sshrl.u32 s11, $0x2;
	s14 =	sshll.u32 s11, $0x7  }
0x17: {  	s0 =	sadd.s32 s13, s26;
	s26 =	simm.s32 $0x8800;
	s9 =	sadd.s32 s9, s25  }
0x18: {  	s11 =	sadd.s32 $0x3600, s14;
	s12 =	sadd.s32 $0x3680, s14;
	s13 =	sadd.s32 $0x3700, s14  }
0x19: {  	s14 =	sadd.s32 $0x3780, s14;
	s0 =	sshrl.u32 s0, $0x3;
	s17 =	sadd.s32 $0xFFFFFFFF, s17  }
0x1a: {  	s10 =	sadd.s32 $0x9C40, s9;
	s15 =	sadd.s32 s1, s0;
	s0 =	simm.s32 $0x0  }
.LBB2_1:
0x1b: {  	[spmem:s18], [sflag:s6] =	dma.local [hbm:s5], $0x4F0  }
0x1c: {  	_ =	swait.ge [sflag:s19], $0x4F0  }
0x1d: {  	[sflag:s19] =	ssyncset.done $0x0  }
0x1e: {  	s1 =	simm.s32 @!p2 $0x0;
	s3 =	simm.s32 @!p2 $0x5;
	[sflag:s19] =	ssyncadd.s32 $0xFFFFFB10  }
0x1f: {  	[tilespmem:s1], [sflag:$0x5] =	stream.linear.gather @!p2 [hbm4b:s7+s1], $0x3800, $0x38;
	[tilespmem:$0xB780] =	vst v63  }
0x20: {  	_ =	swait.ge @!p2 [sflag:s3], $0x3800  }
0x21: {  	[sflag:s3] =	ssyncset.done @!p2 $0x0  }
0x22: {  	s23 =	simm.s32 @!p2 $0x3800;
	[sflag:s3] =	ssyncadd.s32 @!p2 $0xFFFFC800  }
0x23: {  	[tilespmem:s23], [sflag:$0x5] =	stream.linear.gather @!p2 [hbm4b:s8+s1], $0x3800, $0x38;
	[tilespmem:$0xB780] =	vst v63  }
0x24: {  	_ =	swait.ge @!p2 [sflag:s3], $0x3800  }
0x25: {  	[sflag:s3] =	ssyncset.done @!p2 $0x0  }
0x26: {  	s1 =	simm.s32 @p0 $0x0;
	[sflag:s3] =	ssyncadd.s32 @!p2 $0xFFFFC800;
	s3 =	simm.s32 @p0 $0x5  }
0x27: {  	[tilespmem:s1], [sflag:$0x5] =	stream.linear.gather @p0 [hbm4b:s9+s1], $0x1800, $0x38;
	[tilespmem:$0xB780] =	vst v63  }
0x28: {  	_ =	swait.ge @p0 [sflag:s3], $0x1800  }
0x29: {  	[sflag:s3] =	ssyncset.done @p0 $0x0  }
0x2a: {  	s23 =	simm.s32 @p0 $0x3800;
	[sflag:s3] =	ssyncadd.s32 @p0 $0xFFFFE800  }
0x2b: {  	[tilespmem:s23], [sflag:$0x5] =	stream.linear.gather @p0 [hbm4b:s10+s1], $0x1800, $0x38;
	[tilespmem:$0xB780] =	vst v63  }
0x2c: {  	_ =	swait.ge @p0 [sflag:s3], $0x1800  }
0x2d: {  	[sflag:s3] =	ssyncset.done @p0 $0x0  }
0x2e: {  	s1 =	simm.s32 @p1 $0x0;
	[sflag:s3] =	ssyncadd.s32 @p0 $0xFFFFE800;
	s3 =	simm.s32 @p1 $0x5  }
0x2f: {  	[tilespmem:s1], [sflag:$0x5] =	stream.linear.gather @p1 [hbm4b:s9+s1], $0xE00, $0x38;
	[tilespmem:$0xB780] =	vst v63  }
0x30: {  	_ =	swait.ge @p1 [sflag:s3], $0xE00  }
0x31: {  	[sflag:s3] =	ssyncset.done @p1 $0x0  }
0x32: {  	s23 =	simm.s32 @p1 $0x3800;
	[sflag:s3] =	ssyncadd.s32 @p1 $0xFFFFF200  }
0x33: {  	[tilespmem:s23], [sflag:$0x5] =	stream.linear.gather @p1 [hbm4b:s10+s1], $0xE00, $0x38;
	[tilespmem:$0xB780] =	vst v63  }
0x34: {  	_ =	swait.ge @p1 [sflag:s3], $0xE00  }
0x35: {  	[sflag:s3] =	ssyncset.done @p1 $0x0  }
0x36: {  	[sflag:s3] =	ssyncadd.s32 @p1 $0xFFFFF200  }
0x37: {  	s25 =	simm.s32 $0x0;
	[bflag:$0x0] =	sbarrier.arrive $0xFFFF  }
0x38: {  	[tilespmem:s21], [sflag:$0x1] =	stream.indirect.gather [hbm4b:s4+s20], $0x10, s25, s20, $0xb8;
	[tilespmem:$0xB780] =	vst v63  }
0x39: {  	_ = 	snop  }
0x3a: {  	[tilespmem:s22], [sflag:$0x2] =	stream.indirect.gather [hbm4b:s4+s20], $0x10, s20, s20, $0xb8;
	[tilespmem:$0xB780] =	vst v63  }
0x3b: {  	s3 =	simm.s32 $0x100  }
0x3c: {  	[tilespmem:s24], [sflag:$0x3] =	stream.indirect.gather [hbm4b:s4+s20], $0x10, s3, s20, $0xb8;
	[tilespmem:$0xB780] =	vst v63  }
0x3d: {  	s23 =	simm.s32 $0x180  }
0x3e: {  	[tilespmem:s26], [sflag:$0x4] =	stream.indirect.gather [hbm4b:s4+s20], $0x10, s23, s20, $0xb8;
	[tilespmem:$0xB780] =	vst v63  }
0x3f: {  	_ =	swait.ge [sflag:s28], $0x800  }
0x40: {  	[sflag:s28] =	ssyncset.done $0x0  }
0x41: {  	s25 =	simm.s32 $0x3800;
	[sflag:s28] =	ssyncadd.s32 $0xFFFFF800  }
0x42: {  	[spmem:s2] =	stream.indirect.scatter.add.f32 [tilespmem:s21], [sflag:$0x5], $0x10, s25, s20, $0xb8;
	[tilespmem:$0xB780] =	vst v63  }
0x43: {  	_ =	swait.ge [sflag:s19], $0x800  }
0x44: {  	[sflag:s19] =	ssyncset.done $0x0  }
0x45: {  	s3 =	simm.s32 $0x200;
	[sflag:s19] =	ssyncadd.s32 $0xFFFFF800  }
0x46: {  	[tilespmem:s21], [sflag:$0x1] =	stream.indirect.gather [hbm4b:s4+s20], $0x10, s3, s20, $0xb8;
	[tilespmem:$0xB780] =	vst v63  }
0x47: {  	_ =	swait.ge [sflag:s29], $0x800  }
0x48: {  	[sflag:s29] =	ssyncset.done $0x0  }
0x49: {  	s23 =	simm.s32 $0x3880;
	[sflag:s29] =	ssyncadd.s32 $0xFFFFF800  }
0x4a: {  	[spmem:s2] =	stream.indirect.scatter.add.f32 [tilespmem:s22], [sflag:$0x5], $0x10, s23, s20, $0xb8;
	[tilespmem:$0xB780] =	vst v63  }
0x4b: {  	_ =	swait.ge [sflag:s19], $0x800  }
0x4c: {  	[sflag:s19] =	ssyncset.done $0x0  }
0x4d: {  	s25 =	simm.s32 $0x280;
	[sflag:s19] =	ssyncadd.s32 $0xFFFFF800  }
0x4e: {  	[tilespmem:s22], [sflag:$0x2] =	stream.indirect.gather [hbm4b:s4+s20], $0x10, s25, s20, $0xb8;
	[tilespmem:$0xB780] =	vst v63  }
0x4f: {  	_ =	swait.ge [sflag:s30], $0x800  }
0x50: {  	[sflag:s30] =	ssyncset.done $0x0  }
0x51: {  	s3 =	simm.s32 $0x3900;
	[sflag:s30] =	ssyncadd.s32 $0xFFFFF800  }
0x52: {  	[spmem:s2] =	stream.indirect.scatter.add.f32 [tilespmem:s24], [sflag:$0x5], $0x10, s3, s20, $0xb8;
	[tilespmem:$0xB780] =	vst v63  }
0x53: {  	_ =	swait.ge [sflag:s19], $0x800  }
0x54: {  	[sflag:s19] =	ssyncset.done $0x0  }
0x55: {  	s23 =	simm.s32 $0x300;
	[sflag:s19] =	ssyncadd.s32 $0xFFFFF800  }
0x56: {  	[tilespmem:s24], [sflag:$0x3] =	stream.indirect.gather [hbm4b:s4+s20], $0x10, s23, s20, $0xb8;
	[tilespmem:$0xB780] =	vst v63  }
0x57: {  	_ =	swait.ge [sflag:s31], $0x800  }
0x58: {  	p3 =	sne.s32 s17, $0x1;
	[sflag:s31] =	ssyncset.done $0x0  }
.Ltmp0:
0x59: {  	s25 =	simm.s32 $0x3980;
	[sflag:s31] =	ssyncadd.s32 $0xFFFFF800;
	(pc) =	sbr.rel @!p3 .LBB2_3-.Ltmp0, $4  }
0x5a: {  	[spmem:s2] =	stream.indirect.scatter.add.f32 [tilespmem:s26], [sflag:$0x5], $0x10, s25, s20, $0xb8;
	[tilespmem:$0xB780] =	vst v63  }
0x5b: {  	_ =	swait.ge [sflag:s19], $0x800  }
0x5c: {  	s1 =	sadd.s32 $0xFFFFFFFF, s17;
	[sflag:s19] =	ssyncset.done $0x0  }
0x5d: {  	s3 =	simm.s32 $0x800;
	s23 =	simm.s32 $0x380;
	[sflag:s19] =	ssyncadd.s32 $0xFFFFF800  }
.LBB2_2:
0x5e: {  	[tilespmem:s26], [sflag:$0x4] =	stream.indirect.gather [hbm4b:s4+s20], $0x10, s23, s20, $0xb8;
	[tilespmem:$0xB780] =	vst v63  }
0x5f: {  	p3 =	sne.s32 s1, $0x1;
	s1 =	sadd.s32 $0xFFFFFFFF, s1;
	_ =	swait.ge [sflag:s28], $0x800  }
0x60: {  	s23 =	sshra.s32 s3, $0x2;
	[sflag:s28] =	ssyncset.done $0x0  }
0x61: {  	s25 =	sadd.s32 $0x3800, s23;
	[sflag:s28] =	ssyncadd.s32 $0xFFFFF800  }
0x62: {  	[spmem:s2] =	stream.indirect.scatter.add.f32 [tilespmem:s21], [sflag:$0x5], $0x10, s25, s20, $0xb8;
	[tilespmem:$0xB780] =	vst v63  }
0x63: {  	_ =	swait.ge [sflag:s19], $0x800  }
0x64: {  	[sflag:s19] =	ssyncset.done $0x0  }
0x65: {  	s25 =	sadd.s32 $0x200, s23;
	[sflag:s19] =	ssyncadd.s32 $0xFFFFF800  }
0x66: {  	[tilespmem:s21], [sflag:$0x1] =	stream.indirect.gather [hbm4b:s4+s20], $0x10, s25, s20, $0xb8;
	[tilespmem:$0xB780] =	vst v63  }
0x67: {  	_ =	swait.ge [sflag:s29], $0x800  }
0x68: {  	[sflag:s29] =	ssyncset.done $0x0  }
0x69: {  	s25 =	sadd.s32 $0x3880, s23;
	[sflag:s29] =	ssyncadd.s32 $0xFFFFF800  }
0x6a: {  	[spmem:s2] =	stream.indirect.scatter.add.f32 [tilespmem:s22], [sflag:$0x5], $0x10, s25, s20, $0xb8;
	[tilespmem:$0xB780] =	vst v63  }
0x6b: {  	_ =	swait.ge [sflag:s19], $0x800  }
0x6c: {  	[sflag:s19] =	ssyncset.done $0x0  }
0x6d: {  	s25 =	sadd.s32 $0x280, s23;
	[sflag:s19] =	ssyncadd.s32 $0xFFFFF800  }
0x6e: {  	[tilespmem:s22], [sflag:$0x2] =	stream.indirect.gather [hbm4b:s4+s20], $0x10, s25, s20, $0xb8;
	[tilespmem:$0xB780] =	vst v63  }
0x6f: {  	_ =	swait.ge [sflag:s30], $0x800  }
0x70: {  	[sflag:s30] =	ssyncset.done $0x0  }
0x71: {  	s25 =	sadd.s32 $0x3900, s23;
	[sflag:s30] =	ssyncadd.s32 $0xFFFFF800  }
0x72: {  	[spmem:s2] =	stream.indirect.scatter.add.f32 [tilespmem:s24], [sflag:$0x5], $0x10, s25, s20, $0xb8;
	[tilespmem:$0xB780] =	vst v63  }
0x73: {  	_ =	swait.ge [sflag:s19], $0x800  }
0x74: {  	[sflag:s19] =	ssyncset.done $0x0  }
0x75: {  	s25 =	sadd.s32 $0x300, s23;
	[sflag:s19] =	ssyncadd.s32 $0xFFFFF800  }
0x76: {  	[tilespmem:s24], [sflag:$0x3] =	stream.indirect.gather [hbm4b:s4+s20], $0x10, s25, s20, $0xb8;
	[tilespmem:$0xB780] =	vst v63  }
0x77: {  	_ =	swait.ge [sflag:s31], $0x800  }
0x78: {  	[sflag:s31] =	ssyncset.done $0x0  }
.Ltmp1:
0x79: {  	s25 =	sadd.s32 $0x3980, s23;
	[sflag:s31] =	ssyncadd.s32 $0xFFFFF800;
	(pc) =	sbr.rel @p3 .LBB2_2-.Ltmp1, $4  }
0x7a: {  	[spmem:s2] =	stream.indirect.scatter.add.f32 [tilespmem:s26], [sflag:$0x5], $0x10, s25, s20, $0xb8;
	[tilespmem:$0xB780] =	vst v63  }
0x7b: {  	_ =	swait.ge [sflag:s19], $0x800  }
0x7c: {  	[sflag:s19] =	ssyncset.done $0x0  }
0x7d: {  	s3 =	sadd.s32 $0x800, s3;
	s23 =	sadd.s32 $0x380, s23;
	[sflag:s19] =	ssyncadd.s32 $0xFFFFF800  }
.LBB2_3:
0x7e: {  	[tilespmem:s26], [sflag:$0x4] =	stream.indirect.gather [hbm4b:s4+s20], $0x10, s23, s20, $0xb8;
	[tilespmem:$0xB780] =	vst v63  }
0x7f: {  	_ =	swait.ge [sflag:s28], $0x800  }
0x80: {  	[sflag:s28] =	ssyncset.done $0x0  }
0x81: {  	[sflag:s28] =	ssyncadd.s32 $0xFFFFF800  }
0x82: {  	[spmem:s2] =	stream.indirect.scatter.add.f32 [tilespmem:s21], [sflag:$0x5], $0x10, s11, s20, $0xb8;
	[tilespmem:$0xB780] =	vst v63  }
0x83: {  	_ =	swait.ge [sflag:s19], $0x800  }
0x84: {  	[sflag:s19] =	ssyncset.done $0x0  }
0x85: {  	[sflag:s19] =	ssyncadd.s32 $0xFFFFF800  }
0x86: {  	_ =	swait.ge [sflag:s29], $0x800  }
0x87: {  	[sflag:s29] =	ssyncset.done $0x0  }
0x88: {  	[sflag:s29] =	ssyncadd.s32 $0xFFFFF800  }
0x89: {  	[spmem:s2] =	stream.indirect.scatter.add.f32 [tilespmem:s22], [sflag:$0x5], $0x10, s12, s20, $0xb8;
	[tilespmem:$0xB780] =	vst v63  }
0x8a: {  	_ =	swait.ge [sflag:s19], $0x800  }
0x8b: {  	[sflag:s19] =	ssyncset.done $0x0  }
0x8c: {  	[sflag:s19] =	ssyncadd.s32 $0xFFFFF800  }
0x8d: {  	_ =	swait.ge [sflag:s30], $0x800  }
0x8e: {  	[sflag:s30] =	ssyncset.done $0x0  }
0x8f: {  	[sflag:s30] =	ssyncadd.s32 $0xFFFFF800  }
0x90: {  	[spmem:s2] =	stream.indirect.scatter.add.f32 [tilespmem:s24], [sflag:$0x5], $0x10, s13, s20, $0xb8;
	[tilespmem:$0xB780] =	vst v63  }
0x91: {  	_ =	swait.ge [sflag:s19], $0x800  }
0x92: {  	[sflag:s19] =	ssyncset.done $0x0  }
0x93: {  	[sflag:s19] =	ssyncadd.s32 $0xFFFFF800  }
0x94: {  	_ =	swait.ge [sflag:s31], $0x800  }
0x95: {  	[sflag:s31] =	ssyncset.done $0x0  }
0x96: {  	[sflag:s31] =	ssyncadd.s32 $0xFFFFF800  }
0x97: {  	[spmem:s2] =	stream.indirect.scatter.add.f32 [tilespmem:s26], [sflag:$0x5], $0x10, s14, s20, $0xb8;
	[tilespmem:$0xB780] =	vst v63  }
0x98: {  	_ =	swait.ge [sflag:s19], $0x800  }
0x99: {  	s0 =	sadd.s32 $0x1, s0;
	[sflag:s19] =	ssyncset.done $0x0  }
0x9a: {  	p3 =	sne.s32 s0, s16;
	[sflag:s19] =	ssyncadd.s32 $0xFFFFF800  }
.Ltmp2:
0x9b: {  	[bflag:$0x0] =	sbarrier.arrive $0xFFFF;
	(pc) =	sbr.rel @p3 .LBB2_1-.Ltmp2, $4  }
0x9c: {  	[hbm:s15], [sflag:s6] =	dma.local [spmem:s18], $0x4F0  }
0x9d: {  	_ =	swait.ge [sflag:s19], $0x4F0  }
0x9e: {  	[sflag:s19] =	ssyncset.done $0x0  }
0x9f: {  	[sflag:s19] =	ssyncadd.s32 $0xFFFFFB10  }
0xa0: {  	_ =	sfence.sel $0x180000  }
0xa1: {  	[bflag:$0x0] =	sbarrier.arrive $0xFFFF  }
0xa2: {  	_ =	strace $0x9000004D  }
0xa3: {  	s0 =	stileid.u32;
	[bflag:$0x2] =	sbarrier.arrive $0xFFFF  }
0xa4: {  	p0 =	sne.s32 s0, $0x0;
	s0 =	rddreg [dreg:$0x3]  }
0xa5: {  	s0 =	sadd.s32 @!p0 $0x100000, s0  }
0xa6: {  	[sflag:s0] =	ssyncadd.tile.s32 @!p0 $0x1;
	_ =	shalt  }
.Lfunc_end2:
_tile_overlayer_lowered:
.L_overlay_start_2:
0xa7: {  	(tag) =	ssettag $0x2  }
0xa8: {  	s0 =	rddreg [dreg:$0x0];
	s2 =	stileid.u32  }
0xa9: {  	s1 =	rddreg [dreg:$0x1];
	p0 =	sne.s32 s2, $0x0  }
0xaa: {  	s3 =	rddreg [dreg:$0x2];
	[bflag:$0x3] =	sbarrier.arrive $0xFFFF;
	s2 =	simm.s32 @!p0 $0x1C05  }
0xab: {  	[timem:s3], [sflag:s2] =	dma.local @!p0 [hbm:s0], s1  }
0xac: {  	s0 =	simm.s32 @!p0 $0x5  }
0xad: {  	_ =	swait.ge @!p0 [sflag:s0], s1  }
0xae: {  	s1 =	ssub.s32 @!p0 $0x0, s1;
	[sflag:s0] =	ssyncset.done @!p0 $0x0  }
0xaf: {  	[sflag:s0] =	ssyncadd.s32 @!p0 s1  }
0xb0: {  	[bflag:$0x3] =	sbarrier.arrive $0xFFFF  }
0xb1: {  	_ =	shalt  }

// kernel: kernel.8.cloned.1.call-start
scs
__scs_entry_jumppad:
0x0: {  	(pc) =	sbr.rel $0x88, $3  }
0x1: {  	(tag) =	ssettag $0x0;
	lr =	simm.s32 $0x1  }
0x2: {  	[smem:$0x3F9B] =	sst lr;
	_ =	strace $0xD0000000  }
0x3: {  	_ = 	snop  }
0x4: {  	_ = 	snop  }
0x5: {  	_ = 	snop  }
0x6: {  	_ = 	snop  }
0x7: {  	_ = 	snop  }
__scs_overlays_trampoline_lowered:
0x8: {  	[smem:$0x3FAA] =	sst s0  }
0x9: {  	[smem:$0x3FAB] =	sst s1  }
0xa: {  	[smem:$0x3FAC] =	sst s2  }
0xb: {  	[smem:$0x3FAD] =	sst s3  }
0xc: {  	[smem:$0x3FAE] =	sst s4  }
0xd: {  	[smem:$0x3FAF] =	sst s5  }
0xe: {  	[smem:$0x3FB0] =	sst s6  }
0xf: {  	[smem:$0x3FB1] =	sst s7  }
0x10: {  	[smem:$0x3FB2] =	sst s8  }
0x11: {  	[smem:$0x3FB3] =	sst s9;
	s0 =	simm.s32 @!p0 $0x0  }
0x12: {  	s1 =	sld [smem:$0x3F99];
	s0 =	simm.s32 @p0 $0x1  }
0x13: {  	[smem:$0x3FB4] =	sst s0;
	s0 =	simm.s32 @!p1 $0x0  }
0x14: {  	s2 =	sld [smem:$0x3F98];
	s0 =	simm.s32 @p1 $0x1  }
0x15: {  	[smem:$0x3FB5] =	sst s0;
	s0 =	simm.s32 @!p2 $0x0  }
0x16: {  	s3 =	sld [smem:$0x3FDB];
	s0 =	simm.s32 @p2 $0x1  }
0x17: {  	s4 =	simm.s32 $0x1BF5;
	[smem:$0x3FB7] =	sst s0  }
0x18: {  	s0 =	sld [smem:$0x3F9A];
	_ =	swait.ge [sflag:s4], $0x0  }
0x19: {  	s7 =	sld [smem:$0x3F9B]  }
0x1a: {  	s8 =	sadd.s32 $0xFFFFE003, lr  }
0x1b: {  	s9 =	sadd.s32 $0xFFFFFEF7, lr;
	s5 =	simm.s32 $0xFFFFFFFF;
	p2 =	slt.u32 s8, $0xFFFFF086  }
0x1c: {  	p1 =	slt.u32 s9, $0xF7A;
	s5 =	simm.s32 @!p2 $0x0  }
0x1d: {  	s5 =	simm.s32 @p1 $0x1;
	p0 =	seq.s32 s7, s2  }
0x1e: {  	s7 =	smul.u32 @!p0 $0xF7A, s2;
	p2 =	seq.s32 @!p0 s5, $0x0  }
0x1f: {  	s9 =	smul.u32 $0xF7A, s1;
	s8 =	simm.s32 @!p0 $0x1BF5;
	p2 =	por !p2, p0  }
0x20: {  	[sflag:s8] =	ssyncset.s32 @!p0 $0xFFFFF086;
	s6 =	sadd.s32 @!p0 s3, s7;
	s7 =	simm.s32 @!p0 $0x108  }
0x21: {  	s3 =	sadd.s32 s3, s9;
	s6 =	sadd.s32 @!p0 $0x88, s6;
	s7 =	simm.s32 @p2 $0x1082  }
0x22: {  	[simem:s7], [sflag:s8] =	dma.local @!p0 [hbm:s6], $0xF7A  }
0x23: {  	s9 =	sor.u32 $0xD0000000, s2;
	s6 =	simm.s32 $0x108;
	_ =	swait.ge @!p0 [sflag:s8], $0x0  }
0x24: {  	s3 =	sadd.s32 $0x88, s3;
	s6 =	simm.s32 @!p1 $0x1082;
	[sflag:s4] =	ssyncset.s32 $0xFFFFF086  }
0x25: {  	[simem:s6], [sflag:s4] =	dma.local [hbm:s3], $0xF7A  }
0x26: {  	[smem:$0x3F9B] =	sst s1;
	(tag) =	ssettag s2;
	_ =	strace s9  }
0x27: {  	s1 =	sld [smem:$0x3FAB]  }
0x28: {  	s2 =	sld [smem:$0x3FAC]  }
0x29: {  	s4 =	sld [smem:$0x3FAE]  }
0x2a: {  	p0 =	seq.s32 s5, $0x0;
	s5 =	sld [smem:$0x3FAF]  }
0x2b: {  	s6 =	sld [smem:$0x3FB0]  }
0x2c: {  	s7 =	sld [smem:$0x3FB1]  }
0x2d: {  	s3 =	simm.s32 $0x108;
	s8 =	sld [smem:$0x3FB2]  }
0x2e: {  	s3 =	simm.s32 @!p0 $0x1082;
	s9 =	sld [smem:$0x3FB3]  }
0x2f: {  	lr =	sadd.s32 s0, s3;
	s0 =	sld [smem:$0x3FAA]  }
0x30: {  	s3 =	sld [smem:$0x3FAD]  }
0x31: {  	[smem:$0x3FB6] =	sst s10  }
0x32: {  	s10 =	sld [smem:$0x3FB4];
	_ =	sdelay $0x3  }
0x33: {  	p0 =	seq.s32 s10, $0x1;
	s10 =	sld [smem:$0x3FB6];
	_ =	sdelay $0x3  }
0x34: {  	[smem:$0x3FB6] =	sst s10  }
0x35: {  	s10 =	sld [smem:$0x3FB5];
	_ =	sdelay $0x3  }
0x36: {  	p1 =	seq.s32 s10, $0x1;
	s10 =	sld [smem:$0x3FB6];
	_ =	sdelay $0x3  }
0x37: {  	[smem:$0x3FB6] =	sst s10  }
0x38: {  	s10 =	sld [smem:$0x3FB7]  }
0x39: {  	_ = 	snop;
	(pc) =	sbr.ind lr, $3  }
0x3a: {  	_ = 	snop  }
0x3b: {  	_ = 	snop  }
0x3c: {  	p2 =	seq.s32 s10, $0x1;
	s10 =	sld [smem:$0x3FB6]  }
0x3d: {  	_ =	shalt  }
0x3e: {  	_ =	shalt  }
0x3f: {  	_ =	shalt  }
0x40: {  	_ =	shalt  }
0x41: {  	_ =	shalt  }
0x42: {  	_ =	shalt  }
0x43: {  	_ =	shalt  }
0x44: {  	_ =	shalt  }
0x45: {  	_ =	shalt  }
0x46: {  	_ =	shalt  }
0x47: {  	_ =	shalt  }
0x48: {  	_ =	shalt  }
0x49: {  	_ =	shalt  }
0x4a: {  	_ =	shalt  }
0x4b: {  	_ =	shalt  }
0x4c: {  	_ =	shalt  }
0x4d: {  	_ =	shalt  }
0x4e: {  	_ =	shalt  }
0x4f: {  	_ =	shalt  }
0x50: {  	_ =	shalt  }
0x51: {  	_ =	shalt  }
0x52: {  	_ =	shalt  }
0x53: {  	_ =	shalt  }
0x54: {  	_ =	shalt  }
0x55: {  	_ =	shalt  }
0x56: {  	_ =	shalt  }
0x57: {  	_ =	shalt  }
0x58: {  	_ =	shalt  }
0x59: {  	_ =	shalt  }
0x5a: {  	_ =	shalt  }
0x5b: {  	_ =	shalt  }
0x5c: {  	_ =	shalt  }
0x5d: {  	_ =	shalt  }
0x5e: {  	_ =	shalt  }
0x5f: {  	_ =	shalt  }
0x60: {  	_ =	shalt  }
0x61: {  	_ =	shalt  }
0x62: {  	_ =	shalt  }
0x63: {  	_ =	shalt  }
0x64: {  	_ =	shalt  }
0x65: {  	_ =	shalt  }
0x66: {  	_ =	shalt  }
0x67: {  	_ =	shalt  }
0x68: {  	_ =	shalt  }
0x69: {  	_ =	shalt  }
0x6a: {  	_ =	shalt  }
0x6b: {  	_ =	shalt  }
0x6c: {  	_ =	shalt  }
0x6d: {  	_ =	shalt  }
0x6e: {  	_ =	shalt  }
0x6f: {  	_ =	shalt  }
0x70: {  	_ =	shalt  }
0x71: {  	_ =	shalt  }
0x72: {  	_ =	shalt  }
0x73: {  	_ =	shalt  }
0x74: {  	_ =	shalt  }
0x75: {  	_ =	shalt  }
0x76: {  	_ =	shalt  }
0x77: {  	_ =	shalt  }
0x78: {  	_ =	shalt  }
0x79: {  	_ =	shalt  }
0x7a: {  	_ =	shalt  }
0x7b: {  	_ =	shalt  }
0x7c: {  	_ =	shalt  }
0x7d: {  	_ =	shalt  }
0x7e: {  	_ =	shalt  }
0x7f: {  	_ =	shalt  }
0x80: {  	_ =	shalt  }
0x81: {  	_ =	shalt  }
0x82: {  	_ =	shalt  }
0x83: {  	_ =	shalt  }
0x84: {  	_ =	shalt  }
0x85: {  	_ =	shalt  }
0x86: {  	_ =	shalt  }
0x87: {  	_ =	shalt  }
.Lfunc_end0:
.L_simem_size_0:
called_computation_lowered:
.L_overlay_start_0:
0x88: {  	s2 =	sld [smem:$0x3FD9]  }
0x89: {  	s3 =	sld [smem:$0x3FFE];
	_ =	sdelay $0x1  }
0x8a: {  	s1 =	srdreg.scid  }
0x8b: {  	s0 =	sand.u32 $0x1, s1  }
0x8c: {  	s17 =	sshll.u32 s0, $0xA;
	s2 =	sadd.s32 s3, s2  }
0x8d: {  	s2 =	sadd.s32 s2, s17  }
0x8e: {  	[smem:$0x3FC2] =	sst s2  }
0x8f: {  	_ = 	snop  }
0x90: {  	s2 =	sld [smem:$0x3FD0];
	(tm) =	ssettm $0x1  }
0x91: {  	s18 =	sld [smem:$0x3FFB];
	_ =	sdelay $0x3  }
0x92: {  	_ =	strace s18  }
0x93: {  	s3 =	sld [smem:$0x3FFC];
	_ =	sdelay $0x3  }
0x94: {  	_ =	strace s3  }
0x95: {  	s3 =	sld [smem:$0x3FFD];
	_ =	sdelay $0x3  }
0x96: {  	_ =	strace s3  }
0x97: {  	_ =	strace $0x8FFFFFFF  }
0x98: {  	s19 =	sld [smem:$0x3FDB];
	_ =	sdelay $0x1  }
0x99: {  	s4 =	simm.s32 $_scs_section_size  }
0x9a: {  	s5 =	simm.s32 $_size__tile_overlayer_lowered;
	s6 =	simm.s32 $_tile_overlayer_lowered  }
0x9b: {  	s22 =	simm.s32 $0x1BFF;
	s21 =	sshll.u32 s6, $0x1;
	s3 =	sadd.s32 s4, s19  }
0x9c: {  	s7 =	simm.s32 $0x0;
	s20 =	sshll.u32 s5, $0x1;
	s5 =	sadd.s32 s21, s3  }
0x9d: {  	[timem:s7], [sflag:s22] =	dma.local [hbm:s5], s20  }
0x9e: {  	_ =	swait.ge [sflag:s22], s20  }
0x9f: {  	s4 =	ssub.s32 $0x0, s20;
	[sflag:s22] =	ssyncset.done $0x0  }
0xa0: {  	[sflag:s22] =	ssyncadd.s32 s4;
	_ =	sdelay $0x1  }
0xa1: {  	s23 =	simm.s32 $0x1B8B  }
0xa2: {  	_ =	swait.ge [sflag:s23], $0x1  }
0xa3: {  	[sflag:s23] =	ssyncset.done $0x0  }
0xa4: {  	s25 =	simm.s32 $0x1B8E;
	s24 =	sld [smem:$0x3FFE];
	[sflag:s23] =	ssyncadd.s32 $0xFFFFFFFF  }
0xa5: {  	s26 =	simm.s32 $execute0_lowered;
	[smem:$0x3FD2] =	sst s25  }
0xa6: {  	s5 =	sshll.u32 s26, $0x1;
	_ =	strace $0x80000046;
	[dreg:$0x1] =	wrdreg $0xFFFFFFFF  }
0xa7: {  	s28 =	simm.s32 $_size_execute0_lowered;
	s3 =	sadd.s32 s3, s5;
	[dreg:$0x0] =	wrdreg $0x0  }
0xa8: {  	s5 =	sshll.u32 s28, $0x1;
	[dreg:$0x2] =	wrdreg s3  }
0xa9: {  	[dreg:$0x3] =	wrdreg s5  }
0xaa: {  	[dreg:$0x4] =	wrdreg $0xC0  }
0xab: {  	_ =	task [dreg:s7], $0x5FFFF  }
0xac: {  	[dreg:$0x1] =	wrdreg $0xFFFFFFFF  }
0xad: {  	[dreg:$0x0] =	wrdreg $0x60  }
0xae: {  	[dreg:$0x2] =	wrdreg s24  }
0xaf: {  	[dreg:$0x3] =	wrdreg s2  }
0xb0: {  	[dreg:$0x4] =	wrdreg $0x30000  }
0xb1: {  	[dreg:$0x5] =	wrdreg $0x9  }
0xb2: {  	_ =	task.clear_ibuf [dreg:s7], $0x6FFFF;
	_ =	strace $0x90000046  }
0xb3: {  	s29 =	simm.s32 $0x9;
	_ =	strace $0x80000048  }
0xb4: {  	_ =	swait.ge [sflag:s29], $0x1  }
0xb5: {  	[sflag:s29] =	ssyncadd.s32 $0xFFFFFFFF  }
0xb6: {  	_ =	strace $0x90000048  }
0xb7: {  	_ =	sfence  }
0xb8: {  	s30 =	sld [smem:$0x0];
	_ =	sdelay $0x2  }
0xb9: {  	s31 =	sshll.u32 s1, $0xD;
	s1 =	sshrl.u32 s1, $0x2  }
0xba: {  	s3 =	sand.u32 $0x4000, s31;
	s1 =	sadd.s32 s1, s30  }
0xbb: {  	s0 =	sor.u32 s3, s0;
	s1 =	sshll.u32 s1, $0x11  }
0xbc: {  	s0 =	sor.u32 s1, s0  }
0xbd: {  	s0 =	sadd.s32 $0x8F2B, s0  }
0xbe: {  	[sflag:s0] =	ssyncadd.remote.s32 $0x1  }
0xbf: {  	_ =	sfence.sel $0xFFFF  }
0xc0: {  	[dreg:$0x0] =	wrdreg $0xFFFFFFFF;
	(pc) =	sbr.abs _section_cstart, $3  }
0xc1: {  	[dreg:$0x1] =	wrdreg $0xFFFFFFFF  }
0xc2: {  	_ =	task.clear_ibuf [dreg:s7], $0x2FFFF;
	_ =	strace $0x9FFFFFFF  }
0xc3: {  	(tm) =	ssettm $0x7FFFFFFF  }
tec
execute0_lowered:
.L_overlay_start_1:
0x0: {  	(tag) =	ssettag $0x1  }
0x1: {  	s6 =	rddreg [dreg:$0x0]  }
0x2: {  	s2 =	rddreg [dreg:$0x1]  }
0x3: {  	s3 =	rddreg [dreg:$0x2]  }
0x4: {  	s0 =	rddreg [dreg:$0x3]  }
0x5: {  	s1 =	stileid.u32;
	s4 =	simm.s32 $0x0;
	s5 =	srdreg.scid  }
0x6: {  	s13 =	simm.s32 $0x38;
	s7 =	smul.u32 $0x500, s1;
	[smem:$0x7FF] =	sst s4  }
0x7: {  	s8 =	sand.u32 $0x1, s5;
	s9 =	smul.u32 $0x2780, s1;
	p1 =	seq.s32 s1, $0xF  }
0x8: {  	s31 =	sshll.u32 s1, $0x6;
	p0 =	seq.s32 s8, $0x0;
	s10 =	smul.u32 $0x27800, s8  }
0x9: {  	_ =	strace $0x80000047;
	s12 =	ssub.s32 $0x2, s8;
	s13 =	simm.s32 @!p1 $0x50  }
0xa: {  	p6 =	seq.s32 s8, $0x1;
	s5 =	sadd.s32 $0x4E80, s7;
	s26 =	sshrl.u32 s9, $0x3  }
0xb: {  	s14 =	sshrl.u32 s12, $0x1;
	s30 =	sadd.s32 s9, s3;
	s5 =	smov.u32 @p0 s7  }
0xc: {  	s28 =	sadd.s32 s9, s10;
	s29 =	sadd.s32 s26, s6;
	s12 =	ssub.s32 s12, s14  }
0xd: {  	s14 =	simm.s32 $0x80;
	s11 =	sadd.s32 s5, s6;
	s7 =	sshrl.u32 s28, $0x3  }
0xe: {  	s5 =	simm.s32 $0x2C;
	s10 =	smax.u32 s12, $0x1;
	s12 =	simm.s32 $0x1  }
0xf: {  	s5 =	simm.s32 @!p1 $0x50;
	s15 =	sadd.s32 s7, s6;
	s6 =	sadd.s32 $0x16000, s29  }
0x10: {  	s7 =	sor.u32 $0x1C01, s31;
	s8 =	sadd.s32 $0xC240, s11;
	s11 =	sshrl.u32 s30, $0x3  }
0x11: {  	s5 =	smov.u32 @p0 s13;
	p0 =	por !p1, !p6;
	s9 =	sadd.s32 $0x1B000, s15  }
0x12: {  	s13 =	simm.s32 $0x2800;
	s15 =	simm.s32 $0x0;
	p0 =	por !p0, !p0  }
.LBB2_1:
0x13: {  	[spmem:s11], [sflag:s7] =	dma.local [hbm:s6], $0x4F0  }
0x14: {  	_ =	swait.ge [sflag:s12], $0x4F0  }
0x15: {  	[sflag:s12] =	ssyncset.done $0x0  }
0x16: {  	[sflag:s12] =	ssyncadd.s32 $0xFFFFFB10  }
0x17: {  	[tilespmem:s13], [sflag:$0x1] =	stream.linear.gather [hbm4b:s2+s4], $0x800, $0x38;
	[tilespmem:$0x5780] =	vst v63  }
0x18: {  	_ =	swait.ge [sflag:s12], $0x800  }
0x19: {  	[sflag:s12] =	ssyncset.done $0x0  }
0x1a: {  	s16 =	simm.s32 @!p0 $0x0;
	[sflag:s12] =	ssyncadd.s32 $0xFFFFF800  }
0x1b: {  	[tilespmem:s16], [sflag:$0x1] =	stream.linear.gather @!p0 [hbm4b:s8+s16], $0x2800, $0x38;
	[tilespmem:$0x5780] =	vst v63  }
0x1c: {  	s16 =	simm.s32 @!p0 $0x1  }
0x1d: {  	_ =	swait.ge @!p0 [sflag:s16], $0x2800  }
0x1e: {  	[sflag:s16] =	ssyncset.done @!p0 $0x0  }
0x1f: {  	[sflag:s16] =	ssyncadd.s32 @!p0 $0xFFFFD800;
	s16 =	simm.s32 @p0 $0x0  }
0x20: {  	[tilespmem:s16], [sflag:$0x1] =	stream.linear.gather @p0 [hbm4b:s8+s16], $0x1600, $0x38;
	[tilespmem:$0x5780] =	vst v63  }
0x21: {  	s16 =	simm.s32 @p0 $0x1  }
0x22: {  	_ =	swait.ge @p0 [sflag:s16], $0x1600  }
0x23: {  	p1 =	sne.s32 s5, $0x1;
	[sflag:s16] =	ssyncset.done @p0 $0x0  }
.Ltmp0:
0x24: {  	[sflag:s16] =	ssyncadd.s32 @p0 $0xFFFFEA00;
	(pc) =	sbr.rel @!p1 .LBB2_3-.Ltmp0, $4  }
0x25: {  	[bflag:$0x0] =	sbarrier.arrive $0xFFFF  }
0x26: {  	[spmem:s3] =	stream.indirect.scatter.add.f32 [tilespmem:s13], [sflag:$0x1], $0x10, s4, s14, $0xb8;
	[tilespmem:$0x5780] =	vst v63  }
0x27: {  	_ =	swait.ge [sflag:s12], $0x800  }
0x28: {  	s17 =	simm.s32 $0x0;
	s16 =	sadd.s32 $0xFFFFFFFF, s5;
	[sflag:s12] =	ssyncset.done $0x0  }
.LBB2_2:
0x29: {  	p1 =	sne.s32 s16, $0x1;
	[sflag:s12] =	ssyncadd.s32 $0xFFFFF800;
	s17 =	sadd.s32 $0x80, s17  }
.Ltmp1:
0x2a: {  	s16 =	sadd.s32 $0xFFFFFFFF, s16;
	(pc) =	sbr.rel @p1 .LBB2_2-.Ltmp1, $4  }
0x2b: {  	_ = 	snop  }
0x2c: {  	[spmem:s3] =	stream.indirect.scatter.add.f32 [tilespmem:s13], [sflag:$0x1], $0x10, s17, s14, $0xb8;
	[tilespmem:$0x5780] =	vst v63  }
0x2d: {  	_ =	swait.ge [sflag:s12], $0x800  }
0x2e: {  	[sflag:s12] =	ssyncset.done $0x0  }
.LBB2_3:
0x2f: {  	s15 =	sadd.s32 $0x1, s15  }
0x30: {  	[sflag:s12] =	ssyncadd.s32 $0xFFFFF800;
	p1 =	sne.s32 s15, s10  }
.Ltmp2:
0x31: {  	[bflag:$0x0] =	sbarrier.arrive $0xFFFF;
	(pc) =	sbr.rel @p1 .LBB2_1-.Ltmp2, $4  }
0x32: {  	[hbm:s9], [sflag:s7] =	dma.local [spmem:s11], $0x4F0  }
0x33: {  	_ =	swait.ge [sflag:s12], $0x4F0  }
0x34: {  	[sflag:s12] =	ssyncset.done $0x0  }
0x35: {  	[sflag:s12] =	ssyncadd.s32 $0xFFFFFB10  }
0x36: {  	_ =	sfence.sel $0x180000  }
0x37: {  	[bflag:$0x0] =	sbarrier.arrive $0xFFFF  }
0x38: {  	p0 =	sne.s32 s1, $0x0;
	_ =	strace $0x90000047  }
0x39: {  	s0 =	sadd.s32 @!p0 $0x100000, s0;
	[bflag:$0x2] =	sbarrier.arrive $0xFFFF  }
0x3a: {  	[sflag:s0] =	ssyncadd.tile.s32 @!p0 $0x1;
	_ =	shalt  }
.Lfunc_end2:
_tile_overlayer_lowered:
.L_overlay_start_2:
0x3b: {  	(tag) =	ssettag $0x2  }
0x3c: {  	s0 =	rddreg [dreg:$0x0];
	s2 =	stileid.u32  }
0x3d: {  	s1 =	rddreg [dreg:$0x1];
	p0 =	sne.s32 s2, $0x0  }
0x3e: {  	s3 =	rddreg [dreg:$0x2];
	[bflag:$0x3] =	sbarrier.arrive $0xFFFF;
	s2 =	simm.s32 @!p0 $0x1C01  }
0x3f: {  	[timem:s3], [sflag:s2] =	dma.local @!p0 [hbm:s0], s1  }
0x40: {  	s0 =	simm.s32 @!p0 $0x1  }
0x41: {  	_ =	swait.ge @!p0 [sflag:s0], s1  }
0x42: {  	s1 =	ssub.s32 @!p0 $0x0, s1;
	[sflag:s0] =	ssyncset.done @!p0 $0x0  }
0x43: {  	[sflag:s0] =	ssyncadd.s32 @!p0 s1  }
0x44: {  	[bflag:$0x3] =	sbarrier.arrive $0xFFFF  }
0x45: {  	_ =	shalt  }

</sc_bundles>
